<compile_context>
chip_gen: v7x
topology: tpu7x:2x2x1
jax: 0.10.2.dev20260603
libtpu: 0.0.44.dev20260713+nightly
codegen_flags: <defaults>
</compile_context>

<pallas_src>
import functools

import jax
import jax.numpy as jnp
from jax import lax
from jax.experimental import pallas as pl
from jax.experimental.pallas import tpu as pltpu
from jax.experimental.pallas import tpu_sc as plsc

HIDDEN = 64
NUM_CORES = 2
NUM_SUBCORES = 16
NW = NUM_CORES * NUM_SUBCORES
NB = 16

_mesh = plsc.VectorSubcoreMesh(core_axis_name="c", subcore_axis_name="s")


@functools.lru_cache(maxsize=None)
def _make_gather(batch, hist):
    assert batch % (NW * NB * 2) == 0 and hist <= 128
    hp = ((hist + 7) // 8) * 8
    per_w = batch // NW
    groups = per_w // NB
    gr = NB * hp

    @functools.partial(
        pl.kernel,
        out_type=jax.ShapeDtypeStruct((batch * hp, 2 * HIDDEN), jnp.float32),
        mesh=_mesh,
        scratch_types=[
            pltpu.VMEM((2, NB, hist), jnp.int32),
            pltpu.VMEM((2, gr, HIDDEN), jnp.float32),
            pltpu.SemaphoreType.DMA,
            pltpu.SemaphoreType.DMA,
            pltpu.SemaphoreType.DMA,
            pltpu.SemaphoreType.DMA,
        ],
        compiler_params=pltpu.CompilerParams(use_tc_tiling_on_sc=False),
    )
    def gather_kernel(table_hbm, idx_hbm, out_hbm, idx_v, rows_v,
                      gsem0, gsem1, osem0, osem1):
        wid = lax.axis_index("s") * NUM_CORES + lax.axis_index("c")
        base_b = wid * per_w
        base_r = base_b * hp
        gsems = (gsem0, gsem1)
        osems = (osem0, osem1)

        def fire(b, g):
            pltpu.sync_copy(idx_hbm.at[pl.ds(base_b + g * NB, NB)], idx_v.at[b])
            for j in range(NB):
                pltpu.async_copy(table_hbm.at[idx_v.at[b].at[j]],
                                 rows_v.at[b].at[pl.ds(j * hp, hist)],
                                 gsems[b])

        def drain_gathers(b):
            for j in range(NB):
                pltpu.make_async_copy(table_hbm.at[idx_v.at[b].at[j]],
                                      rows_v.at[b].at[pl.ds(j * hp, hist)],
                                      gsems[b]).wait()

        def out_slice(g):
            return out_hbm.at[pl.ds(base_r + g * gr, gr), pl.ds(0, HIDDEN)]

        def fire_out(b, g):
            pltpu.async_copy(rows_v.at[b], out_slice(g), osems[b])

        def wait_out(b, g):
            pltpu.make_async_copy(rows_v.at[b], out_slice(g), osems[b]).wait()

        fire(0, 0)

        @pl.loop(0, groups, step=2)
        def _grp(g0):
            for b in (0, 1):
                gg = g0 + b
                nb = 1 - b
                gf = gg + 1

                @pl.when(gf < groups)
                def _():
                    @pl.when(gg >= 1)
                    def _():
                        wait_out(nb, gg - 1)
                    fire(nb, gf)

                drain_gathers(b)
                fire_out(b, gg)

        wait_out(0, groups - 2)
        wait_out(1, groups - 1)

    return gather_kernel


def kernel(inputs, weight):
    batch, hist = inputs.shape
    hp = ((hist + 7) // 8) * 8
    idx = inputs.astype(jnp.int32) * 2
    w128 = jnp.pad(weight, ((0, 0), (0, 2 * HIDDEN - weight.shape[1])))
    table = w128.reshape(2 * weight.shape[0], weight.shape[1])
    out = _make_gather(batch, hist)(table, idx)
    return out.reshape(batch, hp, 2 * HIDDEN)[:, :hist, :HIDDEN]

# --- scband reference (transcript-rebuilt; emitter-appended) ---
"""Pipeline reference for scband-init-embedding-20237885899240 (READ-ONLY COPY).

The authoritative reference and input builder live on the scoring server;
editing this copy changes nothing except your own understanding.
"""

import jax, jax.numpy as jnp
import numpy as np

VOCAB = 1000000
HIDDEN = 64
BATCH = 16384
HIST = 50

def setup_inputs(seed: int = 0) -> dict:
    key = jax.random.key(seed)
    k_idx, k_w = jax.random.split(key)
    inputs = jax.random.randint(k_idx, (BATCH, HIST), 0, VOCAB, dtype=jnp.int64)
    # emb_init = nn.initializers.normal() -> stddev 0.01
    weight = jax.random.normal(k_w, (VOCAB, HIDDEN), dtype=jnp.float32) * 0.01
    return {"inputs": inputs, "weight": weight}

def reference(inputs, weight):
    return jnp.take(weight, inputs, 0)

if __name__ == "__main__":
    import jax
    _d = setup_inputs()
    print(jax.jit(kernel)(*tuple(_d.values())))

</pallas_src>

<mosaic_0001>
#map = affine_map<(d0, d1) -> (0, 0)>
module attributes {stable_mosaic.version = 14 : i64} {
  func.func @gather_kernel(%arg0: i32, %arg1: i32, %arg2: memref<2000000x64xf32, #tpu.memory_space<hbm>>, %arg3: memref<16384x50xi32, #tpu.memory_space<hbm>>, %arg4: memref<917504x128xf32, #tpu.memory_space<hbm>>, %arg5: memref<2x16x50xi32, #tpu.memory_space<vmem>>, %arg6: memref<2x896x64xf32, #tpu.memory_space<vmem>>, %arg7: memref<!tpu.dma_semaphore, #tpu.memory_space<semaphore_mem>>, %arg8: memref<!tpu.dma_semaphore, #tpu.memory_space<semaphore_mem>>, %arg9: memref<!tpu.dma_semaphore, #tpu.memory_space<semaphore_mem>>, %arg10: memref<!tpu.dma_semaphore, #tpu.memory_space<semaphore_mem>>) attributes {dimension_semantics = [#tpu.dimension_semantics<core_parallel>, #tpu.dimension_semantics<subcore_parallel>], iteration_bounds = array<i64: 2, 16>, scalar_prefetch = 0 : i64, scratch_operands = 6 : i64, tpu.core_type = #tpu.core_type<sc_vector_subcore>, window_params = [{transform_indices = #map}, {transform_indices = #map}, {transform_indices = #map}]} {
    %mul3A = arith.constant 2 : i32
    %mul3A_0 = arith.muli %arg1, %mul3A : i32
    %add3A = arith.addi %mul3A_0, %arg0 : i32
    %mul3A_1 = arith.constant 512 : i32
    %mul3A_2 = arith.muli %add3A, %mul3A_1 : i32
    %mul3A_3 = arith.constant 56 : i32
    %mul3A_4 = arith.muli %mul3A_2, %mul3A_3 : i32
    %add3A_5 = arith.constant 0 : i32
    %add3A_6 = arith.addi %mul3A_2, %add3A_5 : i32
    %run_scoped3A = arith.constant 0 : i32
    "tpu.region"() ({
      %run_scoped3A_359 = tpu.sem_alloc : memref<!tpu.dma_semaphore, #tpu.memory_space<semaphore_mem>>
      %dma_start3A_360 = arith.constant 0 : i32
      %dma_start3A_361 = arith.constant 0 : i32
      %dma_start3A_362 = tpu.memref_slice %arg5[%run_scoped3A, %dma_start3A_360, %dma_start3A_361] : memref<2x16x50xi32, #tpu.memory_space<vmem>> -> memref<1x16x50xi32, #tpu.memory_space<vmem>>
      %dma_start3A_363 = tpu.memref_squeeze %dma_start3A_362 : memref<1x16x50xi32, #tpu.memory_space<vmem>> -> memref<16x50xi32, #tpu.memory_space<vmem>>
      %dma_start3A_364 = arith.constant 0 : i32
      %dma_start3A_365 = tpu.memref_slice %arg3[%add3A_6, %dma_start3A_364] : memref<16384x50xi32, #tpu.memory_space<hbm>> -> memref<16x50xi32, #tpu.memory_space<hbm>>
      %dma_start3A_366 = arith.constant 0 : i32
      %dma_start3A_367 = arith.constant 0 : i32
      %dma_start3A_368 = tpu.memref_slice %arg5[%run_scoped3A, %dma_start3A_366, %dma_start3A_367] : memref<2x16x50xi32, #tpu.memory_space<vmem>> -> memref<1x16x50xi32, #tpu.memory_space<vmem>>
      %dma_start3A_369 = tpu.memref_squeeze %dma_start3A_368 : memref<1x16x50xi32, #tpu.memory_space<vmem>> -> memref<16x50xi32, #tpu.memory_space<vmem>>
      %dma_start3A_370 = arith.constant 0 : i32
      %dma_start3A_371 = tpu.memref_slice %arg3[%add3A_6, %dma_start3A_370] : memref<16384x50xi32, #tpu.memory_space<hbm>> -> memref<16x50xi32, #tpu.memory_space<hbm>>
      tpu.enqueue_dma source(%dma_start3A_371 : memref<16x50xi32, #tpu.memory_space<hbm>>) target(%dma_start3A_369 : memref<16x50xi32, #tpu.memory_space<vmem>>) target_semaphore(%run_scoped3A_359 : memref<!tpu.dma_semaphore, #tpu.memory_space<semaphore_mem>>)
      %dma_wait3A_372 = arith.constant 0 : i32
      %dma_wait3A_373 = arith.constant 0 : i32
      %dma_wait3A_374 = tpu.memref_slice %arg5[%run_scoped3A, %dma_wait3A_372, %dma_wait3A_373] : memref<2x16x50xi32, #tpu.memory_space<vmem>> -> memref<1x16x50xi32, #tpu.memory_space<vmem>>
      %dma_wait3A_375 = tpu.memref_squeeze %dma_wait3A_374 : memref<1x16x50xi32, #tpu.memory_space<vmem>> -> memref<16x50xi32, #tpu.memory_space<vmem>>
      %dma_wait3A_376 = arith.constant 0 : i32
      %dma_wait3A_377 = tpu.memref_slice %arg3[%add3A_6, %dma_wait3A_376] : memref<16384x50xi32, #tpu.memory_space<hbm>> -> memref<16x50xi32, #tpu.memory_space<hbm>>
      %dma_wait3A_378 = arith.constant 0 : i32
      %dma_wait3A_379 = arith.constant 0 : i32
      %dma_wait3A_380 = tpu.memref_slice %arg5[%run_scoped3A, %dma_wait3A_378, %dma_wait3A_379] : memref<2x16x50xi32, #tpu.memory_space<vmem>> -> memref<1x16x50xi32, #tpu.memory_space<vmem>>
      %dma_wait3A_381 = tpu.memref_squeeze %dma_wait3A_380 : memref<1x16x50xi32, #tpu.memory_space<vmem>> -> memref<16x50xi32, #tpu.memory_space<vmem>>
      %dma_wait3A_382 = arith.constant 0 : i32
      %dma_wait3A_383 = tpu.memref_slice %arg3[%add3A_6, %dma_wait3A_382] : memref<16384x50xi32, #tpu.memory_space<hbm>> -> memref<16x50xi32, #tpu.memory_space<hbm>>
      tpu.wait_dma2 semaphore(%run_scoped3A_359 : memref<!tpu.dma_semaphore, #tpu.memory_space<semaphore_mem>>) src(%dma_wait3A_383 : memref<16x50xi32, #tpu.memory_space<hbm>>) dst(%dma_wait3A_381 : memref<16x50xi32, #tpu.memory_space<vmem>>)
      tpu.yield
    }) : () -> ()
    %dma_start3A = arith.constant 0 : i32
    %dma_start3A_7 = arith.constant 0 : i32
    %dma_start3A_8 = arith.constant 0 : i32
    %dma_start3A_9 = arith.constant 0 : i32
    %dma_start3A_10 = arith.constant 0 : i32
    %dma_start3A_11 = tpu.memref_slice %arg6[%dma_start3A_8, %dma_start3A_9, %dma_start3A_10] : memref<2x896x64xf32, #tpu.memory_space<vmem>> -> memref<1x896x64xf32, #tpu.memory_space<vmem>>
    %dma_start3A_12 = tpu.memref_squeeze %dma_start3A_11 : memref<1x896x64xf32, #tpu.memory_space<vmem>> -> memref<896x64xf32, #tpu.memory_space<vmem>>
    %dma_start3A_13 = arith.constant 0 : i32
    %dma_start3A_14 = arith.constant 0 : i32
    %dma_start3A_15 = tpu.memref_slice %dma_start3A_12[%dma_start3A_13, %dma_start3A_14] : memref<896x64xf32, #tpu.memory_space<vmem>> -> memref<50x64xf32, #tpu.memory_space<vmem>>
    %dma_start3A_16 = arith.constant 0 : i32
    %dma_start3A_17 = arith.constant 0 : i32
    %dma_start3A_18 = tpu.memref_slice %arg5[%dma_start3A, %dma_start3A_16, %dma_start3A_17] : memref<2x16x50xi32, #tpu.memory_space<vmem>> -> memref<1x16x50xi32, #tpu.memory_space<vmem>>
    %dma_start3A_19 = tpu.memref_squeeze %dma_start3A_18 : memref<1x16x50xi32, #tpu.memory_space<vmem>> -> memref<16x50xi32, #tpu.memory_space<vmem>>
    %dma_start3A_20 = arith.constant 0 : i32
    %dma_start3A_21 = tpu.memref_slice %dma_start3A_19[%dma_start3A_7, %dma_start3A_20] : memref<16x50xi32, #tpu.memory_space<vmem>> -> memref<1x50xi32, #tpu.memory_space<vmem>>
    %dma_start3A_22 = tpu.memref_squeeze %dma_start3A_21 : memref<1x50xi32, #tpu.memory_space<vmem>> -> memref<50xi32, #tpu.memory_space<vmem>>
    %dma_start3A_23 = arith.constant 0 : i32
    %dma_start3A_24 = arith.constant 0 : i32
    %dma_start3A_25 = tpu.memref_slice %arg2[%dma_start3A_23, %dma_start3A_24] : memref<2000000x64xf32, #tpu.memory_space<hbm>> -> memref<2000000x64xf32, #tpu.memory_space<hbm>>
    tpu.enqueue_indirect_dma source(%dma_start3A_25 : memref<2000000x64xf32, #tpu.memory_space<hbm>>) target(%dma_start3A_15 : memref<50x64xf32, #tpu.memory_space<vmem>>) offsets(%dma_start3A_22 : memref<50xi32, #tpu.memory_space<vmem>>) semaphore(%arg7 : memref<!tpu.dma_semaphore, #tpu.memory_space<semaphore_mem>>)
    %dma_start3A_26 = arith.constant 0 : i32
    %dma_start3A_27 = arith.constant 1 : i32
    %dma_start3A_28 = arith.constant 0 : i32
    %dma_start3A_29 = arith.constant 0 : i32
    %dma_start3A_30 = arith.constant 0 : i32
    %dma_start3A_31 = tpu.memref_slice %arg6[%dma_start3A_28, %dma_start3A_29, %dma_start3A_30] : memref<2x896x64xf32, #tpu.memory_space<vmem>> -> memref<1x896x64xf32, #tpu.memory_space<vmem>>
    %dma_start3A_32 = tpu.memref_squeeze %dma_start3A_31 : memref<1x896x64xf32, #tpu.memory_space<vmem>> -> memref<896x64xf32, #tpu.memory_space<vmem>>
    %dma_start3A_33 = arith.constant 56 : i32
    %dma_start3A_34 = arith.constant 0 : i32
    %dma_start3A_35 = tpu.memref_slice %dma_start3A_32[%dma_start3A_33, %dma_start3A_34] : memref<896x64xf32, #tpu.memory_space<vmem>> -> memref<50x64xf32, #tpu.memory_space<vmem>>
    %dma_start3A_36 = arith.constant 0 : i32
    %dma_start3A_37 = arith.constant 0 : i32
    %dma_start3A_38 = tpu.memref_slice %arg5[%dma_start3A_26, %dma_start3A_36, %dma_start3A_37] : memref<2x16x50xi32, #tpu.memory_space<vmem>> -> memref<1x16x50xi32, #tpu.memory_space<vmem>>
    %dma_start3A_39 = tpu.memref_squeeze %dma_start3A_38 : memref<1x16x50xi32, #tpu.memory_space<vmem>> -> memref<16x50xi32, #tpu.memory_space<vmem>>
    %dma_start3A_40 = arith.constant 0 : i32
    %dma_start3A_41 = tpu.memref_slice %dma_start3A_39[%dma_start3A_27, %dma_start3A_40] : memref<16x50xi32, #tpu.memory_space<vmem>> -> memref<1x50xi32, #tpu.memory_space<vmem>>
    %dma_start3A_42 = tpu.memref_squeeze %dma_start3A_41 : memref<1x50xi32, #tpu.memory_space<vmem>> -> memref<50xi32, #tpu.memory_space<vmem>>
    %dma_start3A_43 = arith.constant 0 : i32
    %dma_start3A_44 = arith.constant 0 : i32
    %dma_start3A_45 = tpu.memref_slice %arg2[%dma_start3A_43, %dma_start3A_44] : memref<2000000x64xf32, #tpu.memory_space<hbm>> -> memref<2000000x64xf32, #tpu.memory_space<hbm>>
    tpu.enqueue_indirect_dma source(%dma_start3A_45 : memref<2000000x64xf32, #tpu.memory_space<hbm>>) target(%dma_start3A_35 : memref<50x64xf32, #tpu.memory_space<vmem>>) offsets(%dma_start3A_42 : memref<50xi32, #tpu.memory_space<vmem>>) semaphore(%arg7 : memref<!tpu.dma_semaphore, #tpu.memory_space<semaphore_mem>>)
    %dma_start3A_46 = arith.constant 0 : i32
    %dma_start3A_47 = arith.constant 2 : i32
    %dma_start3A_48 = arith.constant 0 : i32
    %dma_start3A_49 = arith.constant 0 : i32
    %dma_start3A_50 = arith.constant 0 : i32
    %dma_start3A_51 = tpu.memref_slice %arg6[%dma_start3A_48, %dma_start3A_49, %dma_start3A_50] : memref<2x896x64xf32, #tpu.memory_space<vmem>> -> memref<1x896x64xf32, #tpu.memory_space<vmem>>
    %dma_start3A_52 = tpu.memref_squeeze %dma_start3A_51 : memref<1x896x64xf32, #tpu.memory_space<vmem>> -> memref<896x64xf32, #tpu.memory_space<vmem>>
    %dma_start3A_53 = arith.constant 112 : i32
    %dma_start3A_54 = arith.constant 0 : i32
    %dma_start3A_55 = tpu.memref_slice %dma_start3A_52[%dma_start3A_53, %dma_start3A_54] : memref<896x64xf32, #tpu.memory_space<vmem>> -> memref<50x64xf32, #tpu.memory_space<vmem>>
    %dma_start3A_56 = arith.constant 0 : i32
    %dma_start3A_57 = arith.constant 0 : i32
    %dma_start3A_58 = tpu.memref_slice %arg5[%dma_start3A_46, %dma_start3A_56, %dma_start3A_57] : memref<2x16x50xi32, #tpu.memory_space<vmem>> -> memref<1x16x50xi32, #tpu.memory_space<vmem>>
    %dma_start3A_59 = tpu.memref_squeeze %dma_start3A_58 : memref<1x16x50xi32, #tpu.memory_space<vmem>> -> memref<16x50xi32, #tpu.memory_space<vmem>>
    %dma_start3A_60 = arith.constant 0 : i32
    %dma_start3A_61 = tpu.memref_slice %dma_start3A_59[%dma_start3A_47, %dma_start3A_60] : memref<16x50xi32, #tpu.memory_space<vmem>> -> memref<1x50xi32, #tpu.memory_space<vmem>>
    %dma_start3A_62 = tpu.memref_squeeze %dma_start3A_61 : memref<1x50xi32, #tpu.memory_space<vmem>> -> memref<50xi32, #tpu.memory_space<vmem>>
    %dma_start3A_63 = arith.constant 0 : i32
    %dma_start3A_64 = arith.constant 0 : i32
    %dma_start3A_65 = tpu.memref_slice %arg2[%dma_start3A_63, %dma_start3A_64] : memref<2000000x64xf32, #tpu.memory_space<hbm>> -> memref<2000000x64xf32, #tpu.memory_space<hbm>>
    tpu.enqueue_indirect_dma source(%dma_start3A_65 : memref<2000000x64xf32, #tpu.memory_space<hbm>>) target(%dma_start3A_55 : memref<50x64xf32, #tpu.memory_space<vmem>>) offsets(%dma_start3A_62 : memref<50xi32, #tpu.memory_space<vmem>>) semaphore(%arg7 : memref<!tpu.dma_semaphore, #tpu.memory_space<semaphore_mem>>)
    %dma_start3A_66 = arith.constant 0 : i32
    %dma_start3A_67 = arith.constant 3 : i32
    %dma_start3A_68 = arith.constant 0 : i32
    %dma_start3A_69 = arith.constant 0 : i32
    %dma_start3A_70 = arith.constant 0 : i32
    %dma_start3A_71 = tpu.memref_slice %arg6[%dma_start3A_68, %dma_start3A_69, %dma_start3A_70] : memref<2x896x64xf32, #tpu.memory_space<vmem>> -> memref<1x896x64xf32, #tpu.memory_space<vmem>>
    %dma_start3A_72 = tpu.memref_squeeze %dma_start3A_71 : memref<1x896x64xf32, #tpu.memory_space<vmem>> -> memref<896x64xf32, #tpu.memory_space<vmem>>
    %dma_start3A_73 = arith.constant 168 : i32
    %dma_start3A_74 = arith.constant 0 : i32
    %dma_start3A_75 = tpu.memref_slice %dma_start3A_72[%dma_start3A_73, %dma_start3A_74] : memref<896x64xf32, #tpu.memory_space<vmem>> -> memref<50x64xf32, #tpu.memory_space<vmem>>
    %dma_start3A_76 = arith.constant 0 : i32
    %dma_start3A_77 = arith.constant 0 : i32
    %dma_start3A_78 = tpu.memref_slice %arg5[%dma_start3A_66, %dma_start3A_76, %dma_start3A_77] : memref<2x16x50xi32, #tpu.memory_space<vmem>> -> memref<1x16x50xi32, #tpu.memory_space<vmem>>
    %dma_start3A_79 = tpu.memref_squeeze %dma_start3A_78 : memref<1x16x50xi32, #tpu.memory_space<vmem>> -> memref<16x50xi32, #tpu.memory_space<vmem>>
    %dma_start3A_80 = arith.constant 0 : i32
    %dma_start3A_81 = tpu.memref_slice %dma_start3A_79[%dma_start3A_67, %dma_start3A_80] : memref<16x50xi32, #tpu.memory_space<vmem>> -> memref<1x50xi32, #tpu.memory_space<vmem>>
    %dma_start3A_82 = tpu.memref_squeeze %dma_start3A_81 : memref<1x50xi32, #tpu.memory_space<vmem>> -> memref<50xi32, #tpu.memory_space<vmem>>
    %dma_start3A_83 = arith.constant 0 : i32
    %dma_start3A_84 = arith.constant 0 : i32
    %dma_start3A_85 = tpu.memref_slice %arg2[%dma_start3A_83, %dma_start3A_84] : memref<2000000x64xf32, #tpu.memory_space<hbm>> -> memref<2000000x64xf32, #tpu.memory_space<hbm>>
    tpu.enqueue_indirect_dma source(%dma_start3A_85 : memref<2000000x64xf32, #tpu.memory_space<hbm>>) target(%dma_start3A_75 : memref<50x64xf32, #tpu.memory_space<vmem>>) offsets(%dma_start3A_82 : memref<50xi32, #tpu.memory_space<vmem>>) semaphore(%arg7 : memref<!tpu.dma_semaphore, #tpu.memory_space<semaphore_mem>>)
    %dma_start3A_86 = arith.constant 0 : i32
    %dma_start3A_87 = arith.constant 4 : i32
    %dma_start3A_88 = arith.constant 0 : i32
    %dma_start3A_89 = arith.constant 0 : i32
    %dma_start3A_90 = arith.constant 0 : i32
    %dma_start3A_91 = tpu.memref_slice %arg6[%dma_start3A_88, %dma_start3A_89, %dma_start3A_90] : memref<2x896x64xf32, #tpu.memory_space<vmem>> -> memref<1x896x64xf32, #tpu.memory_space<vmem>>
    %dma_start3A_92 = tpu.memref_squeeze %dma_start3A_91 : memref<1x896x64xf32, #tpu.memory_space<vmem>> -> memref<896x64xf32, #tpu.memory_space<vmem>>
    %dma_start3A_93 = arith.constant 224 : i32
    %dma_start3A_94 = arith.constant 0 : i32
    %dma_start3A_95 = tpu.memref_slice %dma_start3A_92[%dma_start3A_93, %dma_start3A_94] : memref<896x64xf32, #tpu.memory_space<vmem>> -> memref<50x64xf32, #tpu.memory_space<vmem>>
    %dma_start3A_96 = arith.constant 0 : i32
    %dma_start3A_97 = arith.constant 0 : i32
    %dma_start3A_98 = tpu.memref_slice %arg5[%dma_start3A_86, %dma_start3A_96, %dma_start3A_97] : memref<2x16x50xi32, #tpu.memory_space<vmem>> -> memref<1x16x50xi32, #tpu.memory_space<vmem>>
    %dma_start3A_99 = tpu.memref_squeeze %dma_start3A_98 : memref<1x16x50xi32, #tpu.memory_space<vmem>> -> memref<16x50xi32, #tpu.memory_space<vmem>>
    %dma_start3A_100 = arith.constant 0 : i32
    %dma_start3A_101 = tpu.memref_slice %dma_start3A_99[%dma_start3A_87, %dma_start3A_100] : memref<16x50xi32, #tpu.memory_space<vmem>> -> memref<1x50xi32, #tpu.memory_space<vmem>>
    %dma_start3A_102 = tpu.memref_squeeze %dma_start3A_101 : memref<1x50xi32, #tpu.memory_space<vmem>> -> memref<50xi32, #tpu.memory_space<vmem>>
    %dma_start3A_103 = arith.constant 0 : i32
    %dma_start3A_104 = arith.constant 0 : i32
    %dma_start3A_105 = tpu.memref_slice %arg2[%dma_start3A_103, %dma_start3A_104] : memref<2000000x64xf32, #tpu.memory_space<hbm>> -> memref<2000000x64xf32, #tpu.memory_space<hbm>>
    tpu.enqueue_indirect_dma source(%dma_start3A_105 : memref<2000000x64xf32, #tpu.memory_space<hbm>>) target(%dma_start3A_95 : memref<50x64xf32, #tpu.memory_space<vmem>>) offsets(%dma_start3A_102 : memref<50xi32, #tpu.memory_space<vmem>>) semaphore(%arg7 : memref<!tpu.dma_semaphore, #tpu.memory_space<semaphore_mem>>)
    %dma_start3A_106 = arith.constant 0 : i32
    %dma_start3A_107 = arith.constant 5 : i32
    %dma_start3A_108 = arith.constant 0 : i32
    %dma_start3A_109 = arith.constant 0 : i32
    %dma_start3A_110 = arith.constant 0 : i32
    %dma_start3A_111 = tpu.memref_slice %arg6[%dma_start3A_108, %dma_start3A_109, %dma_start3A_110] : memref<2x896x64xf32, #tpu.memory_space<vmem>> -> memref<1x896x64xf32, #tpu.memory_space<vmem>>
    %dma_start3A_112 = tpu.memref_squeeze %dma_start3A_111 : memref<1x896x64xf32, #tpu.memory_space<vmem>> -> memref<896x64xf32, #tpu.memory_space<vmem>>
    %dma_start3A_113 = arith.constant 280 : i32
    %dma_start3A_114 = arith.constant 0 : i32
    %dma_start3A_115 = tpu.memref_slice %dma_start3A_112[%dma_start3A_113, %dma_start3A_114] : memref<896x64xf32, #tpu.memory_space<vmem>> -> memref<50x64xf32, #tpu.memory_space<vmem>>
    %dma_start3A_116 = arith.constant 0 : i32
    %dma_start3A_117 = arith.constant 0 : i32
    %dma_start3A_118 = tpu.memref_slice %arg5[%dma_start3A_106, %dma_start3A_116, %dma_start3A_117] : memref<2x16x50xi32, #tpu.memory_space<vmem>> -> memref<1x16x50xi32, #tpu.memory_space<vmem>>
    %dma_start3A_119 = tpu.memref_squeeze %dma_start3A_118 : memref<1x16x50xi32, #tpu.memory_space<vmem>> -> memref<16x50xi32, #tpu.memory_space<vmem>>
    %dma_start3A_120 = arith.constant 0 : i32
    %dma_start3A_121 = tpu.memref_slice %dma_start3A_119[%dma_start3A_107, %dma_start3A_120] : memref<16x50xi32, #tpu.memory_space<vmem>> -> memref<1x50xi32, #tpu.memory_space<vmem>>
    %dma_start3A_122 = tpu.memref_squeeze %dma_start3A_121 : memref<1x50xi32, #tpu.memory_space<vmem>> -> memref<50xi32, #tpu.memory_space<vmem>>
    %dma_start3A_123 = arith.constant 0 : i32
    %dma_start3A_124 = arith.constant 0 : i32
    %dma_start3A_125 = tpu.memref_slice %arg2[%dma_start3A_123, %dma_start3A_124] : memref<2000000x64xf32, #tpu.memory_space<hbm>> -> memref<2000000x64xf32, #tpu.memory_space<hbm>>
    tpu.enqueue_indirect_dma source(%dma_start3A_125 : memref<2000000x64xf32, #tpu.memory_space<hbm>>) target(%dma_start3A_115 : memref<50x64xf32, #tpu.memory_space<vmem>>) offsets(%dma_start3A_122 : memref<50xi32, #tpu.memory_space<vmem>>) semaphore(%arg7 : memref<!tpu.dma_semaphore, #tpu.memory_space<semaphore_mem>>)
    %dma_start3A_126 = arith.constant 0 : i32
    %dma_start3A_127 = arith.constant 6 : i32
    %dma_start3A_128 = arith.constant 0 : i32
    %dma_start3A_129 = arith.constant 0 : i32
    %dma_start3A_130 = arith.constant 0 : i32
    %dma_start3A_131 = tpu.memref_slice %arg6[%dma_start3A_128, %dma_start3A_129, %dma_start3A_130] : memref<2x896x64xf32, #tpu.memory_space<vmem>> -> memref<1x896x64xf32, #tpu.memory_space<vmem>>
    %dma_start3A_132 = tpu.memref_squeeze %dma_start3A_131 : memref<1x896x64xf32, #tpu.memory_space<vmem>> -> memref<896x64xf32, #tpu.memory_space<vmem>>
    %dma_start3A_133 = arith.constant 336 : i32
    %dma_start3A_134 = arith.constant 0 : i32
    %dma_start3A_135 = tpu.memref_slice %dma_start3A_132[%dma_start3A_133, %dma_start3A_134] : memref<896x64xf32, #tpu.memory_space<vmem>> -> memref<50x64xf32, #tpu.memory_space<vmem>>
    %dma_start3A_136 = arith.constant 0 : i32
    %dma_start3A_137 = arith.constant 0 : i32
    %dma_start3A_138 = tpu.memref_slice %arg5[%dma_start3A_126, %dma_start3A_136, %dma_start3A_137] : memref<2x16x50xi32, #tpu.memory_space<vmem>> -> memref<1x16x50xi32, #tpu.memory_space<vmem>>
    %dma_start3A_139 = tpu.memref_squeeze %dma_start3A_138 : memref<1x16x50xi32, #tpu.memory_space<vmem>> -> memref<16x50xi32, #tpu.memory_space<vmem>>
    %dma_start3A_140 = arith.constant 0 : i32
    %dma_start3A_141 = tpu.memref_slice %dma_start3A_139[%dma_start3A_127, %dma_start3A_140] : memref<16x50xi32, #tpu.memory_space<vmem>> -> memref<1x50xi32, #tpu.memory_space<vmem>>
    %dma_start3A_142 = tpu.memref_squeeze %dma_start3A_141 : memref<1x50xi32, #tpu.memory_space<vmem>> -> memref<50xi32, #tpu.memory_space<vmem>>
    %dma_start3A_143 = arith.constant 0 : i32
    %dma_start3A_144 = arith.constant 0 : i32
    %dma_start3A_145 = tpu.memref_slice %arg2[%dma_start3A_143, %dma_start3A_144] : memref<2000000x64xf32, #tpu.memory_space<hbm>> -> memref<2000000x64xf32, #tpu.memory_space<hbm>>
    tpu.enqueue_indirect_dma source(%dma_start3A_145 : memref<2000000x64xf32, #tpu.memory_space<hbm>>) target(%dma_start3A_135 : memref<50x64xf32, #tpu.memory_space<vmem>>) offsets(%dma_start3A_142 : memref<50xi32, #tpu.memory_space<vmem>>) semaphore(%arg7 : memref<!tpu.dma_semaphore, #tpu.memory_space<semaphore_mem>>)
    %dma_start3A_146 = arith.constant 0 : i32
    %dma_start3A_147 = arith.constant 7 : i32
    %dma_start3A_148 = arith.constant 0 : i32
    %dma_start3A_149 = arith.constant 0 : i32
    %dma_start3A_150 = arith.constant 0 : i32
    %dma_start3A_151 = tpu.memref_slice %arg6[%dma_start3A_148, %dma_start3A_149, %dma_start3A_150] : memref<2x896x64xf32, #tpu.memory_space<vmem>> -> memref<1x896x64xf32, #tpu.memory_space<vmem>>
    %dma_start3A_152 = tpu.memref_squeeze %dma_start3A_151 : memref<1x896x64xf32, #tpu.memory_space<vmem>> -> memref<896x64xf32, #tpu.memory_space<vmem>>
    %dma_start3A_153 = arith.constant 392 : i32
    %dma_start3A_154 = arith.constant 0 : i32
    %dma_start3A_155 = tpu.memref_slice %dma_start3A_152[%dma_start3A_153, %dma_start3A_154] : memref<896x64xf32, #tpu.memory_space<vmem>> -> memref<50x64xf32, #tpu.memory_space<vmem>>
    %dma_start3A_156 = arith.constant 0 : i32
    %dma_start3A_157 = arith.constant 0 : i32
    %dma_start3A_158 = tpu.memref_slice %arg5[%dma_start3A_146, %dma_start3A_156, %dma_start3A_157] : memref<2x16x50xi32, #tpu.memory_space<vmem>> -> memref<1x16x50xi32, #tpu.memory_space<vmem>>
    %dma_start3A_159 = tpu.memref_squeeze %dma_start3A_158 : memref<1x16x50xi32, #tpu.memory_space<vmem>> -> memref<16x50xi32, #tpu.memory_space<vmem>>
    %dma_start3A_160 = arith.constant 0 : i32
    %dma_start3A_161 = tpu.memref_slice %dma_start3A_159[%dma_start3A_147, %dma_start3A_160] : memref<16x50xi32, #tpu.memory_space<vmem>> -> memref<1x50xi32, #tpu.memory_space<vmem>>
    %dma_start3A_162 = tpu.memref_squeeze %dma_start3A_161 : memref<1x50xi32, #tpu.memory_space<vmem>> -> memref<50xi32, #tpu.memory_space<vmem>>
    %dma_start3A_163 = arith.constant 0 : i32
    %dma_start3A_164 = arith.constant 0 : i32
    %dma_start3A_165 = tpu.memref_slice %arg2[%dma_start3A_163, %dma_start3A_164] : memref<2000000x64xf32, #tpu.memory_space<hbm>> -> memref<2000000x64xf32, #tpu.memory_space<hbm>>
    tpu.enqueue_indirect_dma source(%dma_start3A_165 : memref<2000000x64xf32, #tpu.memory_space<hbm>>) target(%dma_start3A_155 : memref<50x64xf32, #tpu.memory_space<vmem>>) offsets(%dma_start3A_162 : memref<50xi32, #tpu.memory_space<vmem>>) semaphore(%arg7 : memref<!tpu.dma_semaphore, #tpu.memory_space<semaphore_mem>>)
    %dma_start3A_166 = arith.constant 0 : i32
    %dma_start3A_167 = arith.constant 8 : i32
    %dma_start3A_168 = arith.constant 0 : i32
    %dma_start3A_169 = arith.constant 0 : i32
    %dma_start3A_170 = arith.constant 0 : i32
    %dma_start3A_171 = tpu.memref_slice %arg6[%dma_start3A_168, %dma_start3A_169, %dma_start3A_170] : memref<2x896x64xf32, #tpu.memory_space<vmem>> -> memref<1x896x64xf32, #tpu.memory_space<vmem>>
    %dma_start3A_172 = tpu.memref_squeeze %dma_start3A_171 : memref<1x896x64xf32, #tpu.memory_space<vmem>> -> memref<896x64xf32, #tpu.memory_space<vmem>>
    %dma_start3A_173 = arith.constant 448 : i32
    %dma_start3A_174 = arith.constant 0 : i32
    %dma_start3A_175 = tpu.memref_slice %dma_start3A_172[%dma_start3A_173, %dma_start3A_174] : memref<896x64xf32, #tpu.memory_space<vmem>> -> memref<50x64xf32, #tpu.memory_space<vmem>>
    %dma_start3A_176 = arith.constant 0 : i32
    %dma_start3A_177 = arith.constant 0 : i32
    %dma_start3A_178 = tpu.memref_slice %arg5[%dma_start3A_166, %dma_start3A_176, %dma_start3A_177] : memref<2x16x50xi32, #tpu.memory_space<vmem>> -> memref<1x16x50xi32, #tpu.memory_space<vmem>>
    %dma_start3A_179 = tpu.memref_squeeze %dma_start3A_178 : memref<1x16x50xi32, #tpu.memory_space<vmem>> -> memref<16x50xi32, #tpu.memory_space<vmem>>
    %dma_start3A_180 = arith.constant 0 : i32
    %dma_start3A_181 = tpu.memref_slice %dma_start3A_179[%dma_start3A_167, %dma_start3A_180] : memref<16x50xi32, #tpu.memory_space<vmem>> -> memref<1x50xi32, #tpu.memory_space<vmem>>
    %dma_start3A_182 = tpu.memref_squeeze %dma_start3A_181 : memref<1x50xi32, #tpu.memory_space<vmem>> -> memref<50xi32, #tpu.memory_space<vmem>>
    %dma_start3A_183 = arith.constant 0 : i32
    %dma_start3A_184 = arith.constant 0 : i32
    %dma_start3A_185 = tpu.memref_slice %arg2[%dma_start3A_183, %dma_start3A_184] : memref<2000000x64xf32, #tpu.memory_space<hbm>> -> memref<2000000x64xf32, #tpu.memory_space<hbm>>
    tpu.enqueue_indirect_dma source(%dma_start3A_185 : memref<2000000x64xf32, #tpu.memory_space<hbm>>) target(%dma_start3A_175 : memref<50x64xf32, #tpu.memory_space<vmem>>) offsets(%dma_start3A_182 : memref<50xi32, #tpu.memory_space<vmem>>) semaphore(%arg7 : memref<!tpu.dma_semaphore, #tpu.memory_space<semaphore_mem>>)
    %dma_start3A_186 = arith.constant 0 : i32
    %dma_start3A_187 = arith.constant 9 : i32
    %dma_start3A_188 = arith.constant 0 : i32
    %dma_start3A_189 = arith.constant 0 : i32
    %dma_start3A_190 = arith.constant 0 : i32
    %dma_start3A_191 = tpu.memref_slice %arg6[%dma_start3A_188, %dma_start3A_189, %dma_start3A_190] : memref<2x896x64xf32, #tpu.memory_space<vmem>> -> memref<1x896x64xf32, #tpu.memory_space<vmem>>
    %dma_start3A_192 = tpu.memref_squeeze %dma_start3A_191 : memref<1x896x64xf32, #tpu.memory_space<vmem>> -> memref<896x64xf32, #tpu.memory_space<vmem>>
    %dma_start3A_193 = arith.constant 504 : i32
    %dma_start3A_194 = arith.constant 0 : i32
    %dma_start3A_195 = tpu.memref_slice %dma_start3A_192[%dma_start3A_193, %dma_start3A_194] : memref<896x64xf32, #tpu.memory_space<vmem>> -> memref<50x64xf32, #tpu.memory_space<vmem>>
    %dma_start3A_196 = arith.constant 0 : i32
    %dma_start3A_197 = arith.constant 0 : i32
    %dma_start3A_198 = tpu.memref_slice %arg5[%dma_start3A_186, %dma_start3A_196, %dma_start3A_197] : memref<2x16x50xi32, #tpu.memory_space<vmem>> -> memref<1x16x50xi32, #tpu.memory_space<vmem>>
    %dma_start3A_199 = tpu.memref_squeeze %dma_start3A_198 : memref<1x16x50xi32, #tpu.memory_space<vmem>> -> memref<16x50xi32, #tpu.memory_space<vmem>>
    %dma_start3A_200 = arith.constant 0 : i32
    %dma_start3A_201 = tpu.memref_slice %dma_start3A_199[%dma_start3A_187, %dma_start3A_200] : memref<16x50xi32, #tpu.memory_space<vmem>> -> memref<1x50xi32, #tpu.memory_space<vmem>>
    %dma_start3A_202 = tpu.memref_squeeze %dma_start3A_201 : memref<1x50xi32, #tpu.memory_space<vmem>> -> memref<50xi32, #tpu.memory_space<vmem>>
    %dma_start3A_203 = arith.constant 0 : i32
    %dma_start3A_204 = arith.constant 0 : i32
    %dma_start3A_205 = tpu.memref_slice %arg2[%dma_start3A_203, %dma_start3A_204] : memref<2000000x64xf32, #tpu.memory_space<hbm>> -> memref<2000000x64xf32, #tpu.memory_space<hbm>>
    tpu.enqueue_indirect_dma source(%dma_start3A_205 : memref<2000000x64xf32, #tpu.memory_space<hbm>>) target(%dma_start3A_195 : memref<50x64xf32, #tpu.memory_space<vmem>>) offsets(%dma_start3A_202 : memref<50xi32, #tpu.memory_space<vmem>>) semaphore(%arg7 : memref<!tpu.dma_semaphore, #tpu.memory_space<semaphore_mem>>)
    %dma_start3A_206 = arith.constant 0 : i32
    %dma_start3A_207 = arith.constant 10 : i32
    %dma_start3A_208 = arith.constant 0 : i32
    %dma_start3A_209 = arith.constant 0 : i32
    %dma_start3A_210 = arith.constant 0 : i32
    %dma_start3A_211 = tpu.memref_slice %arg6[%dma_start3A_208, %dma_start3A_209, %dma_start3A_210] : memref<2x896x64xf32, #tpu.memory_space<vmem>> -> memref<1x896x64xf32, #tpu.memory_space<vmem>>
    %dma_start3A_212 = tpu.memref_squeeze %dma_start3A_211 : memref<1x896x64xf32, #tpu.memory_space<vmem>> -> memref<896x64xf32, #tpu.memory_space<vmem>>
    %dma_start3A_213 = arith.constant 560 : i32
    %dma_start3A_214 = arith.constant 0 : i32
    %dma_start3A_215 = tpu.memref_slice %dma_start3A_212[%dma_start3A_213, %dma_start3A_214] : memref<896x64xf32, #tpu.memory_space<vmem>> -> memref<50x64xf32, #tpu.memory_space<vmem>>
    %dma_start3A_216 = arith.constant 0 : i32
    %dma_start3A_217 = arith.constant 0 : i32
    %dma_start3A_218 = tpu.memref_slice %arg5[%dma_start3A_206, %dma_start3A_216, %dma_start3A_217] : memref<2x16x50xi32, #tpu.memory_space<vmem>> -> memref<1x16x50xi32, #tpu.memory_space<vmem>>
    %dma_start3A_219 = tpu.memref_squeeze %dma_start3A_218 : memref<1x16x50xi32, #tpu.memory_space<vmem>> -> memref<16x50xi32, #tpu.memory_space<vmem>>
    %dma_start3A_220 = arith.constant 0 : i32
    %dma_start3A_221 = tpu.memref_slice %dma_start3A_219[%dma_start3A_207, %dma_start3A_220] : memref<16x50xi32, #tpu.memory_space<vmem>> -> memref<1x50xi32, #tpu.memory_space<vmem>>
    %dma_start3A_222 = tpu.memref_squeeze %dma_start3A_221 : memref<1x50xi32, #tpu.memory_space<vmem>> -> memref<50xi32, #tpu.memory_space<vmem>>
    %dma_start3A_223 = arith.constant 0 : i32
    %dma_start3A_224 = arith.constant 0 : i32
    %dma_start3A_225 = tpu.memref_slice %arg2[%dma_start3A_223, %dma_start3A_224] : memref<2000000x64xf32, #tpu.memory_space<hbm>> -> memref<2000000x64xf32, #tpu.memory_space<hbm>>
    tpu.enqueue_indirect_dma source(%dma_start3A_225 : memref<2000000x64xf32, #tpu.memory_space<hbm>>) target(%dma_start3A_215 : memref<50x64xf32, #tpu.memory_space<vmem>>) offsets(%dma_start3A_222 : memref<50xi32, #tpu.memory_space<vmem>>) semaphore(%arg7 : memref<!tpu.dma_semaphore, #tpu.memory_space<semaphore_mem>>)
    %dma_start3A_226 = arith.constant 0 : i32
    %dma_start3A_227 = arith.constant 11 : i32
    %dma_start3A_228 = arith.constant 0 : i32
    %dma_start3A_229 = arith.constant 0 : i32
    %dma_start3A_230 = arith.constant 0 : i32
    %dma_start3A_231 = tpu.memref_slice %arg6[%dma_start3A_228, %dma_start3A_229, %dma_start3A_230] : memref<2x896x64xf32, #tpu.memory_space<vmem>> -> memref<1x896x64xf32, #tpu.memory_space<vmem>>
    %dma_start3A_232 = tpu.memref_squeeze %dma_start3A_231 : memref<1x896x64xf32, #tpu.memory_space<vmem>> -> memref<896x64xf32, #tpu.memory_space<vmem>>
    %dma_start3A_233 = arith.constant 616 : i32
    %dma_start3A_234 = arith.constant 0 : i32
    %dma_start3A_235 = tpu.memref_slice %dma_start3A_232[%dma_start3A_233, %dma_start3A_234] : memref<896x64xf32, #tpu.memory_space<vmem>> -> memref<50x64xf32, #tpu.memory_space<vmem>>
    %dma_start3A_236 = arith.constant 0 : i32
    %dma_start3A_237 = arith.constant 0 : i32
    %dma_start3A_238 = tpu.memref_slice %arg5[%dma_start3A_226, %dma_start3A_236, %dma_start3A_237] : memref<2x16x50xi32, #tpu.memory_space<vmem>> -> memref<1x16x50xi32, #tpu.memory_space<vmem>>
    %dma_start3A_239 = tpu.memref_squeeze %dma_start3A_238 : memref<1x16x50xi32, #tpu.memory_space<vmem>> -> memref<16x50xi32, #tpu.memory_space<vmem>>
    %dma_start3A_240 = arith.constant 0 : i32
    %dma_start3A_241 = tpu.memref_slice %dma_start3A_239[%dma_start3A_227, %dma_start3A_240] : memref<16x50xi32, #tpu.memory_space<vmem>> -> memref<1x50xi32, #tpu.memory_space<vmem>>
    %dma_start3A_242 = tpu.memref_squeeze %dma_start3A_241 : memref<1x50xi32, #tpu.memory_space<vmem>> -> memref<50xi32, #tpu.memory_space<vmem>>
    %dma_start3A_243 = arith.constant 0 : i32
    %dma_start3A_244 = arith.constant 0 : i32
    %dma_start3A_245 = tpu.memref_slice %arg2[%dma_start3A_243, %dma_start3A_244] : memref<2000000x64xf32, #tpu.memory_space<hbm>> -> memref<2000000x64xf32, #tpu.memory_space<hbm>>
    tpu.enqueue_indirect_dma source(%dma_start3A_245 : memref<2000000x64xf32, #tpu.memory_space<hbm>>) target(%dma_start3A_235 : memref<50x64xf32, #tpu.memory_space<vmem>>) offsets(%dma_start3A_242 : memref<50xi32, #tpu.memory_space<vmem>>) semaphore(%arg7 : memref<!tpu.dma_semaphore, #tpu.memory_space<semaphore_mem>>)
    %dma_start3A_246 = arith.constant 0 : i32
    %dma_start3A_247 = arith.constant 12 : i32
    %dma_start3A_248 = arith.constant 0 : i32
    %dma_start3A_249 = arith.constant 0 : i32
    %dma_start3A_250 = arith.constant 0 : i32
    %dma_start3A_251 = tpu.memref_slice %arg6[%dma_start3A_248, %dma_start3A_249, %dma_start3A_250] : memref<2x896x64xf32, #tpu.memory_space<vmem>> -> memref<1x896x64xf32, #tpu.memory_space<vmem>>
    %dma_start3A_252 = tpu.memref_squeeze %dma_start3A_251 : memref<1x896x64xf32, #tpu.memory_space<vmem>> -> memref<896x64xf32, #tpu.memory_space<vmem>>
    %dma_start3A_253 = arith.constant 672 : i32
    %dma_start3A_254 = arith.constant 0 : i32
    %dma_start3A_255 = tpu.memref_slice %dma_start3A_252[%dma_start3A_253, %dma_start3A_254] : memref<896x64xf32, #tpu.memory_space<vmem>> -> memref<50x64xf32, #tpu.memory_space<vmem>>
    %dma_start3A_256 = arith.constant 0 : i32
    %dma_start3A_257 = arith.constant 0 : i32
    %dma_start3A_258 = tpu.memref_slice %arg5[%dma_start3A_246, %dma_start3A_256, %dma_start3A_257] : memref<2x16x50xi32, #tpu.memory_space<vmem>> -> memref<1x16x50xi32, #tpu.memory_space<vmem>>
    %dma_start3A_259 = tpu.memref_squeeze %dma_start3A_258 : memref<1x16x50xi32, #tpu.memory_space<vmem>> -> memref<16x50xi32, #tpu.memory_space<vmem>>
    %dma_start3A_260 = arith.constant 0 : i32
    %dma_start3A_261 = tpu.memref_slice %dma_start3A_259[%dma_start3A_247, %dma_start3A_260] : memref<16x50xi32, #tpu.memory_space<vmem>> -> memref<1x50xi32, #tpu.memory_space<vmem>>
    %dma_start3A_262 = tpu.memref_squeeze %dma_start3A_261 : memref<1x50xi32, #tpu.memory_space<vmem>> -> memref<50xi32, #tpu.memory_space<vmem>>
    %dma_start3A_263 = arith.constant 0 : i32
    %dma_start3A_264 = arith.constant 0 : i32
    %dma_start3A_265 = tpu.memref_slice %arg2[%dma_start3A_263, %dma_start3A_264] : memref<2000000x64xf32, #tpu.memory_space<hbm>> -> memref<2000000x64xf32, #tpu.memory_space<hbm>>
    tpu.enqueue_indirect_dma source(%dma_start3A_265 : memref<2000000x64xf32, #tpu.memory_space<hbm>>) target(%dma_start3A_255 : memref<50x64xf32, #tpu.memory_space<vmem>>) offsets(%dma_start3A_262 : memref<50xi32, #tpu.memory_space<vmem>>) semaphore(%arg7 : memref<!tpu.dma_semaphore, #tpu.memory_space<semaphore_mem>>)
    %dma_start3A_266 = arith.constant 0 : i32
    %dma_start3A_267 = arith.constant 13 : i32
    %dma_start3A_268 = arith.constant 0 : i32
    %dma_start3A_269 = arith.constant 0 : i32
    %dma_start3A_270 = arith.constant 0 : i32
    %dma_start3A_271 = tpu.memref_slice %arg6[%dma_start3A_268, %dma_start3A_269, %dma_start3A_270] : memref<2x896x64xf32, #tpu.memory_space<vmem>> -> memref<1x896x64xf32, #tpu.memory_space<vmem>>
    %dma_start3A_272 = tpu.memref_squeeze %dma_start3A_271 : memref<1x896x64xf32, #tpu.memory_space<vmem>> -> memref<896x64xf32, #tpu.memory_space<vmem>>
    %dma_start3A_273 = arith.constant 728 : i32
    %dma_start3A_274 = arith.constant 0 : i32
    %dma_start3A_275 = tpu.memref_slice %dma_start3A_272[%dma_start3A_273, %dma_start3A_274] : memref<896x64xf32, #tpu.memory_space<vmem>> -> memref<50x64xf32, #tpu.memory_space<vmem>>
    %dma_start3A_276 = arith.constant 0 : i32
    %dma_start3A_277 = arith.constant 0 : i32
    %dma_start3A_278 = tpu.memref_slice %arg5[%dma_start3A_266, %dma_start3A_276, %dma_start3A_277] : memref<2x16x50xi32, #tpu.memory_space<vmem>> -> memref<1x16x50xi32, #tpu.memory_space<vmem>>
    %dma_start3A_279 = tpu.memref_squeeze %dma_start3A_278 : memref<1x16x50xi32, #tpu.memory_space<vmem>> -> memref<16x50xi32, #tpu.memory_space<vmem>>
    %dma_start3A_280 = arith.constant 0 : i32
    %dma_start3A_281 = tpu.memref_slice %dma_start3A_279[%dma_start3A_267, %dma_start3A_280] : memref<16x50xi32, #tpu.memory_space<vmem>> -> memref<1x50xi32, #tpu.memory_space<vmem>>
    %dma_start3A_282 = tpu.memref_squeeze %dma_start3A_281 : memref<1x50xi32, #tpu.memory_space<vmem>> -> memref<50xi32, #tpu.memory_space<vmem>>
    %dma_start3A_283 = arith.constant 0 : i32
    %dma_start3A_284 = arith.constant 0 : i32
    %dma_start3A_285 = tpu.memref_slice %arg2[%dma_start3A_283, %dma_start3A_284] : memref<2000000x64xf32, #tpu.memory_space<hbm>> -> memref<2000000x64xf32, #tpu.memory_space<hbm>>
    tpu.enqueue_indirect_dma source(%dma_start3A_285 : memref<2000000x64xf32, #tpu.memory_space<hbm>>) target(%dma_start3A_275 : memref<50x64xf32, #tpu.memory_space<vmem>>) offsets(%dma_start3A_282 : memref<50xi32, #tpu.memory_space<vmem>>) semaphore(%arg7 : memref<!tpu.dma_semaphore, #tpu.memory_space<semaphore_mem>>)
    %dma_start3A_286 = arith.constant 0 : i32
    %dma_start3A_287 = arith.constant 14 : i32
    %dma_start3A_288 = arith.constant 0 : i32
    %dma_start3A_289 = arith.constant 0 : i32
    %dma_start3A_290 = arith.constant 0 : i32
    %dma_start3A_291 = tpu.memref_slice %arg6[%dma_start3A_288, %dma_start3A_289, %dma_start3A_290] : memref<2x896x64xf32, #tpu.memory_space<vmem>> -> memref<1x896x64xf32, #tpu.memory_space<vmem>>
    %dma_start3A_292 = tpu.memref_squeeze %dma_start3A_291 : memref<1x896x64xf32, #tpu.memory_space<vmem>> -> memref<896x64xf32, #tpu.memory_space<vmem>>
    %dma_start3A_293 = arith.constant 784 : i32
    %dma_start3A_294 = arith.constant 0 : i32
    %dma_start3A_295 = tpu.memref_slice %dma_start3A_292[%dma_start3A_293, %dma_start3A_294] : memref<896x64xf32, #tpu.memory_space<vmem>> -> memref<50x64xf32, #tpu.memory_space<vmem>>
    %dma_start3A_296 = arith.constant 0 : i32
    %dma_start3A_297 = arith.constant 0 : i32
    %dma_start3A_298 = tpu.memref_slice %arg5[%dma_start3A_286, %dma_start3A_296, %dma_start3A_297] : memref<2x16x50xi32, #tpu.memory_space<vmem>> -> memref<1x16x50xi32, #tpu.memory_space<vmem>>
    %dma_start3A_299 = tpu.memref_squeeze %dma_start3A_298 : memref<1x16x50xi32, #tpu.memory_space<vmem>> -> memref<16x50xi32, #tpu.memory_space<vmem>>
    %dma_start3A_300 = arith.constant 0 : i32
    %dma_start3A_301 = tpu.memref_slice %dma_start3A_299[%dma_start3A_287, %dma_start3A_300] : memref<16x50xi32, #tpu.memory_space<vmem>> -> memref<1x50xi32, #tpu.memory_space<vmem>>
    %dma_start3A_302 = tpu.memref_squeeze %dma_start3A_301 : memref<1x50xi32, #tpu.memory_space<vmem>> -> memref<50xi32, #tpu.memory_space<vmem>>
    %dma_start3A_303 = arith.constant 0 : i32
    %dma_start3A_304 = arith.constant 0 : i32
    %dma_start3A_305 = tpu.memref_slice %arg2[%dma_start3A_303, %dma_start3A_304] : memref<2000000x64xf32, #tpu.memory_space<hbm>> -> memref<2000000x64xf32, #tpu.memory_space<hbm>>
    tpu.enqueue_indirect_dma source(%dma_start3A_305 : memref<2000000x64xf32, #tpu.memory_space<hbm>>) target(%dma_start3A_295 : memref<50x64xf32, #tpu.memory_space<vmem>>) offsets(%dma_start3A_302 : memref<50xi32, #tpu.memory_space<vmem>>) semaphore(%arg7 : memref<!tpu.dma_semaphore, #tpu.memory_space<semaphore_mem>>)
    %dma_start3A_306 = arith.constant 0 : i32
    %dma_start3A_307 = arith.constant 15 : i32
    %dma_start3A_308 = arith.constant 0 : i32
    %dma_start3A_309 = arith.constant 0 : i32
    %dma_start3A_310 = arith.constant 0 : i32
    %dma_start3A_311 = tpu.memref_slice %arg6[%dma_start3A_308, %dma_start3A_309, %dma_start3A_310] : memref<2x896x64xf32, #tpu.memory_space<vmem>> -> memref<1x896x64xf32, #tpu.memory_space<vmem>>
    %dma_start3A_312 = tpu.memref_squeeze %dma_start3A_311 : memref<1x896x64xf32, #tpu.memory_space<vmem>> -> memref<896x64xf32, #tpu.memory_space<vmem>>
    %dma_start3A_313 = arith.constant 840 : i32
    %dma_start3A_314 = arith.constant 0 : i32
    %dma_start3A_315 = tpu.memref_slice %dma_start3A_312[%dma_start3A_313, %dma_start3A_314] : memref<896x64xf32, #tpu.memory_space<vmem>> -> memref<50x64xf32, #tpu.memory_space<vmem>>
    %dma_start3A_316 = arith.constant 0 : i32
    %dma_start3A_317 = arith.constant 0 : i32
    %dma_start3A_318 = tpu.memref_slice %arg5[%dma_start3A_306, %dma_start3A_316, %dma_start3A_317] : memref<2x16x50xi32, #tpu.memory_space<vmem>> -> memref<1x16x50xi32, #tpu.memory_space<vmem>>
    %dma_start3A_319 = tpu.memref_squeeze %dma_start3A_318 : memref<1x16x50xi32, #tpu.memory_space<vmem>> -> memref<16x50xi32, #tpu.memory_space<vmem>>
    %dma_start3A_320 = arith.constant 0 : i32
    %dma_start3A_321 = tpu.memref_slice %dma_start3A_319[%dma_start3A_307, %dma_start3A_320] : memref<16x50xi32, #tpu.memory_space<vmem>> -> memref<1x50xi32, #tpu.memory_space<vmem>>
    %dma_start3A_322 = tpu.memref_squeeze %dma_start3A_321 : memref<1x50xi32, #tpu.memory_space<vmem>> -> memref<50xi32, #tpu.memory_space<vmem>>
    %dma_start3A_323 = arith.constant 0 : i32
    %dma_start3A_324 = arith.constant 0 : i32
    %dma_start3A_325 = tpu.memref_slice %arg2[%dma_start3A_323, %dma_start3A_324] : memref<2000000x64xf32, #tpu.memory_space<hbm>> -> memref<2000000x64xf32, #tpu.memory_space<hbm>>
    tpu.enqueue_indirect_dma source(%dma_start3A_325 : memref<2000000x64xf32, #tpu.memory_space<hbm>>) target(%dma_start3A_315 : memref<50x64xf32, #tpu.memory_space<vmem>>) offsets(%dma_start3A_322 : memref<50xi32, #tpu.memory_space<vmem>>) semaphore(%arg7 : memref<!tpu.dma_semaphore, #tpu.memory_space<semaphore_mem>>)
    %scan3A = arith.constant 0 : i32
    %scan3A_326 = arith.constant 16 : i32
    %scan3A_327 = arith.addi %scan3A, %scan3A_326 : i32
    %scan3A_328 = arith.constant 1 : i32
    scf.for %scan3A_359 = %scan3A to %scan3A_327 step %scan3A_328  : i32 {
      %mul3A_360 = arith.constant 2 : i32
      %mul3A_361 = arith.muli %scan3A_359, %mul3A_360 : i32
      %add3A_362 = arith.constant 0 : i32
      %add3A_363 = arith.addi %add3A_362, %mul3A_361 : i32
      %add3A_364 = arith.constant 0 : i32
      %add3A_365 = arith.addi %add3A_363, %add3A_364 : i32
      %add3A_366 = arith.constant 1 : i32
      %add3A_367 = arith.addi %add3A_365, %add3A_366 : i32
      %lt3A = arith.constant 32 : i32
      %lt3A_368 = arith.cmpi slt, %add3A_367, %lt3A : i32
      %convert_element_type3A = arith.extui %lt3A_368 : i1 to i32
      %cond3A = arith.constant 0 : i32
      %cond3A_369 = arith.cmpi ne, %convert_element_type3A, %cond3A : i32
      scf.if %cond3A_369 {
        %ge3A = arith.constant 1 : i32
        %ge3A_1051 = arith.cmpi sge, %add3A_365, %ge3A : i32
        %convert_element_type3A_1052 = arith.extui %ge3A_1051 : i1 to i32
        %cond3A_1053 = arith.constant 0 : i32
        %cond3A_1054 = arith.cmpi ne, %convert_element_type3A_1052, %cond3A_1053 : i32
        scf.if %cond3A_1054 {
          %sub3A = arith.constant 1 : i32
          %sub3A_1379 = arith.subi %add3A_365, %sub3A : i32
          %mul3A_1380 = arith.constant 896 : i32
          %mul3A_1381 = arith.muli %sub3A_1379, %mul3A_1380 : i32
          %add3A_1382 = arith.addi %mul3A_4, %mul3A_1381 : i32
          %dma_wait3A_1383 = arith.constant 1 : i32
          %dma_wait3A_1384 = arith.constant 0 : i32
          %dma_wait3A_1385 = arith.constant 0 : i32
          %dma_wait3A_1386 = tpu.memref_slice %arg6[%dma_wait3A_1383, %dma_wait3A_1384, %dma_wait3A_1385] : memref<2x896x64xf32, #tpu.memory_space<vmem>> -> memref<1x896x64xf32, #tpu.memory_space<vmem>>
          %dma_wait3A_1387 = tpu.memref_squeeze %dma_wait3A_1386 : memref<1x896x64xf32, #tpu.memory_space<vmem>> -> memref<896x64xf32, #tpu.memory_space<vmem>>
          %dma_wait3A_1388 = arith.constant 0 : i32
          %dma_wait3A_1389 = tpu.memref_slice %arg4[%add3A_1382, %dma_wait3A_1388] : memref<917504x128xf32, #tpu.memory_space<hbm>> -> memref<896x64xf32, #tpu.memory_space<hbm>>
          %dma_wait3A_1390 = arith.constant 0 : i32
          %dma_wait3A_1391 = tpu.memref_slice %arg4[%add3A_1382, %dma_wait3A_1390] : memref<917504x128xf32, #tpu.memory_space<hbm>> -> memref<896x64xf32, #tpu.memory_space<hbm>>
          %dma_wait3A_1392 = arith.constant 0 : i32
          %dma_wait3A_1393 = arith.constant 0 : i32
          %dma_wait3A_1394 = tpu.memref_slice %arg6[%dma_wait3A_1383, %dma_wait3A_1392, %dma_wait3A_1393] : memref<2x896x64xf32, #tpu.memory_space<vmem>> -> memref<1x896x64xf32, #tpu.memory_space<vmem>>
          %dma_wait3A_1395 = tpu.memref_squeeze %dma_wait3A_1394 : memref<1x896x64xf32, #tpu.memory_space<vmem>> -> memref<896x64xf32, #tpu.memory_space<vmem>>
          tpu.wait_dma2 semaphore(%arg10 : memref<!tpu.dma_semaphore, #tpu.memory_space<semaphore_mem>>) src(%dma_wait3A_1395 : memref<896x64xf32, #tpu.memory_space<vmem>>) dst(%dma_wait3A_1391 : memref<896x64xf32, #tpu.memory_space<hbm>>)
        } else {
        }
        %mul3A_1055 = arith.constant 16 : i32
        %mul3A_1056 = arith.muli %add3A_367, %mul3A_1055 : i32
        %add3A_1057 = arith.addi %mul3A_2, %mul3A_1056 : i32
        %run_scoped3A_1058 = arith.constant 1 : i32
        "tpu.region"() ({
          %run_scoped3A_1379 = tpu.sem_alloc : memref<!tpu.dma_semaphore, #tpu.memory_space<semaphore_mem>>
          %dma_start3A_1380 = arith.constant 0 : i32
          %dma_start3A_1381 = arith.constant 0 : i32
          %dma_start3A_1382 = tpu.memref_slice %arg5[%run_scoped3A_1058, %dma_start3A_1380, %dma_start3A_1381] : memref<2x16x50xi32, #tpu.memory_space<vmem>> -> memref<1x16x50xi32, #tpu.memory_space<vmem>>
          %dma_start3A_1383 = tpu.memref_squeeze %dma_start3A_1382 : memref<1x16x50xi32, #tpu.memory_space<vmem>> -> memref<16x50xi32, #tpu.memory_space<vmem>>
          %dma_start3A_1384 = arith.constant 0 : i32
          %dma_start3A_1385 = tpu.memref_slice %arg3[%add3A_1057, %dma_start3A_1384] : memref<16384x50xi32, #tpu.memory_space<hbm>> -> memref<16x50xi32, #tpu.memory_space<hbm>>
          %dma_start3A_1386 = arith.constant 0 : i32
          %dma_start3A_1387 = arith.constant 0 : i32
          %dma_start3A_1388 = tpu.memref_slice %arg5[%run_scoped3A_1058, %dma_start3A_1386, %dma_start3A_1387] : memref<2x16x50xi32, #tpu.memory_space<vmem>> -> memref<1x16x50xi32, #tpu.memory_space<vmem>>
          %dma_start3A_1389 = tpu.memref_squeeze %dma_start3A_1388 : memref<1x16x50xi32, #tpu.memory_space<vmem>> -> memref<16x50xi32, #tpu.memory_space<vmem>>
          %dma_start3A_1390 = arith.constant 0 : i32
          %dma_start3A_1391 = tpu.memref_slice %arg3[%add3A_1057, %dma_start3A_1390] : memref<16384x50xi32, #tpu.memory_space<hbm>> -> memref<16x50xi32, #tpu.memory_space<hbm>>
          tpu.enqueue_dma source(%dma_start3A_1391 : memref<16x50xi32, #tpu.memory_space<hbm>>) target(%dma_start3A_1389 : memref<16x50xi32, #tpu.memory_space<vmem>>) target_semaphore(%run_scoped3A_1379 : memref<!tpu.dma_semaphore, #tpu.memory_space<semaphore_mem>>)
          %dma_wait3A_1392 = arith.constant 0 : i32
          %dma_wait3A_1393 = arith.constant 0 : i32
          %dma_wait3A_1394 = tpu.memref_slice %arg5[%run_scoped3A_1058, %dma_wait3A_1392, %dma_wait3A_1393] : memref<2x16x50xi32, #tpu.memory_space<vmem>> -> memref<1x16x50xi32, #tpu.memory_space<vmem>>
          %dma_wait3A_1395 = tpu.memref_squeeze %dma_wait3A_1394 : memref<1x16x50xi32, #tpu.memory_space<vmem>> -> memref<16x50xi32, #tpu.memory_space<vmem>>
          %dma_wait3A_1396 = arith.constant 0 : i32
          %dma_wait3A_1397 = tpu.memref_slice %arg3[%add3A_1057, %dma_wait3A_1396] : memref<16384x50xi32, #tpu.memory_space<hbm>> -> memref<16x50xi32, #tpu.memory_space<hbm>>
          %dma_wait3A_1398 = arith.constant 0 : i32
          %dma_wait3A_1399 = arith.constant 0 : i32
          %dma_wait3A_1400 = tpu.memref_slice %arg5[%run_scoped3A_1058, %dma_wait3A_1398, %dma_wait3A_1399] : memref<2x16x50xi32, #tpu.memory_space<vmem>> -> memref<1x16x50xi32, #tpu.memory_space<vmem>>
          %dma_wait3A_1401 = tpu.memref_squeeze %dma_wait3A_1400 : memref<1x16x50xi32, #tpu.memory_space<vmem>> -> memref<16x50xi32, #tpu.memory_space<vmem>>
          %dma_wait3A_1402 = arith.constant 0 : i32
          %dma_wait3A_1403 = tpu.memref_slice %arg3[%add3A_1057, %dma_wait3A_1402] : memref<16384x50xi32, #tpu.memory_space<hbm>> -> memref<16x50xi32, #tpu.memory_space<hbm>>
          tpu.wait_dma2 semaphore(%run_scoped3A_1379 : memref<!tpu.dma_semaphore, #tpu.memory_space<semaphore_mem>>) src(%dma_wait3A_1403 : memref<16x50xi32, #tpu.memory_space<hbm>>) dst(%dma_wait3A_1401 : memref<16x50xi32, #tpu.memory_space<vmem>>)
          tpu.yield
        }) : () -> ()
        %dma_start3A_1059 = arith.constant 1 : i32
        %dma_start3A_1060 = arith.constant 0 : i32
        %dma_start3A_1061 = arith.constant 1 : i32
        %dma_start3A_1062 = arith.constant 0 : i32
        %dma_start3A_1063 = arith.constant 0 : i32
        %dma_start3A_1064 = tpu.memref_slice %arg6[%dma_start3A_1061, %dma_start3A_1062, %dma_start3A_1063] : memref<2x896x64xf32, #tpu.memory_space<vmem>> -> memref<1x896x64xf32, #tpu.memory_space<vmem>>
        %dma_start3A_1065 = tpu.memref_squeeze %dma_start3A_1064 : memref<1x896x64xf32, #tpu.memory_space<vmem>> -> memref<896x64xf32, #tpu.memory_space<vmem>>
        %dma_start3A_1066 = arith.constant 0 : i32
        %dma_start3A_1067 = arith.constant 0 : i32
        %dma_start3A_1068 = tpu.memref_slice %dma_start3A_1065[%dma_start3A_1066, %dma_start3A_1067] : memref<896x64xf32, #tpu.memory_space<vmem>> -> memref<50x64xf32, #tpu.memory_space<vmem>>
        %dma_start3A_1069 = arith.constant 0 : i32
        %dma_start3A_1070 = arith.constant 0 : i32
        %dma_start3A_1071 = tpu.memref_slice %arg5[%dma_start3A_1059, %dma_start3A_1069, %dma_start3A_1070] : memref<2x16x50xi32, #tpu.memory_space<vmem>> -> memref<1x16x50xi32, #tpu.memory_space<vmem>>
        %dma_start3A_1072 = tpu.memref_squeeze %dma_start3A_1071 : memref<1x16x50xi32, #tpu.memory_space<vmem>> -> memref<16x50xi32, #tpu.memory_space<vmem>>
        %dma_start3A_1073 = arith.constant 0 : i32
        %dma_start3A_1074 = tpu.memref_slice %dma_start3A_1072[%dma_start3A_1060, %dma_start3A_1073] : memref<16x50xi32, #tpu.memory_space<vmem>> -> memref<1x50xi32, #tpu.memory_space<vmem>>
        %dma_start3A_1075 = tpu.memref_squeeze %dma_start3A_1074 : memref<1x50xi32, #tpu.memory_space<vmem>> -> memref<50xi32, #tpu.memory_space<vmem>>
        %dma_start3A_1076 = arith.constant 0 : i32
        %dma_start3A_1077 = arith.constant 0 : i32
        %dma_start3A_1078 = tpu.memref_slice %arg2[%dma_start3A_1076, %dma_start3A_1077] : memref<2000000x64xf32, #tpu.memory_space<hbm>> -> memref<2000000x64xf32, #tpu.memory_space<hbm>>
        tpu.enqueue_indirect_dma source(%dma_start3A_1078 : memref<2000000x64xf32, #tpu.memory_space<hbm>>) target(%dma_start3A_1068 : memref<50x64xf32, #tpu.memory_space<vmem>>) offsets(%dma_start3A_1075 : memref<50xi32, #tpu.memory_space<vmem>>) semaphore(%arg8 : memref<!tpu.dma_semaphore, #tpu.memory_space<semaphore_mem>>)
        %dma_start3A_1079 = arith.constant 1 : i32
        %dma_start3A_1080 = arith.constant 1 : i32
        %dma_start3A_1081 = arith.constant 1 : i32
        %dma_start3A_1082 = arith.constant 0 : i32
        %dma_start3A_1083 = arith.constant 0 : i32
        %dma_start3A_1084 = tpu.memref_slice %arg6[%dma_start3A_1081, %dma_start3A_1082, %dma_start3A_1083] : memref<2x896x64xf32, #tpu.memory_space<vmem>> -> memref<1x896x64xf32, #tpu.memory_space<vmem>>
        %dma_start3A_1085 = tpu.memref_squeeze %dma_start3A_1084 : memref<1x896x64xf32, #tpu.memory_space<vmem>> -> memref<896x64xf32, #tpu.memory_space<vmem>>
        %dma_start3A_1086 = arith.constant 56 : i32
        %dma_start3A_1087 = arith.constant 0 : i32
        %dma_start3A_1088 = tpu.memref_slice %dma_start3A_1085[%dma_start3A_1086, %dma_start3A_1087] : memref<896x64xf32, #tpu.memory_space<vmem>> -> memref<50x64xf32, #tpu.memory_space<vmem>>
        %dma_start3A_1089 = arith.constant 0 : i32
        %dma_start3A_1090 = arith.constant 0 : i32
        %dma_start3A_1091 = tpu.memref_slice %arg5[%dma_start3A_1079, %dma_start3A_1089, %dma_start3A_1090] : memref<2x16x50xi32, #tpu.memory_space<vmem>> -> memref<1x16x50xi32, #tpu.memory_space<vmem>>
        %dma_start3A_1092 = tpu.memref_squeeze %dma_start3A_1091 : memref<1x16x50xi32, #tpu.memory_space<vmem>> -> memref<16x50xi32, #tpu.memory_space<vmem>>
        %dma_start3A_1093 = arith.constant 0 : i32
        %dma_start3A_1094 = tpu.memref_slice %dma_start3A_1092[%dma_start3A_1080, %dma_start3A_1093] : memref<16x50xi32, #tpu.memory_space<vmem>> -> memref<1x50xi32, #tpu.memory_space<vmem>>
        %dma_start3A_1095 = tpu.memref_squeeze %dma_start3A_1094 : memref<1x50xi32, #tpu.memory_space<vmem>> -> memref<50xi32, #tpu.memory_space<vmem>>
        %dma_start3A_1096 = arith.constant 0 : i32
        %dma_start3A_1097 = arith.constant 0 : i32
        %dma_start3A_1098 = tpu.memref_slice %arg2[%dma_start3A_1096, %dma_start3A_1097] : memref<2000000x64xf32, #tpu.memory_space<hbm>> -> memref<2000000x64xf32, #tpu.memory_space<hbm>>
        tpu.enqueue_indirect_dma source(%dma_start3A_1098 : memref<2000000x64xf32, #tpu.memory_space<hbm>>) target(%dma_start3A_1088 : memref<50x64xf32, #tpu.memory_space<vmem>>) offsets(%dma_start3A_1095 : memref<50xi32, #tpu.memory_space<vmem>>) semaphore(%arg8 : memref<!tpu.dma_semaphore, #tpu.memory_space<semaphore_mem>>)
        %dma_start3A_1099 = arith.constant 1 : i32
        %dma_start3A_1100 = arith.constant 2 : i32
        %dma_start3A_1101 = arith.constant 1 : i32
        %dma_start3A_1102 = arith.constant 0 : i32
        %dma_start3A_1103 = arith.constant 0 : i32
        %dma_start3A_1104 = tpu.memref_slice %arg6[%dma_start3A_1101, %dma_start3A_1102, %dma_start3A_1103] : memref<2x896x64xf32, #tpu.memory_space<vmem>> -> memref<1x896x64xf32, #tpu.memory_space<vmem>>
        %dma_start3A_1105 = tpu.memref_squeeze %dma_start3A_1104 : memref<1x896x64xf32, #tpu.memory_space<vmem>> -> memref<896x64xf32, #tpu.memory_space<vmem>>
        %dma_start3A_1106 = arith.constant 112 : i32
        %dma_start3A_1107 = arith.constant 0 : i32
        %dma_start3A_1108 = tpu.memref_slice %dma_start3A_1105[%dma_start3A_1106, %dma_start3A_1107] : memref<896x64xf32, #tpu.memory_space<vmem>> -> memref<50x64xf32, #tpu.memory_space<vmem>>
        %dma_start3A_1109 = arith.constant 0 : i32
        %dma_start3A_1110 = arith.constant 0 : i32
        %dma_start3A_1111 = tpu.memref_slice %arg5[%dma_start3A_1099, %dma_start3A_1109, %dma_start3A_1110] : memref<2x16x50xi32, #tpu.memory_space<vmem>> -> memref<1x16x50xi32, #tpu.memory_space<vmem>>
        %dma_start3A_1112 = tpu.memref_squeeze %dma_start3A_1111 : memref<1x16x50xi32, #tpu.memory_space<vmem>> -> memref<16x50xi32, #tpu.memory_space<vmem>>
        %dma_start3A_1113 = arith.constant 0 : i32
        %dma_start3A_1114 = tpu.memref_slice %dma_start3A_1112[%dma_start3A_1100, %dma_start3A_1113] : memref<16x50xi32, #tpu.memory_space<vmem>> -> memref<1x50xi32, #tpu.memory_space<vmem>>
        %dma_start3A_1115 = tpu.memref_squeeze %dma_start3A_1114 : memref<1x50xi32, #tpu.memory_space<vmem>> -> memref<50xi32, #tpu.memory_space<vmem>>
        %dma_start3A_1116 = arith.constant 0 : i32
        %dma_start3A_1117 = arith.constant 0 : i32
        %dma_start3A_1118 = tpu.memref_slice %arg2[%dma_start3A_1116, %dma_start3A_1117] : memref<2000000x64xf32, #tpu.memory_space<hbm>> -> memref<2000000x64xf32, #tpu.memory_space<hbm>>
        tpu.enqueue_indirect_dma source(%dma_start3A_1118 : memref<2000000x64xf32, #tpu.memory_space<hbm>>) target(%dma_start3A_1108 : memref<50x64xf32, #tpu.memory_space<vmem>>) offsets(%dma_start3A_1115 : memref<50xi32, #tpu.memory_space<vmem>>) semaphore(%arg8 : memref<!tpu.dma_semaphore, #tpu.memory_space<semaphore_mem>>)
        %dma_start3A_1119 = arith.constant 1 : i32
        %dma_start3A_1120 = arith.constant 3 : i32
        %dma_start3A_1121 = arith.constant 1 : i32
        %dma_start3A_1122 = arith.constant 0 : i32
        %dma_start3A_1123 = arith.constant 0 : i32
        %dma_start3A_1124 = tpu.memref_slice %arg6[%dma_start3A_1121, %dma_start3A_1122, %dma_start3A_1123] : memref<2x896x64xf32, #tpu.memory_space<vmem>> -> memref<1x896x64xf32, #tpu.memory_space<vmem>>
        %dma_start3A_1125 = tpu.memref_squeeze %dma_start3A_1124 : memref<1x896x64xf32, #tpu.memory_space<vmem>> -> memref<896x64xf32, #tpu.memory_space<vmem>>
        %dma_start3A_1126 = arith.constant 168 : i32
        %dma_start3A_1127 = arith.constant 0 : i32
        %dma_start3A_1128 = tpu.memref_slice %dma_start3A_1125[%dma_start3A_1126, %dma_start3A_1127] : memref<896x64xf32, #tpu.memory_space<vmem>> -> memref<50x64xf32, #tpu.memory_space<vmem>>
        %dma_start3A_1129 = arith.constant 0 : i32
        %dma_start3A_1130 = arith.constant 0 : i32
        %dma_start3A_1131 = tpu.memref_slice %arg5[%dma_start3A_1119, %dma_start3A_1129, %dma_start3A_1130] : memref<2x16x50xi32, #tpu.memory_space<vmem>> -> memref<1x16x50xi32, #tpu.memory_space<vmem>>
        %dma_start3A_1132 = tpu.memref_squeeze %dma_start3A_1131 : memref<1x16x50xi32, #tpu.memory_space<vmem>> -> memref<16x50xi32, #tpu.memory_space<vmem>>
        %dma_start3A_1133 = arith.constant 0 : i32
        %dma_start3A_1134 = tpu.memref_slice %dma_start3A_1132[%dma_start3A_1120, %dma_start3A_1133] : memref<16x50xi32, #tpu.memory_space<vmem>> -> memref<1x50xi32, #tpu.memory_space<vmem>>
        %dma_start3A_1135 = tpu.memref_squeeze %dma_start3A_1134 : memref<1x50xi32, #tpu.memory_space<vmem>> -> memref<50xi32, #tpu.memory_space<vmem>>
        %dma_start3A_1136 = arith.constant 0 : i32
        %dma_start3A_1137 = arith.constant 0 : i32
        %dma_start3A_1138 = tpu.memref_slice %arg2[%dma_start3A_1136, %dma_start3A_1137] : memref<2000000x64xf32, #tpu.memory_space<hbm>> -> memref<2000000x64xf32, #tpu.memory_space<hbm>>
        tpu.enqueue_indirect_dma source(%dma_start3A_1138 : memref<2000000x64xf32, #tpu.memory_space<hbm>>) target(%dma_start3A_1128 : memref<50x64xf32, #tpu.memory_space<vmem>>) offsets(%dma_start3A_1135 : memref<50xi32, #tpu.memory_space<vmem>>) semaphore(%arg8 : memref<!tpu.dma_semaphore, #tpu.memory_space<semaphore_mem>>)
        %dma_start3A_1139 = arith.constant 1 : i32
        %dma_start3A_1140 = arith.constant 4 : i32
        %dma_start3A_1141 = arith.constant 1 : i32
        %dma_start3A_1142 = arith.constant 0 : i32
        %dma_start3A_1143 = arith.constant 0 : i32
        %dma_start3A_1144 = tpu.memref_slice %arg6[%dma_start3A_1141, %dma_start3A_1142, %dma_start3A_1143] : memref<2x896x64xf32, #tpu.memory_space<vmem>> -> memref<1x896x64xf32, #tpu.memory_space<vmem>>
        %dma_start3A_1145 = tpu.memref_squeeze %dma_start3A_1144 : memref<1x896x64xf32, #tpu.memory_space<vmem>> -> memref<896x64xf32, #tpu.memory_space<vmem>>
        %dma_start3A_1146 = arith.constant 224 : i32
        %dma_start3A_1147 = arith.constant 0 : i32
        %dma_start3A_1148 = tpu.memref_slice %dma_start3A_1145[%dma_start3A_1146, %dma_start3A_1147] : memref<896x64xf32, #tpu.memory_space<vmem>> -> memref<50x64xf32, #tpu.memory_space<vmem>>
        %dma_start3A_1149 = arith.constant 0 : i32
        %dma_start3A_1150 = arith.constant 0 : i32
        %dma_start3A_1151 = tpu.memref_slice %arg5[%dma_start3A_1139, %dma_start3A_1149, %dma_start3A_1150] : memref<2x16x50xi32, #tpu.memory_space<vmem>> -> memref<1x16x50xi32, #tpu.memory_space<vmem>>
        %dma_start3A_1152 = tpu.memref_squeeze %dma_start3A_1151 : memref<1x16x50xi32, #tpu.memory_space<vmem>> -> memref<16x50xi32, #tpu.memory_space<vmem>>
        %dma_start3A_1153 = arith.constant 0 : i32
        %dma_start3A_1154 = tpu.memref_slice %dma_start3A_1152[%dma_start3A_1140, %dma_start3A_1153] : memref<16x50xi32, #tpu.memory_space<vmem>> -> memref<1x50xi32, #tpu.memory_space<vmem>>
        %dma_start3A_1155 = tpu.memref_squeeze %dma_start3A_1154 : memref<1x50xi32, #tpu.memory_space<vmem>> -> memref<50xi32, #tpu.memory_space<vmem>>
        %dma_start3A_1156 = arith.constant 0 : i32
        %dma_start3A_1157 = arith.constant 0 : i32
        %dma_start3A_1158 = tpu.memref_slice %arg2[%dma_start3A_1156, %dma_start3A_1157] : memref<2000000x64xf32, #tpu.memory_space<hbm>> -> memref<2000000x64xf32, #tpu.memory_space<hbm>>
        tpu.enqueue_indirect_dma source(%dma_start3A_1158 : memref<2000000x64xf32, #tpu.memory_space<hbm>>) target(%dma_start3A_1148 : memref<50x64xf32, #tpu.memory_space<vmem>>) offsets(%dma_start3A_1155 : memref<50xi32, #tpu.memory_space<vmem>>) semaphore(%arg8 : memref<!tpu.dma_semaphore, #tpu.memory_space<semaphore_mem>>)
        %dma_start3A_1159 = arith.constant 1 : i32
        %dma_start3A_1160 = arith.constant 5 : i32
        %dma_start3A_1161 = arith.constant 1 : i32
        %dma_start3A_1162 = arith.constant 0 : i32
        %dma_start3A_1163 = arith.constant 0 : i32
        %dma_start3A_1164 = tpu.memref_slice %arg6[%dma_start3A_1161, %dma_start3A_1162, %dma_start3A_1163] : memref<2x896x64xf32, #tpu.memory_space<vmem>> -> memref<1x896x64xf32, #tpu.memory_space<vmem>>
        %dma_start3A_1165 = tpu.memref_squeeze %dma_start3A_1164 : memref<1x896x64xf32, #tpu.memory_space<vmem>> -> memref<896x64xf32, #tpu.memory_space<vmem>>
        %dma_start3A_1166 = arith.constant 280 : i32
        %dma_start3A_1167 = arith.constant 0 : i32
        %dma_start3A_1168 = tpu.memref_slice %dma_start3A_1165[%dma_start3A_1166, %dma_start3A_1167] : memref<896x64xf32, #tpu.memory_space<vmem>> -> memref<50x64xf32, #tpu.memory_space<vmem>>
        %dma_start3A_1169 = arith.constant 0 : i32
        %dma_start3A_1170 = arith.constant 0 : i32
        %dma_start3A_1171 = tpu.memref_slice %arg5[%dma_start3A_1159, %dma_start3A_1169, %dma_start3A_1170] : memref<2x16x50xi32, #tpu.memory_space<vmem>> -> memref<1x16x50xi32, #tpu.memory_space<vmem>>
        %dma_start3A_1172 = tpu.memref_squeeze %dma_start3A_1171 : memref<1x16x50xi32, #tpu.memory_space<vmem>> -> memref<16x50xi32, #tpu.memory_space<vmem>>
        %dma_start3A_1173 = arith.constant 0 : i32
        %dma_start3A_1174 = tpu.memref_slice %dma_start3A_1172[%dma_start3A_1160, %dma_start3A_1173] : memref<16x50xi32, #tpu.memory_space<vmem>> -> memref<1x50xi32, #tpu.memory_space<vmem>>
        %dma_start3A_1175 = tpu.memref_squeeze %dma_start3A_1174 : memref<1x50xi32, #tpu.memory_space<vmem>> -> memref<50xi32, #tpu.memory_space<vmem>>
        %dma_start3A_1176 = arith.constant 0 : i32
        %dma_start3A_1177 = arith.constant 0 : i32
        %dma_start3A_1178 = tpu.memref_slice %arg2[%dma_start3A_1176, %dma_start3A_1177] : memref<2000000x64xf32, #tpu.memory_space<hbm>> -> memref<2000000x64xf32, #tpu.memory_space<hbm>>
        tpu.enqueue_indirect_dma source(%dma_start3A_1178 : memref<2000000x64xf32, #tpu.memory_space<hbm>>) target(%dma_start3A_1168 : memref<50x64xf32, #tpu.memory_space<vmem>>) offsets(%dma_start3A_1175 : memref<50xi32, #tpu.memory_space<vmem>>) semaphore(%arg8 : memref<!tpu.dma_semaphore, #tpu.memory_space<semaphore_mem>>)
        %dma_start3A_1179 = arith.constant 1 : i32
        %dma_start3A_1180 = arith.constant 6 : i32
        %dma_start3A_1181 = arith.constant 1 : i32
        %dma_start3A_1182 = arith.constant 0 : i32
        %dma_start3A_1183 = arith.constant 0 : i32
        %dma_start3A_1184 = tpu.memref_slice %arg6[%dma_start3A_1181, %dma_start3A_1182, %dma_start3A_1183] : memref<2x896x64xf32, #tpu.memory_space<vmem>> -> memref<1x896x64xf32, #tpu.memory_space<vmem>>
        %dma_start3A_1185 = tpu.memref_squeeze %dma_start3A_1184 : memref<1x896x64xf32, #tpu.memory_space<vmem>> -> memref<896x64xf32, #tpu.memory_space<vmem>>
        %dma_start3A_1186 = arith.constant 336 : i32
        %dma_start3A_1187 = arith.constant 0 : i32
        %dma_start3A_1188 = tpu.memref_slice %dma_start3A_1185[%dma_start3A_1186, %dma_start3A_1187] : memref<896x64xf32, #tpu.memory_space<vmem>> -> memref<50x64xf32, #tpu.memory_space<vmem>>
        %dma_start3A_1189 = arith.constant 0 : i32
        %dma_start3A_1190 = arith.constant 0 : i32
        %dma_start3A_1191 = tpu.memref_slice %arg5[%dma_start3A_1179, %dma_start3A_1189, %dma_start3A_1190] : memref<2x16x50xi32, #tpu.memory_space<vmem>> -> memref<1x16x50xi32, #tpu.memory_space<vmem>>
        %dma_start3A_1192 = tpu.memref_squeeze %dma_start3A_1191 : memref<1x16x50xi32, #tpu.memory_space<vmem>> -> memref<16x50xi32, #tpu.memory_space<vmem>>
        %dma_start3A_1193 = arith.constant 0 : i32
        %dma_start3A_1194 = tpu.memref_slice %dma_start3A_1192[%dma_start3A_1180, %dma_start3A_1193] : memref<16x50xi32, #tpu.memory_space<vmem>> -> memref<1x50xi32, #tpu.memory_space<vmem>>
        %dma_start3A_1195 = tpu.memref_squeeze %dma_start3A_1194 : memref<1x50xi32, #tpu.memory_space<vmem>> -> memref<50xi32, #tpu.memory_space<vmem>>
        %dma_start3A_1196 = arith.constant 0 : i32
        %dma_start3A_1197 = arith.constant 0 : i32
        %dma_start3A_1198 = tpu.memref_slice %arg2[%dma_start3A_1196, %dma_start3A_1197] : memref<2000000x64xf32, #tpu.memory_space<hbm>> -> memref<2000000x64xf32, #tpu.memory_space<hbm>>
        tpu.enqueue_indirect_dma source(%dma_start3A_1198 : memref<2000000x64xf32, #tpu.memory_space<hbm>>) target(%dma_start3A_1188 : memref<50x64xf32, #tpu.memory_space<vmem>>) offsets(%dma_start3A_1195 : memref<50xi32, #tpu.memory_space<vmem>>) semaphore(%arg8 : memref<!tpu.dma_semaphore, #tpu.memory_space<semaphore_mem>>)
        %dma_start3A_1199 = arith.constant 1 : i32
        %dma_start3A_1200 = arith.constant 7 : i32
        %dma_start3A_1201 = arith.constant 1 : i32
        %dma_start3A_1202 = arith.constant 0 : i32
        %dma_start3A_1203 = arith.constant 0 : i32
        %dma_start3A_1204 = tpu.memref_slice %arg6[%dma_start3A_1201, %dma_start3A_1202, %dma_start3A_1203] : memref<2x896x64xf32, #tpu.memory_space<vmem>> -> memref<1x896x64xf32, #tpu.memory_space<vmem>>
        %dma_start3A_1205 = tpu.memref_squeeze %dma_start3A_1204 : memref<1x896x64xf32, #tpu.memory_space<vmem>> -> memref<896x64xf32, #tpu.memory_space<vmem>>
        %dma_start3A_1206 = arith.constant 392 : i32
        %dma_start3A_1207 = arith.constant 0 : i32
        %dma_start3A_1208 = tpu.memref_slice %dma_start3A_1205[%dma_start3A_1206, %dma_start3A_1207] : memref<896x64xf32, #tpu.memory_space<vmem>> -> memref<50x64xf32, #tpu.memory_space<vmem>>
        %dma_start3A_1209 = arith.constant 0 : i32
        %dma_start3A_1210 = arith.constant 0 : i32
        %dma_start3A_1211 = tpu.memref_slice %arg5[%dma_start3A_1199, %dma_start3A_1209, %dma_start3A_1210] : memref<2x16x50xi32, #tpu.memory_space<vmem>> -> memref<1x16x50xi32, #tpu.memory_space<vmem>>
        %dma_start3A_1212 = tpu.memref_squeeze %dma_start3A_1211 : memref<1x16x50xi32, #tpu.memory_space<vmem>> -> memref<16x50xi32, #tpu.memory_space<vmem>>
        %dma_start3A_1213 = arith.constant 0 : i32
        %dma_start3A_1214 = tpu.memref_slice %dma_start3A_1212[%dma_start3A_1200, %dma_start3A_1213] : memref<16x50xi32, #tpu.memory_space<vmem>> -> memref<1x50xi32, #tpu.memory_space<vmem>>
        %dma_start3A_1215 = tpu.memref_squeeze %dma_start3A_1214 : memref<1x50xi32, #tpu.memory_space<vmem>> -> memref<50xi32, #tpu.memory_space<vmem>>
        %dma_start3A_1216 = arith.constant 0 : i32
        %dma_start3A_1217 = arith.constant 0 : i32
        %dma_start3A_1218 = tpu.memref_slice %arg2[%dma_start3A_1216, %dma_start3A_1217] : memref<2000000x64xf32, #tpu.memory_space<hbm>> -> memref<2000000x64xf32, #tpu.memory_space<hbm>>
        tpu.enqueue_indirect_dma source(%dma_start3A_1218 : memref<2000000x64xf32, #tpu.memory_space<hbm>>) target(%dma_start3A_1208 : memref<50x64xf32, #tpu.memory_space<vmem>>) offsets(%dma_start3A_1215 : memref<50xi32, #tpu.memory_space<vmem>>) semaphore(%arg8 : memref<!tpu.dma_semaphore, #tpu.memory_space<semaphore_mem>>)
        %dma_start3A_1219 = arith.constant 1 : i32
        %dma_start3A_1220 = arith.constant 8 : i32
        %dma_start3A_1221 = arith.constant 1 : i32
        %dma_start3A_1222 = arith.constant 0 : i32
        %dma_start3A_1223 = arith.constant 0 : i32
        %dma_start3A_1224 = tpu.memref_slice %arg6[%dma_start3A_1221, %dma_start3A_1222, %dma_start3A_1223] : memref<2x896x64xf32, #tpu.memory_space<vmem>> -> memref<1x896x64xf32, #tpu.memory_space<vmem>>
        %dma_start3A_1225 = tpu.memref_squeeze %dma_start3A_1224 : memref<1x896x64xf32, #tpu.memory_space<vmem>> -> memref<896x64xf32, #tpu.memory_space<vmem>>
        %dma_start3A_1226 = arith.constant 448 : i32
        %dma_start3A_1227 = arith.constant 0 : i32
        %dma_start3A_1228 = tpu.memref_slice %dma_start3A_1225[%dma_start3A_1226, %dma_start3A_1227] : memref<896x64xf32, #tpu.memory_space<vmem>> -> memref<50x64xf32, #tpu.memory_space<vmem>>
        %dma_start3A_1229 = arith.constant 0 : i32
        %dma_start3A_1230 = arith.constant 0 : i32
        %dma_start3A_1231 = tpu.memref_slice %arg5[%dma_start3A_1219, %dma_start3A_1229, %dma_start3A_1230] : memref<2x16x50xi32, #tpu.memory_space<vmem>> -> memref<1x16x50xi32, #tpu.memory_space<vmem>>
        %dma_start3A_1232 = tpu.memref_squeeze %dma_start3A_1231 : memref<1x16x50xi32, #tpu.memory_space<vmem>> -> memref<16x50xi32, #tpu.memory_space<vmem>>
        %dma_start3A_1233 = arith.constant 0 : i32
        %dma_start3A_1234 = tpu.memref_slice %dma_start3A_1232[%dma_start3A_1220, %dma_start3A_1233] : memref<16x50xi32, #tpu.memory_space<vmem>> -> memref<1x50xi32, #tpu.memory_space<vmem>>
        %dma_start3A_1235 = tpu.memref_squeeze %dma_start3A_1234 : memref<1x50xi32, #tpu.memory_space<vmem>> -> memref<50xi32, #tpu.memory_space<vmem>>
        %dma_start3A_1236 = arith.constant 0 : i32
        %dma_start3A_1237 = arith.constant 0 : i32
        %dma_start3A_1238 = tpu.memref_slice %arg2[%dma_start3A_1236, %dma_start3A_1237] : memref<2000000x64xf32, #tpu.memory_space<hbm>> -> memref<2000000x64xf32, #tpu.memory_space<hbm>>
        tpu.enqueue_indirect_dma source(%dma_start3A_1238 : memref<2000000x64xf32, #tpu.memory_space<hbm>>) target(%dma_start3A_1228 : memref<50x64xf32, #tpu.memory_space<vmem>>) offsets(%dma_start3A_1235 : memref<50xi32, #tpu.memory_space<vmem>>) semaphore(%arg8 : memref<!tpu.dma_semaphore, #tpu.memory_space<semaphore_mem>>)
        %dma_start3A_1239 = arith.constant 1 : i32
        %dma_start3A_1240 = arith.constant 9 : i32
        %dma_start3A_1241 = arith.constant 1 : i32
        %dma_start3A_1242 = arith.constant 0 : i32
        %dma_start3A_1243 = arith.constant 0 : i32
        %dma_start3A_1244 = tpu.memref_slice %arg6[%dma_start3A_1241, %dma_start3A_1242, %dma_start3A_1243] : memref<2x896x64xf32, #tpu.memory_space<vmem>> -> memref<1x896x64xf32, #tpu.memory_space<vmem>>
        %dma_start3A_1245 = tpu.memref_squeeze %dma_start3A_1244 : memref<1x896x64xf32, #tpu.memory_space<vmem>> -> memref<896x64xf32, #tpu.memory_space<vmem>>
        %dma_start3A_1246 = arith.constant 504 : i32
        %dma_start3A_1247 = arith.constant 0 : i32
        %dma_start3A_1248 = tpu.memref_slice %dma_start3A_1245[%dma_start3A_1246, %dma_start3A_1247] : memref<896x64xf32, #tpu.memory_space<vmem>> -> memref<50x64xf32, #tpu.memory_space<vmem>>
        %dma_start3A_1249 = arith.constant 0 : i32
        %dma_start3A_1250 = arith.constant 0 : i32
        %dma_start3A_1251 = tpu.memref_slice %arg5[%dma_start3A_1239, %dma_start3A_1249, %dma_start3A_1250] : memref<2x16x50xi32, #tpu.memory_space<vmem>> -> memref<1x16x50xi32, #tpu.memory_space<vmem>>
        %dma_start3A_1252 = tpu.memref_squeeze %dma_start3A_1251 : memref<1x16x50xi32, #tpu.memory_space<vmem>> -> memref<16x50xi32, #tpu.memory_space<vmem>>
        %dma_start3A_1253 = arith.constant 0 : i32
        %dma_start3A_1254 = tpu.memref_slice %dma_start3A_1252[%dma_start3A_1240, %dma_start3A_1253] : memref<16x50xi32, #tpu.memory_space<vmem>> -> memref<1x50xi32, #tpu.memory_space<vmem>>
        %dma_start3A_1255 = tpu.memref_squeeze %dma_start3A_1254 : memref<1x50xi32, #tpu.memory_space<vmem>> -> memref<50xi32, #tpu.memory_space<vmem>>
        %dma_start3A_1256 = arith.constant 0 : i32
        %dma_start3A_1257 = arith.constant 0 : i32
        %dma_start3A_1258 = tpu.memref_slice %arg2[%dma_start3A_1256, %dma_start3A_1257] : memref<2000000x64xf32, #tpu.memory_space<hbm>> -> memref<2000000x64xf32, #tpu.memory_space<hbm>>
        tpu.enqueue_indirect_dma source(%dma_start3A_1258 : memref<2000000x64xf32, #tpu.memory_space<hbm>>) target(%dma_start3A_1248 : memref<50x64xf32, #tpu.memory_space<vmem>>) offsets(%dma_start3A_1255 : memref<50xi32, #tpu.memory_space<vmem>>) semaphore(%arg8 : memref<!tpu.dma_semaphore, #tpu.memory_space<semaphore_mem>>)
        %dma_start3A_1259 = arith.constant 1 : i32
        %dma_start3A_1260 = arith.constant 10 : i32
        %dma_start3A_1261 = arith.constant 1 : i32
        %dma_start3A_1262 = arith.constant 0 : i32
        %dma_start3A_1263 = arith.constant 0 : i32
        %dma_start3A_1264 = tpu.memref_slice %arg6[%dma_start3A_1261, %dma_start3A_1262, %dma_start3A_1263] : memref<2x896x64xf32, #tpu.memory_space<vmem>> -> memref<1x896x64xf32, #tpu.memory_space<vmem>>
        %dma_start3A_1265 = tpu.memref_squeeze %dma_start3A_1264 : memref<1x896x64xf32, #tpu.memory_space<vmem>> -> memref<896x64xf32, #tpu.memory_space<vmem>>
        %dma_start3A_1266 = arith.constant 560 : i32
        %dma_start3A_1267 = arith.constant 0 : i32
        %dma_start3A_1268 = tpu.memref_slice %dma_start3A_1265[%dma_start3A_1266, %dma_start3A_1267] : memref<896x64xf32, #tpu.memory_space<vmem>> -> memref<50x64xf32, #tpu.memory_space<vmem>>
        %dma_start3A_1269 = arith.constant 0 : i32
        %dma_start3A_1270 = arith.constant 0 : i32
        %dma_start3A_1271 = tpu.memref_slice %arg5[%dma_start3A_1259, %dma_start3A_1269, %dma_start3A_1270] : memref<2x16x50xi32, #tpu.memory_space<vmem>> -> memref<1x16x50xi32, #tpu.memory_space<vmem>>
        %dma_start3A_1272 = tpu.memref_squeeze %dma_start3A_1271 : memref<1x16x50xi32, #tpu.memory_space<vmem>> -> memref<16x50xi32, #tpu.memory_space<vmem>>
        %dma_start3A_1273 = arith.constant 0 : i32
        %dma_start3A_1274 = tpu.memref_slice %dma_start3A_1272[%dma_start3A_1260, %dma_start3A_1273] : memref<16x50xi32, #tpu.memory_space<vmem>> -> memref<1x50xi32, #tpu.memory_space<vmem>>
        %dma_start3A_1275 = tpu.memref_squeeze %dma_start3A_1274 : memref<1x50xi32, #tpu.memory_space<vmem>> -> memref<50xi32, #tpu.memory_space<vmem>>
        %dma_start3A_1276 = arith.constant 0 : i32
        %dma_start3A_1277 = arith.constant 0 : i32
        %dma_start3A_1278 = tpu.memref_slice %arg2[%dma_start3A_1276, %dma_start3A_1277] : memref<2000000x64xf32, #tpu.memory_space<hbm>> -> memref<2000000x64xf32, #tpu.memory_space<hbm>>
        tpu.enqueue_indirect_dma source(%dma_start3A_1278 : memref<2000000x64xf32, #tpu.memory_space<hbm>>) target(%dma_start3A_1268 : memref<50x64xf32, #tpu.memory_space<vmem>>) offsets(%dma_start3A_1275 : memref<50xi32, #tpu.memory_space<vmem>>) semaphore(%arg8 : memref<!tpu.dma_semaphore, #tpu.memory_space<semaphore_mem>>)
        %dma_start3A_1279 = arith.constant 1 : i32
        %dma_start3A_1280 = arith.constant 11 : i32
        %dma_start3A_1281 = arith.constant 1 : i32
        %dma_start3A_1282 = arith.constant 0 : i32
        %dma_start3A_1283 = arith.constant 0 : i32
        %dma_start3A_1284 = tpu.memref_slice %arg6[%dma_start3A_1281, %dma_start3A_1282, %dma_start3A_1283] : memref<2x896x64xf32, #tpu.memory_space<vmem>> -> memref<1x896x64xf32, #tpu.memory_space<vmem>>
        %dma_start3A_1285 = tpu.memref_squeeze %dma_start3A_1284 : memref<1x896x64xf32, #tpu.memory_space<vmem>> -> memref<896x64xf32, #tpu.memory_space<vmem>>
        %dma_start3A_1286 = arith.constant 616 : i32
        %dma_start3A_1287 = arith.constant 0 : i32
        %dma_start3A_1288 = tpu.memref_slice %dma_start3A_1285[%dma_start3A_1286, %dma_start3A_1287] : memref<896x64xf32, #tpu.memory_space<vmem>> -> memref<50x64xf32, #tpu.memory_space<vmem>>
        %dma_start3A_1289 = arith.constant 0 : i32
        %dma_start3A_1290 = arith.constant 0 : i32
        %dma_start3A_1291 = tpu.memref_slice %arg5[%dma_start3A_1279, %dma_start3A_1289, %dma_start3A_1290] : memref<2x16x50xi32, #tpu.memory_space<vmem>> -> memref<1x16x50xi32, #tpu.memory_space<vmem>>
        %dma_start3A_1292 = tpu.memref_squeeze %dma_start3A_1291 : memref<1x16x50xi32, #tpu.memory_space<vmem>> -> memref<16x50xi32, #tpu.memory_space<vmem>>
        %dma_start3A_1293 = arith.constant 0 : i32
        %dma_start3A_1294 = tpu.memref_slice %dma_start3A_1292[%dma_start3A_1280, %dma_start3A_1293] : memref<16x50xi32, #tpu.memory_space<vmem>> -> memref<1x50xi32, #tpu.memory_space<vmem>>
        %dma_start3A_1295 = tpu.memref_squeeze %dma_start3A_1294 : memref<1x50xi32, #tpu.memory_space<vmem>> -> memref<50xi32, #tpu.memory_space<vmem>>
        %dma_start3A_1296 = arith.constant 0 : i32
        %dma_start3A_1297 = arith.constant 0 : i32
        %dma_start3A_1298 = tpu.memref_slice %arg2[%dma_start3A_1296, %dma_start3A_1297] : memref<2000000x64xf32, #tpu.memory_space<hbm>> -> memref<2000000x64xf32, #tpu.memory_space<hbm>>
        tpu.enqueue_indirect_dma source(%dma_start3A_1298 : memref<2000000x64xf32, #tpu.memory_space<hbm>>) target(%dma_start3A_1288 : memref<50x64xf32, #tpu.memory_space<vmem>>) offsets(%dma_start3A_1295 : memref<50xi32, #tpu.memory_space<vmem>>) semaphore(%arg8 : memref<!tpu.dma_semaphore, #tpu.memory_space<semaphore_mem>>)
        %dma_start3A_1299 = arith.constant 1 : i32
        %dma_start3A_1300 = arith.constant 12 : i32
        %dma_start3A_1301 = arith.constant 1 : i32
        %dma_start3A_1302 = arith.constant 0 : i32
        %dma_start3A_1303 = arith.constant 0 : i32
        %dma_start3A_1304 = tpu.memref_slice %arg6[%dma_start3A_1301, %dma_start3A_1302, %dma_start3A_1303] : memref<2x896x64xf32, #tpu.memory_space<vmem>> -> memref<1x896x64xf32, #tpu.memory_space<vmem>>
        %dma_start3A_1305 = tpu.memref_squeeze %dma_start3A_1304 : memref<1x896x64xf32, #tpu.memory_space<vmem>> -> memref<896x64xf32, #tpu.memory_space<vmem>>
        %dma_start3A_1306 = arith.constant 672 : i32
        %dma_start3A_1307 = arith.constant 0 : i32
        %dma_start3A_1308 = tpu.memref_slice %dma_start3A_1305[%dma_start3A_1306, %dma_start3A_1307] : memref<896x64xf32, #tpu.memory_space<vmem>> -> memref<50x64xf32, #tpu.memory_space<vmem>>
        %dma_start3A_1309 = arith.constant 0 : i32
        %dma_start3A_1310 = arith.constant 0 : i32
        %dma_start3A_1311 = tpu.memref_slice %arg5[%dma_start3A_1299, %dma_start3A_1309, %dma_start3A_1310] : memref<2x16x50xi32, #tpu.memory_space<vmem>> -> memref<1x16x50xi32, #tpu.memory_space<vmem>>
        %dma_start3A_1312 = tpu.memref_squeeze %dma_start3A_1311 : memref<1x16x50xi32, #tpu.memory_space<vmem>> -> memref<16x50xi32, #tpu.memory_space<vmem>>
        %dma_start3A_1313 = arith.constant 0 : i32
        %dma_start3A_1314 = tpu.memref_slice %dma_start3A_1312[%dma_start3A_1300, %dma_start3A_1313] : memref<16x50xi32, #tpu.memory_space<vmem>> -> memref<1x50xi32, #tpu.memory_space<vmem>>
        %dma_start3A_1315 = tpu.memref_squeeze %dma_start3A_1314 : memref<1x50xi32, #tpu.memory_space<vmem>> -> memref<50xi32, #tpu.memory_space<vmem>>
        %dma_start3A_1316 = arith.constant 0 : i32
        %dma_start3A_1317 = arith.constant 0 : i32
        %dma_start3A_1318 = tpu.memref_slice %arg2[%dma_start3A_1316, %dma_start3A_1317] : memref<2000000x64xf32, #tpu.memory_space<hbm>> -> memref<2000000x64xf32, #tpu.memory_space<hbm>>
        tpu.enqueue_indirect_dma source(%dma_start3A_1318 : memref<2000000x64xf32, #tpu.memory_space<hbm>>) target(%dma_start3A_1308 : memref<50x64xf32, #tpu.memory_space<vmem>>) offsets(%dma_start3A_1315 : memref<50xi32, #tpu.memory_space<vmem>>) semaphore(%arg8 : memref<!tpu.dma_semaphore, #tpu.memory_space<semaphore_mem>>)
        %dma_start3A_1319 = arith.constant 1 : i32
        %dma_start3A_1320 = arith.constant 13 : i32
        %dma_start3A_1321 = arith.constant 1 : i32
        %dma_start3A_1322 = arith.constant 0 : i32
        %dma_start3A_1323 = arith.constant 0 : i32
        %dma_start3A_1324 = tpu.memref_slice %arg6[%dma_start3A_1321, %dma_start3A_1322, %dma_start3A_1323] : memref<2x896x64xf32, #tpu.memory_space<vmem>> -> memref<1x896x64xf32, #tpu.memory_space<vmem>>
        %dma_start3A_1325 = tpu.memref_squeeze %dma_start3A_1324 : memref<1x896x64xf32, #tpu.memory_space<vmem>> -> memref<896x64xf32, #tpu.memory_space<vmem>>
        %dma_start3A_1326 = arith.constant 728 : i32
        %dma_start3A_1327 = arith.constant 0 : i32
        %dma_start3A_1328 = tpu.memref_slice %dma_start3A_1325[%dma_start3A_1326, %dma_start3A_1327] : memref<896x64xf32, #tpu.memory_space<vmem>> -> memref<50x64xf32, #tpu.memory_space<vmem>>
        %dma_start3A_1329 = arith.constant 0 : i32
        %dma_start3A_1330 = arith.constant 0 : i32
        %dma_start3A_1331 = tpu.memref_slice %arg5[%dma_start3A_1319, %dma_start3A_1329, %dma_start3A_1330] : memref<2x16x50xi32, #tpu.memory_space<vmem>> -> memref<1x16x50xi32, #tpu.memory_space<vmem>>
        %dma_start3A_1332 = tpu.memref_squeeze %dma_start3A_1331 : memref<1x16x50xi32, #tpu.memory_space<vmem>> -> memref<16x50xi32, #tpu.memory_space<vmem>>
        %dma_start3A_1333 = arith.constant 0 : i32
        %dma_start3A_1334 = tpu.memref_slice %dma_start3A_1332[%dma_start3A_1320, %dma_start3A_1333] : memref<16x50xi32, #tpu.memory_space<vmem>> -> memref<1x50xi32, #tpu.memory_space<vmem>>
        %dma_start3A_1335 = tpu.memref_squeeze %dma_start3A_1334 : memref<1x50xi32, #tpu.memory_space<vmem>> -> memref<50xi32, #tpu.memory_space<vmem>>
        %dma_start3A_1336 = arith.constant 0 : i32
        %dma_start3A_1337 = arith.constant 0 : i32
        %dma_start3A_1338 = tpu.memref_slice %arg2[%dma_start3A_1336, %dma_start3A_1337] : memref<2000000x64xf32, #tpu.memory_space<hbm>> -> memref<2000000x64xf32, #tpu.memory_space<hbm>>
        tpu.enqueue_indirect_dma source(%dma_start3A_1338 : memref<2000000x64xf32, #tpu.memory_space<hbm>>) target(%dma_start3A_1328 : memref<50x64xf32, #tpu.memory_space<vmem>>) offsets(%dma_start3A_1335 : memref<50xi32, #tpu.memory_space<vmem>>) semaphore(%arg8 : memref<!tpu.dma_semaphore, #tpu.memory_space<semaphore_mem>>)
        %dma_start3A_1339 = arith.constant 1 : i32
        %dma_start3A_1340 = arith.constant 14 : i32
        %dma_start3A_1341 = arith.constant 1 : i32
        %dma_start3A_1342 = arith.constant 0 : i32
        %dma_start3A_1343 = arith.constant 0 : i32
        %dma_start3A_1344 = tpu.memref_slice %arg6[%dma_start3A_1341, %dma_start3A_1342, %dma_start3A_1343] : memref<2x896x64xf32, #tpu.memory_space<vmem>> -> memref<1x896x64xf32, #tpu.memory_space<vmem>>
        %dma_start3A_1345 = tpu.memref_squeeze %dma_start3A_1344 : memref<1x896x64xf32, #tpu.memory_space<vmem>> -> memref<896x64xf32, #tpu.memory_space<vmem>>
        %dma_start3A_1346 = arith.constant 784 : i32
        %dma_start3A_1347 = arith.constant 0 : i32
        %dma_start3A_1348 = tpu.memref_slice %dma_start3A_1345[%dma_start3A_1346, %dma_start3A_1347] : memref<896x64xf32, #tpu.memory_space<vmem>> -> memref<50x64xf32, #tpu.memory_space<vmem>>
        %dma_start3A_1349 = arith.constant 0 : i32
        %dma_start3A_1350 = arith.constant 0 : i32
        %dma_start3A_1351 = tpu.memref_slice %arg5[%dma_start3A_1339, %dma_start3A_1349, %dma_start3A_1350] : memref<2x16x50xi32, #tpu.memory_space<vmem>> -> memref<1x16x50xi32, #tpu.memory_space<vmem>>
        %dma_start3A_1352 = tpu.memref_squeeze %dma_start3A_1351 : memref<1x16x50xi32, #tpu.memory_space<vmem>> -> memref<16x50xi32, #tpu.memory_space<vmem>>
        %dma_start3A_1353 = arith.constant 0 : i32
        %dma_start3A_1354 = tpu.memref_slice %dma_start3A_1352[%dma_start3A_1340, %dma_start3A_1353] : memref<16x50xi32, #tpu.memory_space<vmem>> -> memref<1x50xi32, #tpu.memory_space<vmem>>
        %dma_start3A_1355 = tpu.memref_squeeze %dma_start3A_1354 : memref<1x50xi32, #tpu.memory_space<vmem>> -> memref<50xi32, #tpu.memory_space<vmem>>
        %dma_start3A_1356 = arith.constant 0 : i32
        %dma_start3A_1357 = arith.constant 0 : i32
        %dma_start3A_1358 = tpu.memref_slice %arg2[%dma_start3A_1356, %dma_start3A_1357] : memref<2000000x64xf32, #tpu.memory_space<hbm>> -> memref<2000000x64xf32, #tpu.memory_space<hbm>>
        tpu.enqueue_indirect_dma source(%dma_start3A_1358 : memref<2000000x64xf32, #tpu.memory_space<hbm>>) target(%dma_start3A_1348 : memref<50x64xf32, #tpu.memory_space<vmem>>) offsets(%dma_start3A_1355 : memref<50xi32, #tpu.memory_space<vmem>>) semaphore(%arg8 : memref<!tpu.dma_semaphore, #tpu.memory_space<semaphore_mem>>)
        %dma_start3A_1359 = arith.constant 1 : i32
        %dma_start3A_1360 = arith.constant 15 : i32
        %dma_start3A_1361 = arith.constant 1 : i32
        %dma_start3A_1362 = arith.constant 0 : i32
        %dma_start3A_1363 = arith.constant 0 : i32
        %dma_start3A_1364 = tpu.memref_slice %arg6[%dma_start3A_1361, %dma_start3A_1362, %dma_start3A_1363] : memref<2x896x64xf32, #tpu.memory_space<vmem>> -> memref<1x896x64xf32, #tpu.memory_space<vmem>>
        %dma_start3A_1365 = tpu.memref_squeeze %dma_start3A_1364 : memref<1x896x64xf32, #tpu.memory_space<vmem>> -> memref<896x64xf32, #tpu.memory_space<vmem>>
        %dma_start3A_1366 = arith.constant 840 : i32
        %dma_start3A_1367 = arith.constant 0 : i32
        %dma_start3A_1368 = tpu.memref_slice %dma_start3A_1365[%dma_start3A_1366, %dma_start3A_1367] : memref<896x64xf32, #tpu.memory_space<vmem>> -> memref<50x64xf32, #tpu.memory_space<vmem>>
        %dma_start3A_1369 = arith.constant 0 : i32
        %dma_start3A_1370 = arith.constant 0 : i32
        %dma_start3A_1371 = tpu.memref_slice %arg5[%dma_start3A_1359, %dma_start3A_1369, %dma_start3A_1370] : memref<2x16x50xi32, #tpu.memory_space<vmem>> -> memref<1x16x50xi32, #tpu.memory_space<vmem>>
        %dma_start3A_1372 = tpu.memref_squeeze %dma_start3A_1371 : memref<1x16x50xi32, #tpu.memory_space<vmem>> -> memref<16x50xi32, #tpu.memory_space<vmem>>
        %dma_start3A_1373 = arith.constant 0 : i32
        %dma_start3A_1374 = tpu.memref_slice %dma_start3A_1372[%dma_start3A_1360, %dma_start3A_1373] : memref<16x50xi32, #tpu.memory_space<vmem>> -> memref<1x50xi32, #tpu.memory_space<vmem>>
        %dma_start3A_1375 = tpu.memref_squeeze %dma_start3A_1374 : memref<1x50xi32, #tpu.memory_space<vmem>> -> memref<50xi32, #tpu.memory_space<vmem>>
        %dma_start3A_1376 = arith.constant 0 : i32
        %dma_start3A_1377 = arith.constant 0 : i32
        %dma_start3A_1378 = tpu.memref_slice %arg2[%dma_start3A_1376, %dma_start3A_1377] : memref<2000000x64xf32, #tpu.memory_space<hbm>> -> memref<2000000x64xf32, #tpu.memory_space<hbm>>
        tpu.enqueue_indirect_dma source(%dma_start3A_1378 : memref<2000000x64xf32, #tpu.memory_space<hbm>>) target(%dma_start3A_1368 : memref<50x64xf32, #tpu.memory_space<vmem>>) offsets(%dma_start3A_1375 : memref<50xi32, #tpu.memory_space<vmem>>) semaphore(%arg8 : memref<!tpu.dma_semaphore, #tpu.memory_space<semaphore_mem>>)
      } else {
      }
      %dma_wait3A_370 = arith.constant 0 : i32
      %dma_wait3A_371 = arith.constant 0 : i32
      %dma_wait3A_372 = arith.constant 0 : i32
      %dma_wait3A_373 = arith.constant 0 : i32
      %dma_wait3A_374 = arith.constant 0 : i32
      %dma_wait3A_375 = tpu.memref_slice %arg6[%dma_wait3A_372, %dma_wait3A_373, %dma_wait3A_374] : memref<2x896x64xf32, #tpu.memory_space<vmem>> -> memref<1x896x64xf32, #tpu.memory_space<vmem>>
      %dma_wait3A_376 = tpu.memref_squeeze %dma_wait3A_375 : memref<1x896x64xf32, #tpu.memory_space<vmem>> -> memref<896x64xf32, #tpu.memory_space<vmem>>
      %dma_wait3A_377 = arith.constant 0 : i32
      %dma_wait3A_378 = arith.constant 0 : i32
      %dma_wait3A_379 = tpu.memref_slice %dma_wait3A_376[%dma_wait3A_377, %dma_wait3A_378] : memref<896x64xf32, #tpu.memory_space<vmem>> -> memref<50x64xf32, #tpu.memory_space<vmem>>
      %dma_wait3A_380 = arith.constant 0 : i32
      %dma_wait3A_381 = arith.constant 0 : i32
      %dma_wait3A_382 = tpu.memref_slice %arg5[%dma_wait3A_370, %dma_wait3A_380, %dma_wait3A_381] : memref<2x16x50xi32, #tpu.memory_space<vmem>> -> memref<1x16x50xi32, #tpu.memory_space<vmem>>
      %dma_wait3A_383 = tpu.memref_squeeze %dma_wait3A_382 : memref<1x16x50xi32, #tpu.memory_space<vmem>> -> memref<16x50xi32, #tpu.memory_space<vmem>>
      %dma_wait3A_384 = arith.constant 0 : i32
      %dma_wait3A_385 = tpu.memref_slice %dma_wait3A_383[%dma_wait3A_371, %dma_wait3A_384] : memref<16x50xi32, #tpu.memory_space<vmem>> -> memref<1x50xi32, #tpu.memory_space<vmem>>
      %dma_wait3A_386 = tpu.memref_squeeze %dma_wait3A_385 : memref<1x50xi32, #tpu.memory_space<vmem>> -> memref<50xi32, #tpu.memory_space<vmem>>
      %dma_wait3A_387 = arith.constant 0 : i32
      %dma_wait3A_388 = arith.constant 0 : i32
      %dma_wait3A_389 = tpu.memref_slice %arg2[%dma_wait3A_387, %dma_wait3A_388] : memref<2000000x64xf32, #tpu.memory_space<hbm>> -> memref<2000000x64xf32, #tpu.memory_space<hbm>>
      tpu.wait_indirect_dma semaphore(%arg7 : memref<!tpu.dma_semaphore, #tpu.memory_space<semaphore_mem>>) src(%dma_wait3A_389 : memref<2000000x64xf32, #tpu.memory_space<hbm>>) dst(%dma_wait3A_379 : memref<50x64xf32, #tpu.memory_space<vmem>>)
      %dma_wait3A_390 = arith.constant 0 : i32
      %dma_wait3A_391 = arith.constant 1 : i32
      %dma_wait3A_392 = arith.constant 0 : i32
      %dma_wait3A_393 = arith.constant 0 : i32
      %dma_wait3A_394 = arith.constant 0 : i32
      %dma_wait3A_395 = tpu.memref_slice %arg6[%dma_wait3A_392, %dma_wait3A_393, %dma_wait3A_394] : memref<2x896x64xf32, #tpu.memory_space<vmem>> -> memref<1x896x64xf32, #tpu.memory_space<vmem>>
      %dma_wait3A_396 = tpu.memref_squeeze %dma_wait3A_395 : memref<1x896x64xf32, #tpu.memory_space<vmem>> -> memref<896x64xf32, #tpu.memory_space<vmem>>
      %dma_wait3A_397 = arith.constant 56 : i32
      %dma_wait3A_398 = arith.constant 0 : i32
      %dma_wait3A_399 = tpu.memref_slice %dma_wait3A_396[%dma_wait3A_397, %dma_wait3A_398] : memref<896x64xf32, #tpu.memory_space<vmem>> -> memref<50x64xf32, #tpu.memory_space<vmem>>
      %dma_wait3A_400 = arith.constant 0 : i32
      %dma_wait3A_401 = arith.constant 0 : i32
      %dma_wait3A_402 = tpu.memref_slice %arg5[%dma_wait3A_390, %dma_wait3A_400, %dma_wait3A_401] : memref<2x16x50xi32, #tpu.memory_space<vmem>> -> memref<1x16x50xi32, #tpu.memory_space<vmem>>
      %dma_wait3A_403 = tpu.memref_squeeze %dma_wait3A_402 : memref<1x16x50xi32, #tpu.memory_space<vmem>> -> memref<16x50xi32, #tpu.memory_space<vmem>>
      %dma_wait3A_404 = arith.constant 0 : i32
      %dma_wait3A_405 = tpu.memref_slice %dma_wait3A_403[%dma_wait3A_391, %dma_wait3A_404] : memref<16x50xi32, #tpu.memory_space<vmem>> -> memref<1x50xi32, #tpu.memory_space<vmem>>
      %dma_wait3A_406 = tpu.memref_squeeze %dma_wait3A_405 : memref<1x50xi32, #tpu.memory_space<vmem>> -> memref<50xi32, #tpu.memory_space<vmem>>
      %dma_wait3A_407 = arith.constant 0 : i32
      %dma_wait3A_408 = arith.constant 0 : i32
      %dma_wait3A_409 = tpu.memref_slice %arg2[%dma_wait3A_407, %dma_wait3A_408] : memref<2000000x64xf32, #tpu.memory_space<hbm>> -> memref<2000000x64xf32, #tpu.memory_space<hbm>>
      tpu.wait_indirect_dma semaphore(%arg7 : memref<!tpu.dma_semaphore, #tpu.memory_space<semaphore_mem>>) src(%dma_wait3A_409 : memref<2000000x64xf32, #tpu.memory_space<hbm>>) dst(%dma_wait3A_399 : memref<50x64xf32, #tpu.memory_space<vmem>>)
      %dma_wait3A_410 = arith.constant 0 : i32
      %dma_wait3A_411 = arith.constant 2 : i32
      %dma_wait3A_412 = arith.constant 0 : i32
      %dma_wait3A_413 = arith.constant 0 : i32
      %dma_wait3A_414 = arith.constant 0 : i32
      %dma_wait3A_415 = tpu.memref_slice %arg6[%dma_wait3A_412, %dma_wait3A_413, %dma_wait3A_414] : memref<2x896x64xf32, #tpu.memory_space<vmem>> -> memref<1x896x64xf32, #tpu.memory_space<vmem>>
      %dma_wait3A_416 = tpu.memref_squeeze %dma_wait3A_415 : memref<1x896x64xf32, #tpu.memory_space<vmem>> -> memref<896x64xf32, #tpu.memory_space<vmem>>
      %dma_wait3A_417 = arith.constant 112 : i32
      %dma_wait3A_418 = arith.constant 0 : i32
      %dma_wait3A_419 = tpu.memref_slice %dma_wait3A_416[%dma_wait3A_417, %dma_wait3A_418] : memref<896x64xf32, #tpu.memory_space<vmem>> -> memref<50x64xf32, #tpu.memory_space<vmem>>
      %dma_wait3A_420 = arith.constant 0 : i32
      %dma_wait3A_421 = arith.constant 0 : i32
      %dma_wait3A_422 = tpu.memref_slice %arg5[%dma_wait3A_410, %dma_wait3A_420, %dma_wait3A_421] : memref<2x16x50xi32, #tpu.memory_space<vmem>> -> memref<1x16x50xi32, #tpu.memory_space<vmem>>
      %dma_wait3A_423 = tpu.memref_squeeze %dma_wait3A_422 : memref<1x16x50xi32, #tpu.memory_space<vmem>> -> memref<16x50xi32, #tpu.memory_space<vmem>>
      %dma_wait3A_424 = arith.constant 0 : i32
      %dma_wait3A_425 = tpu.memref_slice %dma_wait3A_423[%dma_wait3A_411, %dma_wait3A_424] : memref<16x50xi32, #tpu.memory_space<vmem>> -> memref<1x50xi32, #tpu.memory_space<vmem>>
      %dma_wait3A_426 = tpu.memref_squeeze %dma_wait3A_425 : memref<1x50xi32, #tpu.memory_space<vmem>> -> memref<50xi32, #tpu.memory_space<vmem>>
      %dma_wait3A_427 = arith.constant 0 : i32
      %dma_wait3A_428 = arith.constant 0 : i32
      %dma_wait3A_429 = tpu.memref_slice %arg2[%dma_wait3A_427, %dma_wait3A_428] : memref<2000000x64xf32, #tpu.memory_space<hbm>> -> memref<2000000x64xf32, #tpu.memory_space<hbm>>
      tpu.wait_indirect_dma semaphore(%arg7 : memref<!tpu.dma_semaphore, #tpu.memory_space<semaphore_mem>>) src(%dma_wait3A_429 : memref<2000000x64xf32, #tpu.memory_space<hbm>>) dst(%dma_wait3A_419 : memref<50x64xf32, #tpu.memory_space<vmem>>)
      %dma_wait3A_430 = arith.constant 0 : i32
      %dma_wait3A_431 = arith.constant 3 : i32
      %dma_wait3A_432 = arith.constant 0 : i32
      %dma_wait3A_433 = arith.constant 0 : i32
      %dma_wait3A_434 = arith.constant 0 : i32
      %dma_wait3A_435 = tpu.memref_slice %arg6[%dma_wait3A_432, %dma_wait3A_433, %dma_wait3A_434] : memref<2x896x64xf32, #tpu.memory_space<vmem>> -> memref<1x896x64xf32, #tpu.memory_space<vmem>>
      %dma_wait3A_436 = tpu.memref_squeeze %dma_wait3A_435 : memref<1x896x64xf32, #tpu.memory_space<vmem>> -> memref<896x64xf32, #tpu.memory_space<vmem>>
      %dma_wait3A_437 = arith.constant 168 : i32
      %dma_wait3A_438 = arith.constant 0 : i32
      %dma_wait3A_439 = tpu.memref_slice %dma_wait3A_436[%dma_wait3A_437, %dma_wait3A_438] : memref<896x64xf32, #tpu.memory_space<vmem>> -> memref<50x64xf32, #tpu.memory_space<vmem>>
      %dma_wait3A_440 = arith.constant 0 : i32
      %dma_wait3A_441 = arith.constant 0 : i32
      %dma_wait3A_442 = tpu.memref_slice %arg5[%dma_wait3A_430, %dma_wait3A_440, %dma_wait3A_441] : memref<2x16x50xi32, #tpu.memory_space<vmem>> -> memref<1x16x50xi32, #tpu.memory_space<vmem>>
      %dma_wait3A_443 = tpu.memref_squeeze %dma_wait3A_442 : memref<1x16x50xi32, #tpu.memory_space<vmem>> -> memref<16x50xi32, #tpu.memory_space<vmem>>
      %dma_wait3A_444 = arith.constant 0 : i32
      %dma_wait3A_445 = tpu.memref_slice %dma_wait3A_443[%dma_wait3A_431, %dma_wait3A_444] : memref<16x50xi32, #tpu.memory_space<vmem>> -> memref<1x50xi32, #tpu.memory_space<vmem>>
      %dma_wait3A_446 = tpu.memref_squeeze %dma_wait3A_445 : memref<1x50xi32, #tpu.memory_space<vmem>> -> memref<50xi32, #tpu.memory_space<vmem>>
      %dma_wait3A_447 = arith.constant 0 : i32
      %dma_wait3A_448 = arith.constant 0 : i32
      %dma_wait3A_449 = tpu.memref_slice %arg2[%dma_wait3A_447, %dma_wait3A_448] : memref<2000000x64xf32, #tpu.memory_space<hbm>> -> memref<2000000x64xf32, #tpu.memory_space<hbm>>
      tpu.wait_indirect_dma semaphore(%arg7 : memref<!tpu.dma_semaphore, #tpu.memory_space<semaphore_mem>>) src(%dma_wait3A_449 : memref<2000000x64xf32, #tpu.memory_space<hbm>>) dst(%dma_wait3A_439 : memref<50x64xf32, #tpu.memory_space<vmem>>)
      %dma_wait3A_450 = arith.constant 0 : i32
      %dma_wait3A_451 = arith.constant 4 : i32
      %dma_wait3A_452 = arith.constant 0 : i32
      %dma_wait3A_453 = arith.constant 0 : i32
      %dma_wait3A_454 = arith.constant 0 : i32
      %dma_wait3A_455 = tpu.memref_slice %arg6[%dma_wait3A_452, %dma_wait3A_453, %dma_wait3A_454] : memref<2x896x64xf32, #tpu.memory_space<vmem>> -> memref<1x896x64xf32, #tpu.memory_space<vmem>>
      %dma_wait3A_456 = tpu.memref_squeeze %dma_wait3A_455 : memref<1x896x64xf32, #tpu.memory_space<vmem>> -> memref<896x64xf32, #tpu.memory_space<vmem>>
      %dma_wait3A_457 = arith.constant 224 : i32
      %dma_wait3A_458 = arith.constant 0 : i32
      %dma_wait3A_459 = tpu.memref_slice %dma_wait3A_456[%dma_wait3A_457, %dma_wait3A_458] : memref<896x64xf32, #tpu.memory_space<vmem>> -> memref<50x64xf32, #tpu.memory_space<vmem>>
      %dma_wait3A_460 = arith.constant 0 : i32
      %dma_wait3A_461 = arith.constant 0 : i32
      %dma_wait3A_462 = tpu.memref_slice %arg5[%dma_wait3A_450, %dma_wait3A_460, %dma_wait3A_461] : memref<2x16x50xi32, #tpu.memory_space<vmem>> -> memref<1x16x50xi32, #tpu.memory_space<vmem>>
      %dma_wait3A_463 = tpu.memref_squeeze %dma_wait3A_462 : memref<1x16x50xi32, #tpu.memory_space<vmem>> -> memref<16x50xi32, #tpu.memory_space<vmem>>
      %dma_wait3A_464 = arith.constant 0 : i32
      %dma_wait3A_465 = tpu.memref_slice %dma_wait3A_463[%dma_wait3A_451, %dma_wait3A_464] : memref<16x50xi32, #tpu.memory_space<vmem>> -> memref<1x50xi32, #tpu.memory_space<vmem>>
      %dma_wait3A_466 = tpu.memref_squeeze %dma_wait3A_465 : memref<1x50xi32, #tpu.memory_space<vmem>> -> memref<50xi32, #tpu.memory_space<vmem>>
      %dma_wait3A_467 = arith.constant 0 : i32
      %dma_wait3A_468 = arith.constant 0 : i32
      %dma_wait3A_469 = tpu.memref_slice %arg2[%dma_wait3A_467, %dma_wait3A_468] : memref<2000000x64xf32, #tpu.memory_space<hbm>> -> memref<2000000x64xf32, #tpu.memory_space<hbm>>
      tpu.wait_indirect_dma semaphore(%arg7 : memref<!tpu.dma_semaphore, #tpu.memory_space<semaphore_mem>>) src(%dma_wait3A_469 : memref<2000000x64xf32, #tpu.memory_space<hbm>>) dst(%dma_wait3A_459 : memref<50x64xf32, #tpu.memory_space<vmem>>)
      %dma_wait3A_470 = arith.constant 0 : i32
      %dma_wait3A_471 = arith.constant 5 : i32
      %dma_wait3A_472 = arith.constant 0 : i32
      %dma_wait3A_473 = arith.constant 0 : i32
      %dma_wait3A_474 = arith.constant 0 : i32
      %dma_wait3A_475 = tpu.memref_slice %arg6[%dma_wait3A_472, %dma_wait3A_473, %dma_wait3A_474] : memref<2x896x64xf32, #tpu.memory_space<vmem>> -> memref<1x896x64xf32, #tpu.memory_space<vmem>>
      %dma_wait3A_476 = tpu.memref_squeeze %dma_wait3A_475 : memref<1x896x64xf32, #tpu.memory_space<vmem>> -> memref<896x64xf32, #tpu.memory_space<vmem>>
      %dma_wait3A_477 = arith.constant 280 : i32
      %dma_wait3A_478 = arith.constant 0 : i32
      %dma_wait3A_479 = tpu.memref_slice %dma_wait3A_476[%dma_wait3A_477, %dma_wait3A_478] : memref<896x64xf32, #tpu.memory_space<vmem>> -> memref<50x64xf32, #tpu.memory_space<vmem>>
      %dma_wait3A_480 = arith.constant 0 : i32
      %dma_wait3A_481 = arith.constant 0 : i32
      %dma_wait3A_482 = tpu.memref_slice %arg5[%dma_wait3A_470, %dma_wait3A_480, %dma_wait3A_481] : memref<2x16x50xi32, #tpu.memory_space<vmem>> -> memref<1x16x50xi32, #tpu.memory_space<vmem>>
      %dma_wait3A_483 = tpu.memref_squeeze %dma_wait3A_482 : memref<1x16x50xi32, #tpu.memory_space<vmem>> -> memref<16x50xi32, #tpu.memory_space<vmem>>
      %dma_wait3A_484 = arith.constant 0 : i32
      %dma_wait3A_485 = tpu.memref_slice %dma_wait3A_483[%dma_wait3A_471, %dma_wait3A_484] : memref<16x50xi32, #tpu.memory_space<vmem>> -> memref<1x50xi32, #tpu.memory_space<vmem>>
      %dma_wait3A_486 = tpu.memref_squeeze %dma_wait3A_485 : memref<1x50xi32, #tpu.memory_space<vmem>> -> memref<50xi32, #tpu.memory_space<vmem>>
      %dma_wait3A_487 = arith.constant 0 : i32
      %dma_wait3A_488 = arith.constant 0 : i32
      %dma_wait3A_489 = tpu.memref_slice %arg2[%dma_wait3A_487, %dma_wait3A_488] : memref<2000000x64xf32, #tpu.memory_space<hbm>> -> memref<2000000x64xf32, #tpu.memory_space<hbm>>
      tpu.wait_indirect_dma semaphore(%arg7 : memref<!tpu.dma_semaphore, #tpu.memory_space<semaphore_mem>>) src(%dma_wait3A_489 : memref<2000000x64xf32, #tpu.memory_space<hbm>>) dst(%dma_wait3A_479 : memref<50x64xf32, #tpu.memory_space<vmem>>)
      %dma_wait3A_490 = arith.constant 0 : i32
      %dma_wait3A_491 = arith.constant 6 : i32
      %dma_wait3A_492 = arith.constant 0 : i32
      %dma_wait3A_493 = arith.constant 0 : i32
      %dma_wait3A_494 = arith.constant 0 : i32
      %dma_wait3A_495 = tpu.memref_slice %arg6[%dma_wait3A_492, %dma_wait3A_493, %dma_wait3A_494] : memref<2x896x64xf32, #tpu.memory_space<vmem>> -> memref<1x896x64xf32, #tpu.memory_space<vmem>>
      %dma_wait3A_496 = tpu.memref_squeeze %dma_wait3A_495 : memref<1x896x64xf32, #tpu.memory_space<vmem>> -> memref<896x64xf32, #tpu.memory_space<vmem>>
      %dma_wait3A_497 = arith.constant 336 : i32
      %dma_wait3A_498 = arith.constant 0 : i32
      %dma_wait3A_499 = tpu.memref_slice %dma_wait3A_496[%dma_wait3A_497, %dma_wait3A_498] : memref<896x64xf32, #tpu.memory_space<vmem>> -> memref<50x64xf32, #tpu.memory_space<vmem>>
      %dma_wait3A_500 = arith.constant 0 : i32
      %dma_wait3A_501 = arith.constant 0 : i32
      %dma_wait3A_502 = tpu.memref_slice %arg5[%dma_wait3A_490, %dma_wait3A_500, %dma_wait3A_501] : memref<2x16x50xi32, #tpu.memory_space<vmem>> -> memref<1x16x50xi32, #tpu.memory_space<vmem>>
      %dma_wait3A_503 = tpu.memref_squeeze %dma_wait3A_502 : memref<1x16x50xi32, #tpu.memory_space<vmem>> -> memref<16x50xi32, #tpu.memory_space<vmem>>
      %dma_wait3A_504 = arith.constant 0 : i32
      %dma_wait3A_505 = tpu.memref_slice %dma_wait3A_503[%dma_wait3A_491, %dma_wait3A_504] : memref<16x50xi32, #tpu.memory_space<vmem>> -> memref<1x50xi32, #tpu.memory_space<vmem>>
      %dma_wait3A_506 = tpu.memref_squeeze %dma_wait3A_505 : memref<1x50xi32, #tpu.memory_space<vmem>> -> memref<50xi32, #tpu.memory_space<vmem>>
      %dma_wait3A_507 = arith.constant 0 : i32
      %dma_wait3A_508 = arith.constant 0 : i32
      %dma_wait3A_509 = tpu.memref_slice %arg2[%dma_wait3A_507, %dma_wait3A_508] : memref<2000000x64xf32, #tpu.memory_space<hbm>> -> memref<2000000x64xf32, #tpu.memory_space<hbm>>
      tpu.wait_indirect_dma semaphore(%arg7 : memref<!tpu.dma_semaphore, #tpu.memory_space<semaphore_mem>>) src(%dma_wait3A_509 : memref<2000000x64xf32, #tpu.memory_space<hbm>>) dst(%dma_wait3A_499 : memref<50x64xf32, #tpu.memory_space<vmem>>)
      %dma_wait3A_510 = arith.constant 0 : i32
      %dma_wait3A_511 = arith.constant 7 : i32
      %dma_wait3A_512 = arith.constant 0 : i32
      %dma_wait3A_513 = arith.constant 0 : i32
      %dma_wait3A_514 = arith.constant 0 : i32
      %dma_wait3A_515 = tpu.memref_slice %arg6[%dma_wait3A_512, %dma_wait3A_513, %dma_wait3A_514] : memref<2x896x64xf32, #tpu.memory_space<vmem>> -> memref<1x896x64xf32, #tpu.memory_space<vmem>>
      %dma_wait3A_516 = tpu.memref_squeeze %dma_wait3A_515 : memref<1x896x64xf32, #tpu.memory_space<vmem>> -> memref<896x64xf32, #tpu.memory_space<vmem>>
      %dma_wait3A_517 = arith.constant 392 : i32
      %dma_wait3A_518 = arith.constant 0 : i32
      %dma_wait3A_519 = tpu.memref_slice %dma_wait3A_516[%dma_wait3A_517, %dma_wait3A_518] : memref<896x64xf32, #tpu.memory_space<vmem>> -> memref<50x64xf32, #tpu.memory_space<vmem>>
      %dma_wait3A_520 = arith.constant 0 : i32
      %dma_wait3A_521 = arith.constant 0 : i32
      %dma_wait3A_522 = tpu.memref_slice %arg5[%dma_wait3A_510, %dma_wait3A_520, %dma_wait3A_521] : memref<2x16x50xi32, #tpu.memory_space<vmem>> -> memref<1x16x50xi32, #tpu.memory_space<vmem>>
      %dma_wait3A_523 = tpu.memref_squeeze %dma_wait3A_522 : memref<1x16x50xi32, #tpu.memory_space<vmem>> -> memref<16x50xi32, #tpu.memory_space<vmem>>
      %dma_wait3A_524 = arith.constant 0 : i32
      %dma_wait3A_525 = tpu.memref_slice %dma_wait3A_523[%dma_wait3A_511, %dma_wait3A_524] : memref<16x50xi32, #tpu.memory_space<vmem>> -> memref<1x50xi32, #tpu.memory_space<vmem>>
      %dma_wait3A_526 = tpu.memref_squeeze %dma_wait3A_525 : memref<1x50xi32, #tpu.memory_space<vmem>> -> memref<50xi32, #tpu.memory_space<vmem>>
      %dma_wait3A_527 = arith.constant 0 : i32
      %dma_wait3A_528 = arith.constant 0 : i32
      %dma_wait3A_529 = tpu.memref_slice %arg2[%dma_wait3A_527, %dma_wait3A_528] : memref<2000000x64xf32, #tpu.memory_space<hbm>> -> memref<2000000x64xf32, #tpu.memory_space<hbm>>
      tpu.wait_indirect_dma semaphore(%arg7 : memref<!tpu.dma_semaphore, #tpu.memory_space<semaphore_mem>>) src(%dma_wait3A_529 : memref<2000000x64xf32, #tpu.memory_space<hbm>>) dst(%dma_wait3A_519 : memref<50x64xf32, #tpu.memory_space<vmem>>)
      %dma_wait3A_530 = arith.constant 0 : i32
      %dma_wait3A_531 = arith.constant 8 : i32
      %dma_wait3A_532 = arith.constant 0 : i32
      %dma_wait3A_533 = arith.constant 0 : i32
      %dma_wait3A_534 = arith.constant 0 : i32
      %dma_wait3A_535 = tpu.memref_slice %arg6[%dma_wait3A_532, %dma_wait3A_533, %dma_wait3A_534] : memref<2x896x64xf32, #tpu.memory_space<vmem>> -> memref<1x896x64xf32, #tpu.memory_space<vmem>>
      %dma_wait3A_536 = tpu.memref_squeeze %dma_wait3A_535 : memref<1x896x64xf32, #tpu.memory_space<vmem>> -> memref<896x64xf32, #tpu.memory_space<vmem>>
      %dma_wait3A_537 = arith.constant 448 : i32
      %dma_wait3A_538 = arith.constant 0 : i32
      %dma_wait3A_539 = tpu.memref_slice %dma_wait3A_536[%dma_wait3A_537, %dma_wait3A_538] : memref<896x64xf32, #tpu.memory_space<vmem>> -> memref<50x64xf32, #tpu.memory_space<vmem>>
      %dma_wait3A_540 = arith.constant 0 : i32
      %dma_wait3A_541 = arith.constant 0 : i32
      %dma_wait3A_542 = tpu.memref_slice %arg5[%dma_wait3A_530, %dma_wait3A_540, %dma_wait3A_541] : memref<2x16x50xi32, #tpu.memory_space<vmem>> -> memref<1x16x50xi32, #tpu.memory_space<vmem>>
      %dma_wait3A_543 = tpu.memref_squeeze %dma_wait3A_542 : memref<1x16x50xi32, #tpu.memory_space<vmem>> -> memref<16x50xi32, #tpu.memory_space<vmem>>
      %dma_wait3A_544 = arith.constant 0 : i32
      %dma_wait3A_545 = tpu.memref_slice %dma_wait3A_543[%dma_wait3A_531, %dma_wait3A_544] : memref<16x50xi32, #tpu.memory_space<vmem>> -> memref<1x50xi32, #tpu.memory_space<vmem>>
      %dma_wait3A_546 = tpu.memref_squeeze %dma_wait3A_545 : memref<1x50xi32, #tpu.memory_space<vmem>> -> memref<50xi32, #tpu.memory_space<vmem>>
      %dma_wait3A_547 = arith.constant 0 : i32
      %dma_wait3A_548 = arith.constant 0 : i32
      %dma_wait3A_549 = tpu.memref_slice %arg2[%dma_wait3A_547, %dma_wait3A_548] : memref<2000000x64xf32, #tpu.memory_space<hbm>> -> memref<2000000x64xf32, #tpu.memory_space<hbm>>
      tpu.wait_indirect_dma semaphore(%arg7 : memref<!tpu.dma_semaphore, #tpu.memory_space<semaphore_mem>>) src(%dma_wait3A_549 : memref<2000000x64xf32, #tpu.memory_space<hbm>>) dst(%dma_wait3A_539 : memref<50x64xf32, #tpu.memory_space<vmem>>)
      %dma_wait3A_550 = arith.constant 0 : i32
      %dma_wait3A_551 = arith.constant 9 : i32
      %dma_wait3A_552 = arith.constant 0 : i32
      %dma_wait3A_553 = arith.constant 0 : i32
      %dma_wait3A_554 = arith.constant 0 : i32
      %dma_wait3A_555 = tpu.memref_slice %arg6[%dma_wait3A_552, %dma_wait3A_553, %dma_wait3A_554] : memref<2x896x64xf32, #tpu.memory_space<vmem>> -> memref<1x896x64xf32, #tpu.memory_space<vmem>>
      %dma_wait3A_556 = tpu.memref_squeeze %dma_wait3A_555 : memref<1x896x64xf32, #tpu.memory_space<vmem>> -> memref<896x64xf32, #tpu.memory_space<vmem>>
      %dma_wait3A_557 = arith.constant 504 : i32
      %dma_wait3A_558 = arith.constant 0 : i32
      %dma_wait3A_559 = tpu.memref_slice %dma_wait3A_556[%dma_wait3A_557, %dma_wait3A_558] : memref<896x64xf32, #tpu.memory_space<vmem>> -> memref<50x64xf32, #tpu.memory_space<vmem>>
      %dma_wait3A_560 = arith.constant 0 : i32
      %dma_wait3A_561 = arith.constant 0 : i32
      %dma_wait3A_562 = tpu.memref_slice %arg5[%dma_wait3A_550, %dma_wait3A_560, %dma_wait3A_561] : memref<2x16x50xi32, #tpu.memory_space<vmem>> -> memref<1x16x50xi32, #tpu.memory_space<vmem>>
      %dma_wait3A_563 = tpu.memref_squeeze %dma_wait3A_562 : memref<1x16x50xi32, #tpu.memory_space<vmem>> -> memref<16x50xi32, #tpu.memory_space<vmem>>
      %dma_wait3A_564 = arith.constant 0 : i32
      %dma_wait3A_565 = tpu.memref_slice %dma_wait3A_563[%dma_wait3A_551, %dma_wait3A_564] : memref<16x50xi32, #tpu.memory_space<vmem>> -> memref<1x50xi32, #tpu.memory_space<vmem>>
      %dma_wait3A_566 = tpu.memref_squeeze %dma_wait3A_565 : memref<1x50xi32, #tpu.memory_space<vmem>> -> memref<50xi32, #tpu.memory_space<vmem>>
      %dma_wait3A_567 = arith.constant 0 : i32
      %dma_wait3A_568 = arith.constant 0 : i32
      %dma_wait3A_569 = tpu.memref_slice %arg2[%dma_wait3A_567, %dma_wait3A_568] : memref<2000000x64xf32, #tpu.memory_space<hbm>> -> memref<2000000x64xf32, #tpu.memory_space<hbm>>
      tpu.wait_indirect_dma semaphore(%arg7 : memref<!tpu.dma_semaphore, #tpu.memory_space<semaphore_mem>>) src(%dma_wait3A_569 : memref<2000000x64xf32, #tpu.memory_space<hbm>>) dst(%dma_wait3A_559 : memref<50x64xf32, #tpu.memory_space<vmem>>)
      %dma_wait3A_570 = arith.constant 0 : i32
      %dma_wait3A_571 = arith.constant 10 : i32
      %dma_wait3A_572 = arith.constant 0 : i32
      %dma_wait3A_573 = arith.constant 0 : i32
      %dma_wait3A_574 = arith.constant 0 : i32
      %dma_wait3A_575 = tpu.memref_slice %arg6[%dma_wait3A_572, %dma_wait3A_573, %dma_wait3A_574] : memref<2x896x64xf32, #tpu.memory_space<vmem>> -> memref<1x896x64xf32, #tpu.memory_space<vmem>>
      %dma_wait3A_576 = tpu.memref_squeeze %dma_wait3A_575 : memref<1x896x64xf32, #tpu.memory_space<vmem>> -> memref<896x64xf32, #tpu.memory_space<vmem>>
      %dma_wait3A_577 = arith.constant 560 : i32
      %dma_wait3A_578 = arith.constant 0 : i32
      %dma_wait3A_579 = tpu.memref_slice %dma_wait3A_576[%dma_wait3A_577, %dma_wait3A_578] : memref<896x64xf32, #tpu.memory_space<vmem>> -> memref<50x64xf32, #tpu.memory_space<vmem>>
      %dma_wait3A_580 = arith.constant 0 : i32
      %dma_wait3A_581 = arith.constant 0 : i32
      %dma_wait3A_582 = tpu.memref_slice %arg5[%dma_wait3A_570, %dma_wait3A_580, %dma_wait3A_581] : memref<2x16x50xi32, #tpu.memory_space<vmem>> -> memref<1x16x50xi32, #tpu.memory_space<vmem>>
      %dma_wait3A_583 = tpu.memref_squeeze %dma_wait3A_582 : memref<1x16x50xi32, #tpu.memory_space<vmem>> -> memref<16x50xi32, #tpu.memory_space<vmem>>
      %dma_wait3A_584 = arith.constant 0 : i32
      %dma_wait3A_585 = tpu.memref_slice %dma_wait3A_583[%dma_wait3A_571, %dma_wait3A_584] : memref<16x50xi32, #tpu.memory_space<vmem>> -> memref<1x50xi32, #tpu.memory_space<vmem>>
      %dma_wait3A_586 = tpu.memref_squeeze %dma_wait3A_585 : memref<1x50xi32, #tpu.memory_space<vmem>> -> memref<50xi32, #tpu.memory_space<vmem>>
      %dma_wait3A_587 = arith.constant 0 : i32
      %dma_wait3A_588 = arith.constant 0 : i32
      %dma_wait3A_589 = tpu.memref_slice %arg2[%dma_wait3A_587, %dma_wait3A_588] : memref<2000000x64xf32, #tpu.memory_space<hbm>> -> memref<2000000x64xf32, #tpu.memory_space<hbm>>
      tpu.wait_indirect_dma semaphore(%arg7 : memref<!tpu.dma_semaphore, #tpu.memory_space<semaphore_mem>>) src(%dma_wait3A_589 : memref<2000000x64xf32, #tpu.memory_space<hbm>>) dst(%dma_wait3A_579 : memref<50x64xf32, #tpu.memory_space<vmem>>)
      %dma_wait3A_590 = arith.constant 0 : i32
      %dma_wait3A_591 = arith.constant 11 : i32
      %dma_wait3A_592 = arith.constant 0 : i32
      %dma_wait3A_593 = arith.constant 0 : i32
      %dma_wait3A_594 = arith.constant 0 : i32
      %dma_wait3A_595 = tpu.memref_slice %arg6[%dma_wait3A_592, %dma_wait3A_593, %dma_wait3A_594] : memref<2x896x64xf32, #tpu.memory_space<vmem>> -> memref<1x896x64xf32, #tpu.memory_space<vmem>>
      %dma_wait3A_596 = tpu.memref_squeeze %dma_wait3A_595 : memref<1x896x64xf32, #tpu.memory_space<vmem>> -> memref<896x64xf32, #tpu.memory_space<vmem>>
      %dma_wait3A_597 = arith.constant 616 : i32
      %dma_wait3A_598 = arith.constant 0 : i32
      %dma_wait3A_599 = tpu.memref_slice %dma_wait3A_596[%dma_wait3A_597, %dma_wait3A_598] : memref<896x64xf32, #tpu.memory_space<vmem>> -> memref<50x64xf32, #tpu.memory_space<vmem>>
      %dma_wait3A_600 = arith.constant 0 : i32
      %dma_wait3A_601 = arith.constant 0 : i32
      %dma_wait3A_602 = tpu.memref_slice %arg5[%dma_wait3A_590, %dma_wait3A_600, %dma_wait3A_601] : memref<2x16x50xi32, #tpu.memory_space<vmem>> -> memref<1x16x50xi32, #tpu.memory_space<vmem>>
      %dma_wait3A_603 = tpu.memref_squeeze %dma_wait3A_602 : memref<1x16x50xi32, #tpu.memory_space<vmem>> -> memref<16x50xi32, #tpu.memory_space<vmem>>
      %dma_wait3A_604 = arith.constant 0 : i32
      %dma_wait3A_605 = tpu.memref_slice %dma_wait3A_603[%dma_wait3A_591, %dma_wait3A_604] : memref<16x50xi32, #tpu.memory_space<vmem>> -> memref<1x50xi32, #tpu.memory_space<vmem>>
      %dma_wait3A_606 = tpu.memref_squeeze %dma_wait3A_605 : memref<1x50xi32, #tpu.memory_space<vmem>> -> memref<50xi32, #tpu.memory_space<vmem>>
      %dma_wait3A_607 = arith.constant 0 : i32
      %dma_wait3A_608 = arith.constant 0 : i32
      %dma_wait3A_609 = tpu.memref_slice %arg2[%dma_wait3A_607, %dma_wait3A_608] : memref<2000000x64xf32, #tpu.memory_space<hbm>> -> memref<2000000x64xf32, #tpu.memory_space<hbm>>
      tpu.wait_indirect_dma semaphore(%arg7 : memref<!tpu.dma_semaphore, #tpu.memory_space<semaphore_mem>>) src(%dma_wait3A_609 : memref<2000000x64xf32, #tpu.memory_space<hbm>>) dst(%dma_wait3A_599 : memref<50x64xf32, #tpu.memory_space<vmem>>)
      %dma_wait3A_610 = arith.constant 0 : i32
      %dma_wait3A_611 = arith.constant 12 : i32
      %dma_wait3A_612 = arith.constant 0 : i32
      %dma_wait3A_613 = arith.constant 0 : i32
      %dma_wait3A_614 = arith.constant 0 : i32
      %dma_wait3A_615 = tpu.memref_slice %arg6[%dma_wait3A_612, %dma_wait3A_613, %dma_wait3A_614] : memref<2x896x64xf32, #tpu.memory_space<vmem>> -> memref<1x896x64xf32, #tpu.memory_space<vmem>>
      %dma_wait3A_616 = tpu.memref_squeeze %dma_wait3A_615 : memref<1x896x64xf32, #tpu.memory_space<vmem>> -> memref<896x64xf32, #tpu.memory_space<vmem>>
      %dma_wait3A_617 = arith.constant 672 : i32
      %dma_wait3A_618 = arith.constant 0 : i32
      %dma_wait3A_619 = tpu.memref_slice %dma_wait3A_616[%dma_wait3A_617, %dma_wait3A_618] : memref<896x64xf32, #tpu.memory_space<vmem>> -> memref<50x64xf32, #tpu.memory_space<vmem>>
      %dma_wait3A_620 = arith.constant 0 : i32
      %dma_wait3A_621 = arith.constant 0 : i32
      %dma_wait3A_622 = tpu.memref_slice %arg5[%dma_wait3A_610, %dma_wait3A_620, %dma_wait3A_621] : memref<2x16x50xi32, #tpu.memory_space<vmem>> -> memref<1x16x50xi32, #tpu.memory_space<vmem>>
      %dma_wait3A_623 = tpu.memref_squeeze %dma_wait3A_622 : memref<1x16x50xi32, #tpu.memory_space<vmem>> -> memref<16x50xi32, #tpu.memory_space<vmem>>
      %dma_wait3A_624 = arith.constant 0 : i32
      %dma_wait3A_625 = tpu.memref_slice %dma_wait3A_623[%dma_wait3A_611, %dma_wait3A_624] : memref<16x50xi32, #tpu.memory_space<vmem>> -> memref<1x50xi32, #tpu.memory_space<vmem>>
      %dma_wait3A_626 = tpu.memref_squeeze %dma_wait3A_625 : memref<1x50xi32, #tpu.memory_space<vmem>> -> memref<50xi32, #tpu.memory_space<vmem>>
      %dma_wait3A_627 = arith.constant 0 : i32
      %dma_wait3A_628 = arith.constant 0 : i32
      %dma_wait3A_629 = tpu.memref_slice %arg2[%dma_wait3A_627, %dma_wait3A_628] : memref<2000000x64xf32, #tpu.memory_space<hbm>> -> memref<2000000x64xf32, #tpu.memory_space<hbm>>
      tpu.wait_indirect_dma semaphore(%arg7 : memref<!tpu.dma_semaphore, #tpu.memory_space<semaphore_mem>>) src(%dma_wait3A_629 : memref<2000000x64xf32, #tpu.memory_space<hbm>>) dst(%dma_wait3A_619 : memref<50x64xf32, #tpu.memory_space<vmem>>)
      %dma_wait3A_630 = arith.constant 0 : i32
      %dma_wait3A_631 = arith.constant 13 : i32
      %dma_wait3A_632 = arith.constant 0 : i32
      %dma_wait3A_633 = arith.constant 0 : i32
      %dma_wait3A_634 = arith.constant 0 : i32
      %dma_wait3A_635 = tpu.memref_slice %arg6[%dma_wait3A_632, %dma_wait3A_633, %dma_wait3A_634] : memref<2x896x64xf32, #tpu.memory_space<vmem>> -> memref<1x896x64xf32, #tpu.memory_space<vmem>>
      %dma_wait3A_636 = tpu.memref_squeeze %dma_wait3A_635 : memref<1x896x64xf32, #tpu.memory_space<vmem>> -> memref<896x64xf32, #tpu.memory_space<vmem>>
      %dma_wait3A_637 = arith.constant 728 : i32
      %dma_wait3A_638 = arith.constant 0 : i32
      %dma_wait3A_639 = tpu.memref_slice %dma_wait3A_636[%dma_wait3A_637, %dma_wait3A_638] : memref<896x64xf32, #tpu.memory_space<vmem>> -> memref<50x64xf32, #tpu.memory_space<vmem>>
      %dma_wait3A_640 = arith.constant 0 : i32
      %dma_wait3A_641 = arith.constant 0 : i32
      %dma_wait3A_642 = tpu.memref_slice %arg5[%dma_wait3A_630, %dma_wait3A_640, %dma_wait3A_641] : memref<2x16x50xi32, #tpu.memory_space<vmem>> -> memref<1x16x50xi32, #tpu.memory_space<vmem>>
      %dma_wait3A_643 = tpu.memref_squeeze %dma_wait3A_642 : memref<1x16x50xi32, #tpu.memory_space<vmem>> -> memref<16x50xi32, #tpu.memory_space<vmem>>
      %dma_wait3A_644 = arith.constant 0 : i32
      %dma_wait3A_645 = tpu.memref_slice %dma_wait3A_643[%dma_wait3A_631, %dma_wait3A_644] : memref<16x50xi32, #tpu.memory_space<vmem>> -> memref<1x50xi32, #tpu.memory_space<vmem>>
      %dma_wait3A_646 = tpu.memref_squeeze %dma_wait3A_645 : memref<1x50xi32, #tpu.memory_space<vmem>> -> memref<50xi32, #tpu.memory_space<vmem>>
      %dma_wait3A_647 = arith.constant 0 : i32
      %dma_wait3A_648 = arith.constant 0 : i32
      %dma_wait3A_649 = tpu.memref_slice %arg2[%dma_wait3A_647, %dma_wait3A_648] : memref<2000000x64xf32, #tpu.memory_space<hbm>> -> memref<2000000x64xf32, #tpu.memory_space<hbm>>
      tpu.wait_indirect_dma semaphore(%arg7 : memref<!tpu.dma_semaphore, #tpu.memory_space<semaphore_mem>>) src(%dma_wait3A_649 : memref<2000000x64xf32, #tpu.memory_space<hbm>>) dst(%dma_wait3A_639 : memref<50x64xf32, #tpu.memory_space<vmem>>)
      %dma_wait3A_650 = arith.constant 0 : i32
      %dma_wait3A_651 = arith.constant 14 : i32
      %dma_wait3A_652 = arith.constant 0 : i32
      %dma_wait3A_653 = arith.constant 0 : i32
      %dma_wait3A_654 = arith.constant 0 : i32
      %dma_wait3A_655 = tpu.memref_slice %arg6[%dma_wait3A_652, %dma_wait3A_653, %dma_wait3A_654] : memref<2x896x64xf32, #tpu.memory_space<vmem>> -> memref<1x896x64xf32, #tpu.memory_space<vmem>>
      %dma_wait3A_656 = tpu.memref_squeeze %dma_wait3A_655 : memref<1x896x64xf32, #tpu.memory_space<vmem>> -> memref<896x64xf32, #tpu.memory_space<vmem>>
      %dma_wait3A_657 = arith.constant 784 : i32
      %dma_wait3A_658 = arith.constant 0 : i32
      %dma_wait3A_659 = tpu.memref_slice %dma_wait3A_656[%dma_wait3A_657, %dma_wait3A_658] : memref<896x64xf32, #tpu.memory_space<vmem>> -> memref<50x64xf32, #tpu.memory_space<vmem>>
      %dma_wait3A_660 = arith.constant 0 : i32
      %dma_wait3A_661 = arith.constant 0 : i32
      %dma_wait3A_662 = tpu.memref_slice %arg5[%dma_wait3A_650, %dma_wait3A_660, %dma_wait3A_661] : memref<2x16x50xi32, #tpu.memory_space<vmem>> -> memref<1x16x50xi32, #tpu.memory_space<vmem>>
      %dma_wait3A_663 = tpu.memref_squeeze %dma_wait3A_662 : memref<1x16x50xi32, #tpu.memory_space<vmem>> -> memref<16x50xi32, #tpu.memory_space<vmem>>
      %dma_wait3A_664 = arith.constant 0 : i32
      %dma_wait3A_665 = tpu.memref_slice %dma_wait3A_663[%dma_wait3A_651, %dma_wait3A_664] : memref<16x50xi32, #tpu.memory_space<vmem>> -> memref<1x50xi32, #tpu.memory_space<vmem>>
      %dma_wait3A_666 = tpu.memref_squeeze %dma_wait3A_665 : memref<1x50xi32, #tpu.memory_space<vmem>> -> memref<50xi32, #tpu.memory_space<vmem>>
      %dma_wait3A_667 = arith.constant 0 : i32
      %dma_wait3A_668 = arith.constant 0 : i32
      %dma_wait3A_669 = tpu.memref_slice %arg2[%dma_wait3A_667, %dma_wait3A_668] : memref<2000000x64xf32, #tpu.memory_space<hbm>> -> memref<2000000x64xf32, #tpu.memory_space<hbm>>
      tpu.wait_indirect_dma semaphore(%arg7 : memref<!tpu.dma_semaphore, #tpu.memory_space<semaphore_mem>>) src(%dma_wait3A_669 : memref<2000000x64xf32, #tpu.memory_space<hbm>>) dst(%dma_wait3A_659 : memref<50x64xf32, #tpu.memory_space<vmem>>)
      %dma_wait3A_670 = arith.constant 0 : i32
      %dma_wait3A_671 = arith.constant 15 : i32
      %dma_wait3A_672 = arith.constant 0 : i32
      %dma_wait3A_673 = arith.constant 0 : i32
      %dma_wait3A_674 = arith.constant 0 : i32
      %dma_wait3A_675 = tpu.memref_slice %arg6[%dma_wait3A_672, %dma_wait3A_673, %dma_wait3A_674] : memref<2x896x64xf32, #tpu.memory_space<vmem>> -> memref<1x896x64xf32, #tpu.memory_space<vmem>>
      %dma_wait3A_676 = tpu.memref_squeeze %dma_wait3A_675 : memref<1x896x64xf32, #tpu.memory_space<vmem>> -> memref<896x64xf32, #tpu.memory_space<vmem>>
      %dma_wait3A_677 = arith.constant 840 : i32
      %dma_wait3A_678 = arith.constant 0 : i32
      %dma_wait3A_679 = tpu.memref_slice %dma_wait3A_676[%dma_wait3A_677, %dma_wait3A_678] : memref<896x64xf32, #tpu.memory_space<vmem>> -> memref<50x64xf32, #tpu.memory_space<vmem>>
      %dma_wait3A_680 = arith.constant 0 : i32
      %dma_wait3A_681 = arith.constant 0 : i32
      %dma_wait3A_682 = tpu.memref_slice %arg5[%dma_wait3A_670, %dma_wait3A_680, %dma_wait3A_681] : memref<2x16x50xi32, #tpu.memory_space<vmem>> -> memref<1x16x50xi32, #tpu.memory_space<vmem>>
      %dma_wait3A_683 = tpu.memref_squeeze %dma_wait3A_682 : memref<1x16x50xi32, #tpu.memory_space<vmem>> -> memref<16x50xi32, #tpu.memory_space<vmem>>
      %dma_wait3A_684 = arith.constant 0 : i32
      %dma_wait3A_685 = tpu.memref_slice %dma_wait3A_683[%dma_wait3A_671, %dma_wait3A_684] : memref<16x50xi32, #tpu.memory_space<vmem>> -> memref<1x50xi32, #tpu.memory_space<vmem>>
      %dma_wait3A_686 = tpu.memref_squeeze %dma_wait3A_685 : memref<1x50xi32, #tpu.memory_space<vmem>> -> memref<50xi32, #tpu.memory_space<vmem>>
      %dma_wait3A_687 = arith.constant 0 : i32
      %dma_wait3A_688 = arith.constant 0 : i32
      %dma_wait3A_689 = tpu.memref_slice %arg2[%dma_wait3A_687, %dma_wait3A_688] : memref<2000000x64xf32, #tpu.memory_space<hbm>> -> memref<2000000x64xf32, #tpu.memory_space<hbm>>
      tpu.wait_indirect_dma semaphore(%arg7 : memref<!tpu.dma_semaphore, #tpu.memory_space<semaphore_mem>>) src(%dma_wait3A_689 : memref<2000000x64xf32, #tpu.memory_space<hbm>>) dst(%dma_wait3A_679 : memref<50x64xf32, #tpu.memory_space<vmem>>)
      %mul3A_690 = arith.constant 896 : i32
      %mul3A_691 = arith.muli %add3A_365, %mul3A_690 : i32
      %add3A_692 = arith.addi %mul3A_4, %mul3A_691 : i32
      %dma_start3A_693 = arith.constant 0 : i32
      %dma_start3A_694 = arith.constant 0 : i32
      %dma_start3A_695 = arith.constant 0 : i32
      %dma_start3A_696 = tpu.memref_slice %arg6[%dma_start3A_693, %dma_start3A_694, %dma_start3A_695] : memref<2x896x64xf32, #tpu.memory_space<vmem>> -> memref<1x896x64xf32, #tpu.memory_space<vmem>>
      %dma_start3A_697 = tpu.memref_squeeze %dma_start3A_696 : memref<1x896x64xf32, #tpu.memory_space<vmem>> -> memref<896x64xf32, #tpu.memory_space<vmem>>
      %dma_start3A_698 = arith.constant 0 : i32
      %dma_start3A_699 = tpu.memref_slice %arg4[%add3A_692, %dma_start3A_698] : memref<917504x128xf32, #tpu.memory_space<hbm>> -> memref<896x64xf32, #tpu.memory_space<hbm>>
      %dma_start3A_700 = arith.constant 0 : i32
      %dma_start3A_701 = tpu.memref_slice %arg4[%add3A_692, %dma_start3A_700] : memref<917504x128xf32, #tpu.memory_space<hbm>> -> memref<896x64xf32, #tpu.memory_space<hbm>>
      %dma_start3A_702 = arith.constant 0 : i32
      %dma_start3A_703 = arith.constant 0 : i32
      %dma_start3A_704 = tpu.memref_slice %arg6[%dma_start3A_693, %dma_start3A_702, %dma_start3A_703] : memref<2x896x64xf32, #tpu.memory_space<vmem>> -> memref<1x896x64xf32, #tpu.memory_space<vmem>>
      %dma_start3A_705 = tpu.memref_squeeze %dma_start3A_704 : memref<1x896x64xf32, #tpu.memory_space<vmem>> -> memref<896x64xf32, #tpu.memory_space<vmem>>
      tpu.enqueue_dma source(%dma_start3A_705 : memref<896x64xf32, #tpu.memory_space<vmem>>) target(%dma_start3A_701 : memref<896x64xf32, #tpu.memory_space<hbm>>) target_semaphore(%arg9 : memref<!tpu.dma_semaphore, #tpu.memory_space<semaphore_mem>>)
      %add3A_706 = arith.constant 1 : i32
      %add3A_707 = arith.addi %add3A_363, %add3A_706 : i32
      %add3A_708 = arith.constant 1 : i32
      %add3A_709 = arith.addi %add3A_707, %add3A_708 : i32
      %lt3A_710 = arith.constant 32 : i32
      %lt3A_711 = arith.cmpi slt, %add3A_709, %lt3A_710 : i32
      %convert_element_type3A_712 = arith.extui %lt3A_711 : i1 to i32
      %cond3A_713 = arith.constant 0 : i32
      %cond3A_714 = arith.cmpi ne, %convert_element_type3A_712, %cond3A_713 : i32
      scf.if %cond3A_714 {
        %ge3A = arith.constant 1 : i32
        %ge3A_1051 = arith.cmpi sge, %add3A_707, %ge3A : i32
        %convert_element_type3A_1052 = arith.extui %ge3A_1051 : i1 to i32
        %cond3A_1053 = arith.constant 0 : i32
        %cond3A_1054 = arith.cmpi ne, %convert_element_type3A_1052, %cond3A_1053 : i32
        scf.if %cond3A_1054 {
          %sub3A = arith.constant 1 : i32
          %sub3A_1379 = arith.subi %add3A_707, %sub3A : i32
          %mul3A_1380 = arith.constant 896 : i32
          %mul3A_1381 = arith.muli %sub3A_1379, %mul3A_1380 : i32
          %add3A_1382 = arith.addi %mul3A_4, %mul3A_1381 : i32
          %dma_wait3A_1383 = arith.constant 0 : i32
          %dma_wait3A_1384 = arith.constant 0 : i32
          %dma_wait3A_1385 = arith.constant 0 : i32
          %dma_wait3A_1386 = tpu.memref_slice %arg6[%dma_wait3A_1383, %dma_wait3A_1384, %dma_wait3A_1385] : memref<2x896x64xf32, #tpu.memory_space<vmem>> -> memref<1x896x64xf32, #tpu.memory_space<vmem>>
          %dma_wait3A_1387 = tpu.memref_squeeze %dma_wait3A_1386 : memref<1x896x64xf32, #tpu.memory_space<vmem>> -> memref<896x64xf32, #tpu.memory_space<vmem>>
          %dma_wait3A_1388 = arith.constant 0 : i32
          %dma_wait3A_1389 = tpu.memref_slice %arg4[%add3A_1382, %dma_wait3A_1388] : memref<917504x128xf32, #tpu.memory_space<hbm>> -> memref<896x64xf32, #tpu.memory_space<hbm>>
          %dma_wait3A_1390 = arith.constant 0 : i32
          %dma_wait3A_1391 = tpu.memref_slice %arg4[%add3A_1382, %dma_wait3A_1390] : memref<917504x128xf32, #tpu.memory_space<hbm>> -> memref<896x64xf32, #tpu.memory_space<hbm>>
          %dma_wait3A_1392 = arith.constant 0 : i32
          %dma_wait3A_1393 = arith.constant 0 : i32
          %dma_wait3A_1394 = tpu.memref_slice %arg6[%dma_wait3A_1383, %dma_wait3A_1392, %dma_wait3A_1393] : memref<2x896x64xf32, #tpu.memory_space<vmem>> -> memref<1x896x64xf32, #tpu.memory_space<vmem>>
          %dma_wait3A_1395 = tpu.memref_squeeze %dma_wait3A_1394 : memref<1x896x64xf32, #tpu.memory_space<vmem>> -> memref<896x64xf32, #tpu.memory_space<vmem>>
          tpu.wait_dma2 semaphore(%arg9 : memref<!tpu.dma_semaphore, #tpu.memory_space<semaphore_mem>>) src(%dma_wait3A_1395 : memref<896x64xf32, #tpu.memory_space<vmem>>) dst(%dma_wait3A_1391 : memref<896x64xf32, #tpu.memory_space<hbm>>)
        } else {
        }
        %mul3A_1055 = arith.constant 16 : i32
        %mul3A_1056 = arith.muli %add3A_709, %mul3A_1055 : i32
        %add3A_1057 = arith.addi %mul3A_2, %mul3A_1056 : i32
        %run_scoped3A_1058 = arith.constant 0 : i32
        "tpu.region"() ({
          %run_scoped3A_1379 = tpu.sem_alloc : memref<!tpu.dma_semaphore, #tpu.memory_space<semaphore_mem>>
          %dma_start3A_1380 = arith.constant 0 : i32
          %dma_start3A_1381 = arith.constant 0 : i32
          %dma_start3A_1382 = tpu.memref_slice %arg5[%run_scoped3A_1058, %dma_start3A_1380, %dma_start3A_1381] : memref<2x16x50xi32, #tpu.memory_space<vmem>> -> memref<1x16x50xi32, #tpu.memory_space<vmem>>
          %dma_start3A_1383 = tpu.memref_squeeze %dma_start3A_1382 : memref<1x16x50xi32, #tpu.memory_space<vmem>> -> memref<16x50xi32, #tpu.memory_space<vmem>>
          %dma_start3A_1384 = arith.constant 0 : i32
          %dma_start3A_1385 = tpu.memref_slice %arg3[%add3A_1057, %dma_start3A_1384] : memref<16384x50xi32, #tpu.memory_space<hbm>> -> memref<16x50xi32, #tpu.memory_space<hbm>>
          %dma_start3A_1386 = arith.constant 0 : i32
          %dma_start3A_1387 = arith.constant 0 : i32
          %dma_start3A_1388 = tpu.memref_slice %arg5[%run_scoped3A_1058, %dma_start3A_1386, %dma_start3A_1387] : memref<2x16x50xi32, #tpu.memory_space<vmem>> -> memref<1x16x50xi32, #tpu.memory_space<vmem>>
          %dma_start3A_1389 = tpu.memref_squeeze %dma_start3A_1388 : memref<1x16x50xi32, #tpu.memory_space<vmem>> -> memref<16x50xi32, #tpu.memory_space<vmem>>
          %dma_start3A_1390 = arith.constant 0 : i32
          %dma_start3A_1391 = tpu.memref_slice %arg3[%add3A_1057, %dma_start3A_1390] : memref<16384x50xi32, #tpu.memory_space<hbm>> -> memref<16x50xi32, #tpu.memory_space<hbm>>
          tpu.enqueue_dma source(%dma_start3A_1391 : memref<16x50xi32, #tpu.memory_space<hbm>>) target(%dma_start3A_1389 : memref<16x50xi32, #tpu.memory_space<vmem>>) target_semaphore(%run_scoped3A_1379 : memref<!tpu.dma_semaphore, #tpu.memory_space<semaphore_mem>>)
          %dma_wait3A_1392 = arith.constant 0 : i32
          %dma_wait3A_1393 = arith.constant 0 : i32
          %dma_wait3A_1394 = tpu.memref_slice %arg5[%run_scoped3A_1058, %dma_wait3A_1392, %dma_wait3A_1393] : memref<2x16x50xi32, #tpu.memory_space<vmem>> -> memref<1x16x50xi32, #tpu.memory_space<vmem>>
          %dma_wait3A_1395 = tpu.memref_squeeze %dma_wait3A_1394 : memref<1x16x50xi32, #tpu.memory_space<vmem>> -> memref<16x50xi32, #tpu.memory_space<vmem>>
          %dma_wait3A_1396 = arith.constant 0 : i32
          %dma_wait3A_1397 = tpu.memref_slice %arg3[%add3A_1057, %dma_wait3A_1396] : memref<16384x50xi32, #tpu.memory_space<hbm>> -> memref<16x50xi32, #tpu.memory_space<hbm>>
          %dma_wait3A_1398 = arith.constant 0 : i32
          %dma_wait3A_1399 = arith.constant 0 : i32
          %dma_wait3A_1400 = tpu.memref_slice %arg5[%run_scoped3A_1058, %dma_wait3A_1398, %dma_wait3A_1399] : memref<2x16x50xi32, #tpu.memory_space<vmem>> -> memref<1x16x50xi32, #tpu.memory_space<vmem>>
          %dma_wait3A_1401 = tpu.memref_squeeze %dma_wait3A_1400 : memref<1x16x50xi32, #tpu.memory_space<vmem>> -> memref<16x50xi32, #tpu.memory_space<vmem>>
          %dma_wait3A_1402 = arith.constant 0 : i32
          %dma_wait3A_1403 = tpu.memref_slice %arg3[%add3A_1057, %dma_wait3A_1402] : memref<16384x50xi32, #tpu.memory_space<hbm>> -> memref<16x50xi32, #tpu.memory_space<hbm>>
          tpu.wait_dma2 semaphore(%run_scoped3A_1379 : memref<!tpu.dma_semaphore, #tpu.memory_space<semaphore_mem>>) src(%dma_wait3A_1403 : memref<16x50xi32, #tpu.memory_space<hbm>>) dst(%dma_wait3A_1401 : memref<16x50xi32, #tpu.memory_space<vmem>>)
          tpu.yield
        }) : () -> ()
        %dma_start3A_1059 = arith.constant 0 : i32
        %dma_start3A_1060 = arith.constant 0 : i32
        %dma_start3A_1061 = arith.constant 0 : i32
        %dma_start3A_1062 = arith.constant 0 : i32
        %dma_start3A_1063 = arith.constant 0 : i32
        %dma_start3A_1064 = tpu.memref_slice %arg6[%dma_start3A_1061, %dma_start3A_1062, %dma_start3A_1063] : memref<2x896x64xf32, #tpu.memory_space<vmem>> -> memref<1x896x64xf32, #tpu.memory_space<vmem>>
        %dma_start3A_1065 = tpu.memref_squeeze %dma_start3A_1064 : memref<1x896x64xf32, #tpu.memory_space<vmem>> -> memref<896x64xf32, #tpu.memory_space<vmem>>
        %dma_start3A_1066 = arith.constant 0 : i32
        %dma_start3A_1067 = arith.constant 0 : i32
        %dma_start3A_1068 = tpu.memref_slice %dma_start3A_1065[%dma_start3A_1066, %dma_start3A_1067] : memref<896x64xf32, #tpu.memory_space<vmem>> -> memref<50x64xf32, #tpu.memory_space<vmem>>
        %dma_start3A_1069 = arith.constant 0 : i32
        %dma_start3A_1070 = arith.constant 0 : i32
        %dma_start3A_1071 = tpu.memref_slice %arg5[%dma_start3A_1059, %dma_start3A_1069, %dma_start3A_1070] : memref<2x16x50xi32, #tpu.memory_space<vmem>> -> memref<1x16x50xi32, #tpu.memory_space<vmem>>
        %dma_start3A_1072 = tpu.memref_squeeze %dma_start3A_1071 : memref<1x16x50xi32, #tpu.memory_space<vmem>> -> memref<16x50xi32, #tpu.memory_space<vmem>>
        %dma_start3A_1073 = arith.constant 0 : i32
        %dma_start3A_1074 = tpu.memref_slice %dma_start3A_1072[%dma_start3A_1060, %dma_start3A_1073] : memref<16x50xi32, #tpu.memory_space<vmem>> -> memref<1x50xi32, #tpu.memory_space<vmem>>
        %dma_start3A_1075 = tpu.memref_squeeze %dma_start3A_1074 : memref<1x50xi32, #tpu.memory_space<vmem>> -> memref<50xi32, #tpu.memory_space<vmem>>
        %dma_start3A_1076 = arith.constant 0 : i32
        %dma_start3A_1077 = arith.constant 0 : i32
        %dma_start3A_1078 = tpu.memref_slice %arg2[%dma_start3A_1076, %dma_start3A_1077] : memref<2000000x64xf32, #tpu.memory_space<hbm>> -> memref<2000000x64xf32, #tpu.memory_space<hbm>>
        tpu.enqueue_indirect_dma source(%dma_start3A_1078 : memref<2000000x64xf32, #tpu.memory_space<hbm>>) target(%dma_start3A_1068 : memref<50x64xf32, #tpu.memory_space<vmem>>) offsets(%dma_start3A_1075 : memref<50xi32, #tpu.memory_space<vmem>>) semaphore(%arg7 : memref<!tpu.dma_semaphore, #tpu.memory_space<semaphore_mem>>)
        %dma_start3A_1079 = arith.constant 0 : i32
        %dma_start3A_1080 = arith.constant 1 : i32
        %dma_start3A_1081 = arith.constant 0 : i32
        %dma_start3A_1082 = arith.constant 0 : i32
        %dma_start3A_1083 = arith.constant 0 : i32
        %dma_start3A_1084 = tpu.memref_slice %arg6[%dma_start3A_1081, %dma_start3A_1082, %dma_start3A_1083] : memref<2x896x64xf32, #tpu.memory_space<vmem>> -> memref<1x896x64xf32, #tpu.memory_space<vmem>>
        %dma_start3A_1085 = tpu.memref_squeeze %dma_start3A_1084 : memref<1x896x64xf32, #tpu.memory_space<vmem>> -> memref<896x64xf32, #tpu.memory_space<vmem>>
        %dma_start3A_1086 = arith.constant 56 : i32
        %dma_start3A_1087 = arith.constant 0 : i32
        %dma_start3A_1088 = tpu.memref_slice %dma_start3A_1085[%dma_start3A_1086, %dma_start3A_1087] : memref<896x64xf32, #tpu.memory_space<vmem>> -> memref<50x64xf32, #tpu.memory_space<vmem>>
        %dma_start3A_1089 = arith.constant 0 : i32
        %dma_start3A_1090 = arith.constant 0 : i32
        %dma_start3A_1091 = tpu.memref_slice %arg5[%dma_start3A_1079, %dma_start3A_1089, %dma_start3A_1090] : memref<2x16x50xi32, #tpu.memory_space<vmem>> -> memref<1x16x50xi32, #tpu.memory_space<vmem>>
        %dma_start3A_1092 = tpu.memref_squeeze %dma_start3A_1091 : memref<1x16x50xi32, #tpu.memory_space<vmem>> -> memref<16x50xi32, #tpu.memory_space<vmem>>
        %dma_start3A_1093 = arith.constant 0 : i32
        %dma_start3A_1094 = tpu.memref_slice %dma_start3A_1092[%dma_start3A_1080, %dma_start3A_1093] : memref<16x50xi32, #tpu.memory_space<vmem>> -> memref<1x50xi32, #tpu.memory_space<vmem>>
        %dma_start3A_1095 = tpu.memref_squeeze %dma_start3A_1094 : memref<1x50xi32, #tpu.memory_space<vmem>> -> memref<50xi32, #tpu.memory_space<vmem>>
        %dma_start3A_1096 = arith.constant 0 : i32
        %dma_start3A_1097 = arith.constant 0 : i32
        %dma_start3A_1098 = tpu.memref_slice %arg2[%dma_start3A_1096, %dma_start3A_1097] : memref<2000000x64xf32, #tpu.memory_space<hbm>> -> memref<2000000x64xf32, #tpu.memory_space<hbm>>
        tpu.enqueue_indirect_dma source(%dma_start3A_1098 : memref<2000000x64xf32, #tpu.memory_space<hbm>>) target(%dma_start3A_1088 : memref<50x64xf32, #tpu.memory_space<vmem>>) offsets(%dma_start3A_1095 : memref<50xi32, #tpu.memory_space<vmem>>) semaphore(%arg7 : memref<!tpu.dma_semaphore, #tpu.memory_space<semaphore_mem>>)
        %dma_start3A_1099 = arith.constant 0 : i32
        %dma_start3A_1100 = arith.constant 2 : i32
        %dma_start3A_1101 = arith.constant 0 : i32
        %dma_start3A_1102 = arith.constant 0 : i32
        %dma_start3A_1103 = arith.constant 0 : i32
        %dma_start3A_1104 = tpu.memref_slice %arg6[%dma_start3A_1101, %dma_start3A_1102, %dma_start3A_1103] : memref<2x896x64xf32, #tpu.memory_space<vmem>> -> memref<1x896x64xf32, #tpu.memory_space<vmem>>
        %dma_start3A_1105 = tpu.memref_squeeze %dma_start3A_1104 : memref<1x896x64xf32, #tpu.memory_space<vmem>> -> memref<896x64xf32, #tpu.memory_space<vmem>>
        %dma_start3A_1106 = arith.constant 112 : i32
        %dma_start3A_1107 = arith.constant 0 : i32
        %dma_start3A_1108 = tpu.memref_slice %dma_start3A_1105[%dma_start3A_1106, %dma_start3A_1107] : memref<896x64xf32, #tpu.memory_space<vmem>> -> memref<50x64xf32, #tpu.memory_space<vmem>>
        %dma_start3A_1109 = arith.constant 0 : i32
        %dma_start3A_1110 = arith.constant 0 : i32
        %dma_start3A_1111 = tpu.memref_slice %arg5[%dma_start3A_1099, %dma_start3A_1109, %dma_start3A_1110] : memref<2x16x50xi32, #tpu.memory_space<vmem>> -> memref<1x16x50xi32, #tpu.memory_space<vmem>>
        %dma_start3A_1112 = tpu.memref_squeeze %dma_start3A_1111 : memref<1x16x50xi32, #tpu.memory_space<vmem>> -> memref<16x50xi32, #tpu.memory_space<vmem>>
        %dma_start3A_1113 = arith.constant 0 : i32
        %dma_start3A_1114 = tpu.memref_slice %dma_start3A_1112[%dma_start3A_1100, %dma_start3A_1113] : memref<16x50xi32, #tpu.memory_space<vmem>> -> memref<1x50xi32, #tpu.memory_space<vmem>>
        %dma_start3A_1115 = tpu.memref_squeeze %dma_start3A_1114 : memref<1x50xi32, #tpu.memory_space<vmem>> -> memref<50xi32, #tpu.memory_space<vmem>>
        %dma_start3A_1116 = arith.constant 0 : i32
        %dma_start3A_1117 = arith.constant 0 : i32
        %dma_start3A_1118 = tpu.memref_slice %arg2[%dma_start3A_1116, %dma_start3A_1117] : memref<2000000x64xf32, #tpu.memory_space<hbm>> -> memref<2000000x64xf32, #tpu.memory_space<hbm>>
        tpu.enqueue_indirect_dma source(%dma_start3A_1118 : memref<2000000x64xf32, #tpu.memory_space<hbm>>) target(%dma_start3A_1108 : memref<50x64xf32, #tpu.memory_space<vmem>>) offsets(%dma_start3A_1115 : memref<50xi32, #tpu.memory_space<vmem>>) semaphore(%arg7 : memref<!tpu.dma_semaphore, #tpu.memory_space<semaphore_mem>>)
        %dma_start3A_1119 = arith.constant 0 : i32
        %dma_start3A_1120 = arith.constant 3 : i32
        %dma_start3A_1121 = arith.constant 0 : i32
        %dma_start3A_1122 = arith.constant 0 : i32
        %dma_start3A_1123 = arith.constant 0 : i32
        %dma_start3A_1124 = tpu.memref_slice %arg6[%dma_start3A_1121, %dma_start3A_1122, %dma_start3A_1123] : memref<2x896x64xf32, #tpu.memory_space<vmem>> -> memref<1x896x64xf32, #tpu.memory_space<vmem>>
        %dma_start3A_1125 = tpu.memref_squeeze %dma_start3A_1124 : memref<1x896x64xf32, #tpu.memory_space<vmem>> -> memref<896x64xf32, #tpu.memory_space<vmem>>
        %dma_start3A_1126 = arith.constant 168 : i32
        %dma_start3A_1127 = arith.constant 0 : i32
        %dma_start3A_1128 = tpu.memref_slice %dma_start3A_1125[%dma_start3A_1126, %dma_start3A_1127] : memref<896x64xf32, #tpu.memory_space<vmem>> -> memref<50x64xf32, #tpu.memory_space<vmem>>
        %dma_start3A_1129 = arith.constant 0 : i32
        %dma_start3A_1130 = arith.constant 0 : i32
        %dma_start3A_1131 = tpu.memref_slice %arg5[%dma_start3A_1119, %dma_start3A_1129, %dma_start3A_1130] : memref<2x16x50xi32, #tpu.memory_space<vmem>> -> memref<1x16x50xi32, #tpu.memory_space<vmem>>
        %dma_start3A_1132 = tpu.memref_squeeze %dma_start3A_1131 : memref<1x16x50xi32, #tpu.memory_space<vmem>> -> memref<16x50xi32, #tpu.memory_space<vmem>>
        %dma_start3A_1133 = arith.constant 0 : i32
        %dma_start3A_1134 = tpu.memref_slice %dma_start3A_1132[%dma_start3A_1120, %dma_start3A_1133] : memref<16x50xi32, #tpu.memory_space<vmem>> -> memref<1x50xi32, #tpu.memory_space<vmem>>
        %dma_start3A_1135 = tpu.memref_squeeze %dma_start3A_1134 : memref<1x50xi32, #tpu.memory_space<vmem>> -> memref<50xi32, #tpu.memory_space<vmem>>
        %dma_start3A_1136 = arith.constant 0 : i32
        %dma_start3A_1137 = arith.constant 0 : i32
        %dma_start3A_1138 = tpu.memref_slice %arg2[%dma_start3A_1136, %dma_start3A_1137] : memref<2000000x64xf32, #tpu.memory_space<hbm>> -> memref<2000000x64xf32, #tpu.memory_space<hbm>>
        tpu.enqueue_indirect_dma source(%dma_start3A_1138 : memref<2000000x64xf32, #tpu.memory_space<hbm>>) target(%dma_start3A_1128 : memref<50x64xf32, #tpu.memory_space<vmem>>) offsets(%dma_start3A_1135 : memref<50xi32, #tpu.memory_space<vmem>>) semaphore(%arg7 : memref<!tpu.dma_semaphore, #tpu.memory_space<semaphore_mem>>)
        %dma_start3A_1139 = arith.constant 0 : i32
        %dma_start3A_1140 = arith.constant 4 : i32
        %dma_start3A_1141 = arith.constant 0 : i32
        %dma_start3A_1142 = arith.constant 0 : i32
        %dma_start3A_1143 = arith.constant 0 : i32
        %dma_start3A_1144 = tpu.memref_slice %arg6[%dma_start3A_1141, %dma_start3A_1142, %dma_start3A_1143] : memref<2x896x64xf32, #tpu.memory_space<vmem>> -> memref<1x896x64xf32, #tpu.memory_space<vmem>>
        %dma_start3A_1145 = tpu.memref_squeeze %dma_start3A_1144 : memref<1x896x64xf32, #tpu.memory_space<vmem>> -> memref<896x64xf32, #tpu.memory_space<vmem>>
        %dma_start3A_1146 = arith.constant 224 : i32
        %dma_start3A_1147 = arith.constant 0 : i32
        %dma_start3A_1148 = tpu.memref_slice %dma_start3A_1145[%dma_start3A_1146, %dma_start3A_1147] : memref<896x64xf32, #tpu.memory_space<vmem>> -> memref<50x64xf32, #tpu.memory_space<vmem>>
        %dma_start3A_1149 = arith.constant 0 : i32
        %dma_start3A_1150 = arith.constant 0 : i32
        %dma_start3A_1151 = tpu.memref_slice %arg5[%dma_start3A_1139, %dma_start3A_1149, %dma_start3A_1150] : memref<2x16x50xi32, #tpu.memory_space<vmem>> -> memref<1x16x50xi32, #tpu.memory_space<vmem>>
        %dma_start3A_1152 = tpu.memref_squeeze %dma_start3A_1151 : memref<1x16x50xi32, #tpu.memory_space<vmem>> -> memref<16x50xi32, #tpu.memory_space<vmem>>
        %dma_start3A_1153 = arith.constant 0 : i32
        %dma_start3A_1154 = tpu.memref_slice %dma_start3A_1152[%dma_start3A_1140, %dma_start3A_1153] : memref<16x50xi32, #tpu.memory_space<vmem>> -> memref<1x50xi32, #tpu.memory_space<vmem>>
        %dma_start3A_1155 = tpu.memref_squeeze %dma_start3A_1154 : memref<1x50xi32, #tpu.memory_space<vmem>> -> memref<50xi32, #tpu.memory_space<vmem>>
        %dma_start3A_1156 = arith.constant 0 : i32
        %dma_start3A_1157 = arith.constant 0 : i32
        %dma_start3A_1158 = tpu.memref_slice %arg2[%dma_start3A_1156, %dma_start3A_1157] : memref<2000000x64xf32, #tpu.memory_space<hbm>> -> memref<2000000x64xf32, #tpu.memory_space<hbm>>
        tpu.enqueue_indirect_dma source(%dma_start3A_1158 : memref<2000000x64xf32, #tpu.memory_space<hbm>>) target(%dma_start3A_1148 : memref<50x64xf32, #tpu.memory_space<vmem>>) offsets(%dma_start3A_1155 : memref<50xi32, #tpu.memory_space<vmem>>) semaphore(%arg7 : memref<!tpu.dma_semaphore, #tpu.memory_space<semaphore_mem>>)
        %dma_start3A_1159 = arith.constant 0 : i32
        %dma_start3A_1160 = arith.constant 5 : i32
        %dma_start3A_1161 = arith.constant 0 : i32
        %dma_start3A_1162 = arith.constant 0 : i32
        %dma_start3A_1163 = arith.constant 0 : i32
        %dma_start3A_1164 = tpu.memref_slice %arg6[%dma_start3A_1161, %dma_start3A_1162, %dma_start3A_1163] : memref<2x896x64xf32, #tpu.memory_space<vmem>> -> memref<1x896x64xf32, #tpu.memory_space<vmem>>
        %dma_start3A_1165 = tpu.memref_squeeze %dma_start3A_1164 : memref<1x896x64xf32, #tpu.memory_space<vmem>> -> memref<896x64xf32, #tpu.memory_space<vmem>>
        %dma_start3A_1166 = arith.constant 280 : i32
        %dma_start3A_1167 = arith.constant 0 : i32
        %dma_start3A_1168 = tpu.memref_slice %dma_start3A_1165[%dma_start3A_1166, %dma_start3A_1167] : memref<896x64xf32, #tpu.memory_space<vmem>> -> memref<50x64xf32, #tpu.memory_space<vmem>>
        %dma_start3A_1169 = arith.constant 0 : i32
        %dma_start3A_1170 = arith.constant 0 : i32
        %dma_start3A_1171 = tpu.memref_slice %arg5[%dma_start3A_1159, %dma_start3A_1169, %dma_start3A_1170] : memref<2x16x50xi32, #tpu.memory_space<vmem>> -> memref<1x16x50xi32, #tpu.memory_space<vmem>>
        %dma_start3A_1172 = tpu.memref_squeeze %dma_start3A_1171 : memref<1x16x50xi32, #tpu.memory_space<vmem>> -> memref<16x50xi32, #tpu.memory_space<vmem>>
        %dma_start3A_1173 = arith.constant 0 : i32
        %dma_start3A_1174 = tpu.memref_slice %dma_start3A_1172[%dma_start3A_1160, %dma_start3A_1173] : memref<16x50xi32, #tpu.memory_space<vmem>> -> memref<1x50xi32, #tpu.memory_space<vmem>>
        %dma_start3A_1175 = tpu.memref_squeeze %dma_start3A_1174 : memref<1x50xi32, #tpu.memory_space<vmem>> -> memref<50xi32, #tpu.memory_space<vmem>>
        %dma_start3A_1176 = arith.constant 0 : i32
        %dma_start3A_1177 = arith.constant 0 : i32
        %dma_start3A_1178 = tpu.memref_slice %arg2[%dma_start3A_1176, %dma_start3A_1177] : memref<2000000x64xf32, #tpu.memory_space<hbm>> -> memref<2000000x64xf32, #tpu.memory_space<hbm>>
        tpu.enqueue_indirect_dma source(%dma_start3A_1178 : memref<2000000x64xf32, #tpu.memory_space<hbm>>) target(%dma_start3A_1168 : memref<50x64xf32, #tpu.memory_space<vmem>>) offsets(%dma_start3A_1175 : memref<50xi32, #tpu.memory_space<vmem>>) semaphore(%arg7 : memref<!tpu.dma_semaphore, #tpu.memory_space<semaphore_mem>>)
        %dma_start3A_1179 = arith.constant 0 : i32
        %dma_start3A_1180 = arith.constant 6 : i32
        %dma_start3A_1181 = arith.constant 0 : i32
        %dma_start3A_1182 = arith.constant 0 : i32
        %dma_start3A_1183 = arith.constant 0 : i32
        %dma_start3A_1184 = tpu.memref_slice %arg6[%dma_start3A_1181, %dma_start3A_1182, %dma_start3A_1183] : memref<2x896x64xf32, #tpu.memory_space<vmem>> -> memref<1x896x64xf32, #tpu.memory_space<vmem>>
        %dma_start3A_1185 = tpu.memref_squeeze %dma_start3A_1184 : memref<1x896x64xf32, #tpu.memory_space<vmem>> -> memref<896x64xf32, #tpu.memory_space<vmem>>
        %dma_start3A_1186 = arith.constant 336 : i32
        %dma_start3A_1187 = arith.constant 0 : i32
        %dma_start3A_1188 = tpu.memref_slice %dma_start3A_1185[%dma_start3A_1186, %dma_start3A_1187] : memref<896x64xf32, #tpu.memory_space<vmem>> -> memref<50x64xf32, #tpu.memory_space<vmem>>
        %dma_start3A_1189 = arith.constant 0 : i32
        %dma_start3A_1190 = arith.constant 0 : i32
        %dma_start3A_1191 = tpu.memref_slice %arg5[%dma_start3A_1179, %dma_start3A_1189, %dma_start3A_1190] : memref<2x16x50xi32, #tpu.memory_space<vmem>> -> memref<1x16x50xi32, #tpu.memory_space<vmem>>
        %dma_start3A_1192 = tpu.memref_squeeze %dma_start3A_1191 : memref<1x16x50xi32, #tpu.memory_space<vmem>> -> memref<16x50xi32, #tpu.memory_space<vmem>>
        %dma_start3A_1193 = arith.constant 0 : i32
        %dma_start3A_1194 = tpu.memref_slice %dma_start3A_1192[%dma_start3A_1180, %dma_start3A_1193] : memref<16x50xi32, #tpu.memory_space<vmem>> -> memref<1x50xi32, #tpu.memory_space<vmem>>
        %dma_start3A_1195 = tpu.memref_squeeze %dma_start3A_1194 : memref<1x50xi32, #tpu.memory_space<vmem>> -> memref<50xi32, #tpu.memory_space<vmem>>
        %dma_start3A_1196 = arith.constant 0 : i32
        %dma_start3A_1197 = arith.constant 0 : i32
        %dma_start3A_1198 = tpu.memref_slice %arg2[%dma_start3A_1196, %dma_start3A_1197] : memref<2000000x64xf32, #tpu.memory_space<hbm>> -> memref<2000000x64xf32, #tpu.memory_space<hbm>>
        tpu.enqueue_indirect_dma source(%dma_start3A_1198 : memref<2000000x64xf32, #tpu.memory_space<hbm>>) target(%dma_start3A_1188 : memref<50x64xf32, #tpu.memory_space<vmem>>) offsets(%dma_start3A_1195 : memref<50xi32, #tpu.memory_space<vmem>>) semaphore(%arg7 : memref<!tpu.dma_semaphore, #tpu.memory_space<semaphore_mem>>)
        %dma_start3A_1199 = arith.constant 0 : i32
        %dma_start3A_1200 = arith.constant 7 : i32
        %dma_start3A_1201 = arith.constant 0 : i32
        %dma_start3A_1202 = arith.constant 0 : i32
        %dma_start3A_1203 = arith.constant 0 : i32
        %dma_start3A_1204 = tpu.memref_slice %arg6[%dma_start3A_1201, %dma_start3A_1202, %dma_start3A_1203] : memref<2x896x64xf32, #tpu.memory_space<vmem>> -> memref<1x896x64xf32, #tpu.memory_space<vmem>>
        %dma_start3A_1205 = tpu.memref_squeeze %dma_start3A_1204 : memref<1x896x64xf32, #tpu.memory_space<vmem>> -> memref<896x64xf32, #tpu.memory_space<vmem>>
        %dma_start3A_1206 = arith.constant 392 : i32
        %dma_start3A_1207 = arith.constant 0 : i32
        %dma_start3A_1208 = tpu.memref_slice %dma_start3A_1205[%dma_start3A_1206, %dma_start3A_1207] : memref<896x64xf32, #tpu.memory_space<vmem>> -> memref<50x64xf32, #tpu.memory_space<vmem>>
        %dma_start3A_1209 = arith.constant 0 : i32
        %dma_start3A_1210 = arith.constant 0 : i32
        %dma_start3A_1211 = tpu.memref_slice %arg5[%dma_start3A_1199, %dma_start3A_1209, %dma_start3A_1210] : memref<2x16x50xi32, #tpu.memory_space<vmem>> -> memref<1x16x50xi32, #tpu.memory_space<vmem>>
        %dma_start3A_1212 = tpu.memref_squeeze %dma_start3A_1211 : memref<1x16x50xi32, #tpu.memory_space<vmem>> -> memref<16x50xi32, #tpu.memory_space<vmem>>
        %dma_start3A_1213 = arith.constant 0 : i32
        %dma_start3A_1214 = tpu.memref_slice %dma_start3A_1212[%dma_start3A_1200, %dma_start3A_1213] : memref<16x50xi32, #tpu.memory_space<vmem>> -> memref<1x50xi32, #tpu.memory_space<vmem>>
        %dma_start3A_1215 = tpu.memref_squeeze %dma_start3A_1214 : memref<1x50xi32, #tpu.memory_space<vmem>> -> memref<50xi32, #tpu.memory_space<vmem>>
        %dma_start3A_1216 = arith.constant 0 : i32
        %dma_start3A_1217 = arith.constant 0 : i32
        %dma_start3A_1218 = tpu.memref_slice %arg2[%dma_start3A_1216, %dma_start3A_1217] : memref<2000000x64xf32, #tpu.memory_space<hbm>> -> memref<2000000x64xf32, #tpu.memory_space<hbm>>
        tpu.enqueue_indirect_dma source(%dma_start3A_1218 : memref<2000000x64xf32, #tpu.memory_space<hbm>>) target(%dma_start3A_1208 : memref<50x64xf32, #tpu.memory_space<vmem>>) offsets(%dma_start3A_1215 : memref<50xi32, #tpu.memory_space<vmem>>) semaphore(%arg7 : memref<!tpu.dma_semaphore, #tpu.memory_space<semaphore_mem>>)
        %dma_start3A_1219 = arith.constant 0 : i32
        %dma_start3A_1220 = arith.constant 8 : i32
        %dma_start3A_1221 = arith.constant 0 : i32
        %dma_start3A_1222 = arith.constant 0 : i32
        %dma_start3A_1223 = arith.constant 0 : i32
        %dma_start3A_1224 = tpu.memref_slice %arg6[%dma_start3A_1221, %dma_start3A_1222, %dma_start3A_1223] : memref<2x896x64xf32, #tpu.memory_space<vmem>> -> memref<1x896x64xf32, #tpu.memory_space<vmem>>
        %dma_start3A_1225 = tpu.memref_squeeze %dma_start3A_1224 : memref<1x896x64xf32, #tpu.memory_space<vmem>> -> memref<896x64xf32, #tpu.memory_space<vmem>>
        %dma_start3A_1226 = arith.constant 448 : i32
        %dma_start3A_1227 = arith.constant 0 : i32
        %dma_start3A_1228 = tpu.memref_slice %dma_start3A_1225[%dma_start3A_1226, %dma_start3A_1227] : memref<896x64xf32, #tpu.memory_space<vmem>> -> memref<50x64xf32, #tpu.memory_space<vmem>>
        %dma_start3A_1229 = arith.constant 0 : i32
        %dma_start3A_1230 = arith.constant 0 : i32
        %dma_start3A_1231 = tpu.memref_slice %arg5[%dma_start3A_1219, %dma_start3A_1229, %dma_start3A_1230] : memref<2x16x50xi32, #tpu.memory_space<vmem>> -> memref<1x16x50xi32, #tpu.memory_space<vmem>>
        %dma_start3A_1232 = tpu.memref_squeeze %dma_start3A_1231 : memref<1x16x50xi32, #tpu.memory_space<vmem>> -> memref<16x50xi32, #tpu.memory_space<vmem>>
        %dma_start3A_1233 = arith.constant 0 : i32
        %dma_start3A_1234 = tpu.memref_slice %dma_start3A_1232[%dma_start3A_1220, %dma_start3A_1233] : memref<16x50xi32, #tpu.memory_space<vmem>> -> memref<1x50xi32, #tpu.memory_space<vmem>>
        %dma_start3A_1235 = tpu.memref_squeeze %dma_start3A_1234 : memref<1x50xi32, #tpu.memory_space<vmem>> -> memref<50xi32, #tpu.memory_space<vmem>>
        %dma_start3A_1236 = arith.constant 0 : i32
        %dma_start3A_1237 = arith.constant 0 : i32
        %dma_start3A_1238 = tpu.memref_slice %arg2[%dma_start3A_1236, %dma_start3A_1237] : memref<2000000x64xf32, #tpu.memory_space<hbm>> -> memref<2000000x64xf32, #tpu.memory_space<hbm>>
        tpu.enqueue_indirect_dma source(%dma_start3A_1238 : memref<2000000x64xf32, #tpu.memory_space<hbm>>) target(%dma_start3A_1228 : memref<50x64xf32, #tpu.memory_space<vmem>>) offsets(%dma_start3A_1235 : memref<50xi32, #tpu.memory_space<vmem>>) semaphore(%arg7 : memref<!tpu.dma_semaphore, #tpu.memory_space<semaphore_mem>>)
        %dma_start3A_1239 = arith.constant 0 : i32
        %dma_start3A_1240 = arith.constant 9 : i32
        %dma_start3A_1241 = arith.constant 0 : i32
        %dma_start3A_1242 = arith.constant 0 : i32
        %dma_start3A_1243 = arith.constant 0 : i32
        %dma_start3A_1244 = tpu.memref_slice %arg6[%dma_start3A_1241, %dma_start3A_1242, %dma_start3A_1243] : memref<2x896x64xf32, #tpu.memory_space<vmem>> -> memref<1x896x64xf32, #tpu.memory_space<vmem>>
        %dma_start3A_1245 = tpu.memref_squeeze %dma_start3A_1244 : memref<1x896x64xf32, #tpu.memory_space<vmem>> -> memref<896x64xf32, #tpu.memory_space<vmem>>
        %dma_start3A_1246 = arith.constant 504 : i32
        %dma_start3A_1247 = arith.constant 0 : i32
        %dma_start3A_1248 = tpu.memref_slice %dma_start3A_1245[%dma_start3A_1246, %dma_start3A_1247] : memref<896x64xf32, #tpu.memory_space<vmem>> -> memref<50x64xf32, #tpu.memory_space<vmem>>
        %dma_start3A_1249 = arith.constant 0 : i32
        %dma_start3A_1250 = arith.constant 0 : i32
        %dma_start3A_1251 = tpu.memref_slice %arg5[%dma_start3A_1239, %dma_start3A_1249, %dma_start3A_1250] : memref<2x16x50xi32, #tpu.memory_space<vmem>> -> memref<1x16x50xi32, #tpu.memory_space<vmem>>
        %dma_start3A_1252 = tpu.memref_squeeze %dma_start3A_1251 : memref<1x16x50xi32, #tpu.memory_space<vmem>> -> memref<16x50xi32, #tpu.memory_space<vmem>>
        %dma_start3A_1253 = arith.constant 0 : i32
        %dma_start3A_1254 = tpu.memref_slice %dma_start3A_1252[%dma_start3A_1240, %dma_start3A_1253] : memref<16x50xi32, #tpu.memory_space<vmem>> -> memref<1x50xi32, #tpu.memory_space<vmem>>
        %dma_start3A_1255 = tpu.memref_squeeze %dma_start3A_1254 : memref<1x50xi32, #tpu.memory_space<vmem>> -> memref<50xi32, #tpu.memory_space<vmem>>
        %dma_start3A_1256 = arith.constant 0 : i32
        %dma_start3A_1257 = arith.constant 0 : i32
        %dma_start3A_1258 = tpu.memref_slice %arg2[%dma_start3A_1256, %dma_start3A_1257] : memref<2000000x64xf32, #tpu.memory_space<hbm>> -> memref<2000000x64xf32, #tpu.memory_space<hbm>>
        tpu.enqueue_indirect_dma source(%dma_start3A_1258 : memref<2000000x64xf32, #tpu.memory_space<hbm>>) target(%dma_start3A_1248 : memref<50x64xf32, #tpu.memory_space<vmem>>) offsets(%dma_start3A_1255 : memref<50xi32, #tpu.memory_space<vmem>>) semaphore(%arg7 : memref<!tpu.dma_semaphore, #tpu.memory_space<semaphore_mem>>)
        %dma_start3A_1259 = arith.constant 0 : i32
        %dma_start3A_1260 = arith.constant 10 : i32
        %dma_start3A_1261 = arith.constant 0 : i32
        %dma_start3A_1262 = arith.constant 0 : i32
        %dma_start3A_1263 = arith.constant 0 : i32
        %dma_start3A_1264 = tpu.memref_slice %arg6[%dma_start3A_1261, %dma_start3A_1262, %dma_start3A_1263] : memref<2x896x64xf32, #tpu.memory_space<vmem>> -> memref<1x896x64xf32, #tpu.memory_space<vmem>>
        %dma_start3A_1265 = tpu.memref_squeeze %dma_start3A_1264 : memref<1x896x64xf32, #tpu.memory_space<vmem>> -> memref<896x64xf32, #tpu.memory_space<vmem>>
        %dma_start3A_1266 = arith.constant 560 : i32
        %dma_start3A_1267 = arith.constant 0 : i32
        %dma_start3A_1268 = tpu.memref_slice %dma_start3A_1265[%dma_start3A_1266, %dma_start3A_1267] : memref<896x64xf32, #tpu.memory_space<vmem>> -> memref<50x64xf32, #tpu.memory_space<vmem>>
        %dma_start3A_1269 = arith.constant 0 : i32
        %dma_start3A_1270 = arith.constant 0 : i32
        %dma_start3A_1271 = tpu.memref_slice %arg5[%dma_start3A_1259, %dma_start3A_1269, %dma_start3A_1270] : memref<2x16x50xi32, #tpu.memory_space<vmem>> -> memref<1x16x50xi32, #tpu.memory_space<vmem>>
        %dma_start3A_1272 = tpu.memref_squeeze %dma_start3A_1271 : memref<1x16x50xi32, #tpu.memory_space<vmem>> -> memref<16x50xi32, #tpu.memory_space<vmem>>
        %dma_start3A_1273 = arith.constant 0 : i32
        %dma_start3A_1274 = tpu.memref_slice %dma_start3A_1272[%dma_start3A_1260, %dma_start3A_1273] : memref<16x50xi32, #tpu.memory_space<vmem>> -> memref<1x50xi32, #tpu.memory_space<vmem>>
        %dma_start3A_1275 = tpu.memref_squeeze %dma_start3A_1274 : memref<1x50xi32, #tpu.memory_space<vmem>> -> memref<50xi32, #tpu.memory_space<vmem>>
        %dma_start3A_1276 = arith.constant 0 : i32
        %dma_start3A_1277 = arith.constant 0 : i32
        %dma_start3A_1278 = tpu.memref_slice %arg2[%dma_start3A_1276, %dma_start3A_1277] : memref<2000000x64xf32, #tpu.memory_space<hbm>> -> memref<2000000x64xf32, #tpu.memory_space<hbm>>
        tpu.enqueue_indirect_dma source(%dma_start3A_1278 : memref<2000000x64xf32, #tpu.memory_space<hbm>>) target(%dma_start3A_1268 : memref<50x64xf32, #tpu.memory_space<vmem>>) offsets(%dma_start3A_1275 : memref<50xi32, #tpu.memory_space<vmem>>) semaphore(%arg7 : memref<!tpu.dma_semaphore, #tpu.memory_space<semaphore_mem>>)
        %dma_start3A_1279 = arith.constant 0 : i32
        %dma_start3A_1280 = arith.constant 11 : i32
        %dma_start3A_1281 = arith.constant 0 : i32
        %dma_start3A_1282 = arith.constant 0 : i32
        %dma_start3A_1283 = arith.constant 0 : i32
        %dma_start3A_1284 = tpu.memref_slice %arg6[%dma_start3A_1281, %dma_start3A_1282, %dma_start3A_1283] : memref<2x896x64xf32, #tpu.memory_space<vmem>> -> memref<1x896x64xf32, #tpu.memory_space<vmem>>
        %dma_start3A_1285 = tpu.memref_squeeze %dma_start3A_1284 : memref<1x896x64xf32, #tpu.memory_space<vmem>> -> memref<896x64xf32, #tpu.memory_space<vmem>>
        %dma_start3A_1286 = arith.constant 616 : i32
        %dma_start3A_1287 = arith.constant 0 : i32
        %dma_start3A_1288 = tpu.memref_slice %dma_start3A_1285[%dma_start3A_1286, %dma_start3A_1287] : memref<896x64xf32, #tpu.memory_space<vmem>> -> memref<50x64xf32, #tpu.memory_space<vmem>>
        %dma_start3A_1289 = arith.constant 0 : i32
        %dma_start3A_1290 = arith.constant 0 : i32
        %dma_start3A_1291 = tpu.memref_slice %arg5[%dma_start3A_1279, %dma_start3A_1289, %dma_start3A_1290] : memref<2x16x50xi32, #tpu.memory_space<vmem>> -> memref<1x16x50xi32, #tpu.memory_space<vmem>>
        %dma_start3A_1292 = tpu.memref_squeeze %dma_start3A_1291 : memref<1x16x50xi32, #tpu.memory_space<vmem>> -> memref<16x50xi32, #tpu.memory_space<vmem>>
        %dma_start3A_1293 = arith.constant 0 : i32
        %dma_start3A_1294 = tpu.memref_slice %dma_start3A_1292[%dma_start3A_1280, %dma_start3A_1293] : memref<16x50xi32, #tpu.memory_space<vmem>> -> memref<1x50xi32, #tpu.memory_space<vmem>>
        %dma_start3A_1295 = tpu.memref_squeeze %dma_start3A_1294 : memref<1x50xi32, #tpu.memory_space<vmem>> -> memref<50xi32, #tpu.memory_space<vmem>>
        %dma_start3A_1296 = arith.constant 0 : i32
        %dma_start3A_1297 = arith.constant 0 : i32
        %dma_start3A_1298 = tpu.memref_slice %arg2[%dma_start3A_1296, %dma_start3A_1297] : memref<2000000x64xf32, #tpu.memory_space<hbm>> -> memref<2000000x64xf32, #tpu.memory_space<hbm>>
        tpu.enqueue_indirect_dma source(%dma_start3A_1298 : memref<2000000x64xf32, #tpu.memory_space<hbm>>) target(%dma_start3A_1288 : memref<50x64xf32, #tpu.memory_space<vmem>>) offsets(%dma_start3A_1295 : memref<50xi32, #tpu.memory_space<vmem>>) semaphore(%arg7 : memref<!tpu.dma_semaphore, #tpu.memory_space<semaphore_mem>>)
        %dma_start3A_1299 = arith.constant 0 : i32
        %dma_start3A_1300 = arith.constant 12 : i32
        %dma_start3A_1301 = arith.constant 0 : i32
        %dma_start3A_1302 = arith.constant 0 : i32
        %dma_start3A_1303 = arith.constant 0 : i32
        %dma_start3A_1304 = tpu.memref_slice %arg6[%dma_start3A_1301, %dma_start3A_1302, %dma_start3A_1303] : memref<2x896x64xf32, #tpu.memory_space<vmem>> -> memref<1x896x64xf32, #tpu.memory_space<vmem>>
        %dma_start3A_1305 = tpu.memref_squeeze %dma_start3A_1304 : memref<1x896x64xf32, #tpu.memory_space<vmem>> -> memref<896x64xf32, #tpu.memory_space<vmem>>
        %dma_start3A_1306 = arith.constant 672 : i32
        %dma_start3A_1307 = arith.constant 0 : i32
        %dma_start3A_1308 = tpu.memref_slice %dma_start3A_1305[%dma_start3A_1306, %dma_start3A_1307] : memref<896x64xf32, #tpu.memory_space<vmem>> -> memref<50x64xf32, #tpu.memory_space<vmem>>
        %dma_start3A_1309 = arith.constant 0 : i32
        %dma_start3A_1310 = arith.constant 0 : i32
        %dma_start3A_1311 = tpu.memref_slice %arg5[%dma_start3A_1299, %dma_start3A_1309, %dma_start3A_1310] : memref<2x16x50xi32, #tpu.memory_space<vmem>> -> memref<1x16x50xi32, #tpu.memory_space<vmem>>
        %dma_start3A_1312 = tpu.memref_squeeze %dma_start3A_1311 : memref<1x16x50xi32, #tpu.memory_space<vmem>> -> memref<16x50xi32, #tpu.memory_space<vmem>>
        %dma_start3A_1313 = arith.constant 0 : i32
        %dma_start3A_1314 = tpu.memref_slice %dma_start3A_1312[%dma_start3A_1300, %dma_start3A_1313] : memref<16x50xi32, #tpu.memory_space<vmem>> -> memref<1x50xi32, #tpu.memory_space<vmem>>
        %dma_start3A_1315 = tpu.memref_squeeze %dma_start3A_1314 : memref<1x50xi32, #tpu.memory_space<vmem>> -> memref<50xi32, #tpu.memory_space<vmem>>
        %dma_start3A_1316 = arith.constant 0 : i32
        %dma_start3A_1317 = arith.constant 0 : i32
        %dma_start3A_1318 = tpu.memref_slice %arg2[%dma_start3A_1316, %dma_start3A_1317] : memref<2000000x64xf32, #tpu.memory_space<hbm>> -> memref<2000000x64xf32, #tpu.memory_space<hbm>>
        tpu.enqueue_indirect_dma source(%dma_start3A_1318 : memref<2000000x64xf32, #tpu.memory_space<hbm>>) target(%dma_start3A_1308 : memref<50x64xf32, #tpu.memory_space<vmem>>) offsets(%dma_start3A_1315 : memref<50xi32, #tpu.memory_space<vmem>>) semaphore(%arg7 : memref<!tpu.dma_semaphore, #tpu.memory_space<semaphore_mem>>)
        %dma_start3A_1319 = arith.constant 0 : i32
        %dma_start3A_1320 = arith.constant 13 : i32
        %dma_start3A_1321 = arith.constant 0 : i32
        %dma_start3A_1322 = arith.constant 0 : i32
        %dma_start3A_1323 = arith.constant 0 : i32
        %dma_start3A_1324 = tpu.memref_slice %arg6[%dma_start3A_1321, %dma_start3A_1322, %dma_start3A_1323] : memref<2x896x64xf32, #tpu.memory_space<vmem>> -> memref<1x896x64xf32, #tpu.memory_space<vmem>>
        %dma_start3A_1325 = tpu.memref_squeeze %dma_start3A_1324 : memref<1x896x64xf32, #tpu.memory_space<vmem>> -> memref<896x64xf32, #tpu.memory_space<vmem>>
        %dma_start3A_1326 = arith.constant 728 : i32
        %dma_start3A_1327 = arith.constant 0 : i32
        %dma_start3A_1328 = tpu.memref_slice %dma_start3A_1325[%dma_start3A_1326, %dma_start3A_1327] : memref<896x64xf32, #tpu.memory_space<vmem>> -> memref<50x64xf32, #tpu.memory_space<vmem>>
        %dma_start3A_1329 = arith.constant 0 : i32
        %dma_start3A_1330 = arith.constant 0 : i32
        %dma_start3A_1331 = tpu.memref_slice %arg5[%dma_start3A_1319, %dma_start3A_1329, %dma_start3A_1330] : memref<2x16x50xi32, #tpu.memory_space<vmem>> -> memref<1x16x50xi32, #tpu.memory_space<vmem>>
        %dma_start3A_1332 = tpu.memref_squeeze %dma_start3A_1331 : memref<1x16x50xi32, #tpu.memory_space<vmem>> -> memref<16x50xi32, #tpu.memory_space<vmem>>
        %dma_start3A_1333 = arith.constant 0 : i32
        %dma_start3A_1334 = tpu.memref_slice %dma_start3A_1332[%dma_start3A_1320, %dma_start3A_1333] : memref<16x50xi32, #tpu.memory_space<vmem>> -> memref<1x50xi32, #tpu.memory_space<vmem>>
        %dma_start3A_1335 = tpu.memref_squeeze %dma_start3A_1334 : memref<1x50xi32, #tpu.memory_space<vmem>> -> memref<50xi32, #tpu.memory_space<vmem>>
        %dma_start3A_1336 = arith.constant 0 : i32
        %dma_start3A_1337 = arith.constant 0 : i32
        %dma_start3A_1338 = tpu.memref_slice %arg2[%dma_start3A_1336, %dma_start3A_1337] : memref<2000000x64xf32, #tpu.memory_space<hbm>> -> memref<2000000x64xf32, #tpu.memory_space<hbm>>
        tpu.enqueue_indirect_dma source(%dma_start3A_1338 : memref<2000000x64xf32, #tpu.memory_space<hbm>>) target(%dma_start3A_1328 : memref<50x64xf32, #tpu.memory_space<vmem>>) offsets(%dma_start3A_1335 : memref<50xi32, #tpu.memory_space<vmem>>) semaphore(%arg7 : memref<!tpu.dma_semaphore, #tpu.memory_space<semaphore_mem>>)
        %dma_start3A_1339 = arith.constant 0 : i32
        %dma_start3A_1340 = arith.constant 14 : i32
        %dma_start3A_1341 = arith.constant 0 : i32
        %dma_start3A_1342 = arith.constant 0 : i32
        %dma_start3A_1343 = arith.constant 0 : i32
        %dma_start3A_1344 = tpu.memref_slice %arg6[%dma_start3A_1341, %dma_start3A_1342, %dma_start3A_1343] : memref<2x896x64xf32, #tpu.memory_space<vmem>> -> memref<1x896x64xf32, #tpu.memory_space<vmem>>
        %dma_start3A_1345 = tpu.memref_squeeze %dma_start3A_1344 : memref<1x896x64xf32, #tpu.memory_space<vmem>> -> memref<896x64xf32, #tpu.memory_space<vmem>>
        %dma_start3A_1346 = arith.constant 784 : i32
        %dma_start3A_1347 = arith.constant 0 : i32
        %dma_start3A_1348 = tpu.memref_slice %dma_start3A_1345[%dma_start3A_1346, %dma_start3A_1347] : memref<896x64xf32, #tpu.memory_space<vmem>> -> memref<50x64xf32, #tpu.memory_space<vmem>>
        %dma_start3A_1349 = arith.constant 0 : i32
        %dma_start3A_1350 = arith.constant 0 : i32
        %dma_start3A_1351 = tpu.memref_slice %arg5[%dma_start3A_1339, %dma_start3A_1349, %dma_start3A_1350] : memref<2x16x50xi32, #tpu.memory_space<vmem>> -> memref<1x16x50xi32, #tpu.memory_space<vmem>>
        %dma_start3A_1352 = tpu.memref_squeeze %dma_start3A_1351 : memref<1x16x50xi32, #tpu.memory_space<vmem>> -> memref<16x50xi32, #tpu.memory_space<vmem>>
        %dma_start3A_1353 = arith.constant 0 : i32
        %dma_start3A_1354 = tpu.memref_slice %dma_start3A_1352[%dma_start3A_1340, %dma_start3A_1353] : memref<16x50xi32, #tpu.memory_space<vmem>> -> memref<1x50xi32, #tpu.memory_space<vmem>>
        %dma_start3A_1355 = tpu.memref_squeeze %dma_start3A_1354 : memref<1x50xi32, #tpu.memory_space<vmem>> -> memref<50xi32, #tpu.memory_space<vmem>>
        %dma_start3A_1356 = arith.constant 0 : i32
        %dma_start3A_1357 = arith.constant 0 : i32
        %dma_start3A_1358 = tpu.memref_slice %arg2[%dma_start3A_1356, %dma_start3A_1357] : memref<2000000x64xf32, #tpu.memory_space<hbm>> -> memref<2000000x64xf32, #tpu.memory_space<hbm>>
        tpu.enqueue_indirect_dma source(%dma_start3A_1358 : memref<2000000x64xf32, #tpu.memory_space<hbm>>) target(%dma_start3A_1348 : memref<50x64xf32, #tpu.memory_space<vmem>>) offsets(%dma_start3A_1355 : memref<50xi32, #tpu.memory_space<vmem>>) semaphore(%arg7 : memref<!tpu.dma_semaphore, #tpu.memory_space<semaphore_mem>>)
        %dma_start3A_1359 = arith.constant 0 : i32
        %dma_start3A_1360 = arith.constant 15 : i32
        %dma_start3A_1361 = arith.constant 0 : i32
        %dma_start3A_1362 = arith.constant 0 : i32
        %dma_start3A_1363 = arith.constant 0 : i32
        %dma_start3A_1364 = tpu.memref_slice %arg6[%dma_start3A_1361, %dma_start3A_1362, %dma_start3A_1363] : memref<2x896x64xf32, #tpu.memory_space<vmem>> -> memref<1x896x64xf32, #tpu.memory_space<vmem>>
        %dma_start3A_1365 = tpu.memref_squeeze %dma_start3A_1364 : memref<1x896x64xf32, #tpu.memory_space<vmem>> -> memref<896x64xf32, #tpu.memory_space<vmem>>
        %dma_start3A_1366 = arith.constant 840 : i32
        %dma_start3A_1367 = arith.constant 0 : i32
        %dma_start3A_1368 = tpu.memref_slice %dma_start3A_1365[%dma_start3A_1366, %dma_start3A_1367] : memref<896x64xf32, #tpu.memory_space<vmem>> -> memref<50x64xf32, #tpu.memory_space<vmem>>
        %dma_start3A_1369 = arith.constant 0 : i32
        %dma_start3A_1370 = arith.constant 0 : i32
        %dma_start3A_1371 = tpu.memref_slice %arg5[%dma_start3A_1359, %dma_start3A_1369, %dma_start3A_1370] : memref<2x16x50xi32, #tpu.memory_space<vmem>> -> memref<1x16x50xi32, #tpu.memory_space<vmem>>
        %dma_start3A_1372 = tpu.memref_squeeze %dma_start3A_1371 : memref<1x16x50xi32, #tpu.memory_space<vmem>> -> memref<16x50xi32, #tpu.memory_space<vmem>>
        %dma_start3A_1373 = arith.constant 0 : i32
        %dma_start3A_1374 = tpu.memref_slice %dma_start3A_1372[%dma_start3A_1360, %dma_start3A_1373] : memref<16x50xi32, #tpu.memory_space<vmem>> -> memref<1x50xi32, #tpu.memory_space<vmem>>
        %dma_start3A_1375 = tpu.memref_squeeze %dma_start3A_1374 : memref<1x50xi32, #tpu.memory_space<vmem>> -> memref<50xi32, #tpu.memory_space<vmem>>
        %dma_start3A_1376 = arith.constant 0 : i32
        %dma_start3A_1377 = arith.constant 0 : i32
        %dma_start3A_1378 = tpu.memref_slice %arg2[%dma_start3A_1376, %dma_start3A_1377] : memref<2000000x64xf32, #tpu.memory_space<hbm>> -> memref<2000000x64xf32, #tpu.memory_space<hbm>>
        tpu.enqueue_indirect_dma source(%dma_start3A_1378 : memref<2000000x64xf32, #tpu.memory_space<hbm>>) target(%dma_start3A_1368 : memref<50x64xf32, #tpu.memory_space<vmem>>) offsets(%dma_start3A_1375 : memref<50xi32, #tpu.memory_space<vmem>>) semaphore(%arg7 : memref<!tpu.dma_semaphore, #tpu.memory_space<semaphore_mem>>)
      } else {
      }
      %dma_wait3A_715 = arith.constant 1 : i32
      %dma_wait3A_716 = arith.constant 0 : i32
      %dma_wait3A_717 = arith.constant 1 : i32
      %dma_wait3A_718 = arith.constant 0 : i32
      %dma_wait3A_719 = arith.constant 0 : i32
      %dma_wait3A_720 = tpu.memref_slice %arg6[%dma_wait3A_717, %dma_wait3A_718, %dma_wait3A_719] : memref<2x896x64xf32, #tpu.memory_space<vmem>> -> memref<1x896x64xf32, #tpu.memory_space<vmem>>
      %dma_wait3A_721 = tpu.memref_squeeze %dma_wait3A_720 : memref<1x896x64xf32, #tpu.memory_space<vmem>> -> memref<896x64xf32, #tpu.memory_space<vmem>>
      %dma_wait3A_722 = arith.constant 0 : i32
      %dma_wait3A_723 = arith.constant 0 : i32
      %dma_wait3A_724 = tpu.memref_slice %dma_wait3A_721[%dma_wait3A_722, %dma_wait3A_723] : memref<896x64xf32, #tpu.memory_space<vmem>> -> memref<50x64xf32, #tpu.memory_space<vmem>>
      %dma_wait3A_725 = arith.constant 0 : i32
      %dma_wait3A_726 = arith.constant 0 : i32
      %dma_wait3A_727 = tpu.memref_slice %arg5[%dma_wait3A_715, %dma_wait3A_725, %dma_wait3A_726] : memref<2x16x50xi32, #tpu.memory_space<vmem>> -> memref<1x16x50xi32, #tpu.memory_space<vmem>>
      %dma_wait3A_728 = tpu.memref_squeeze %dma_wait3A_727 : memref<1x16x50xi32, #tpu.memory_space<vmem>> -> memref<16x50xi32, #tpu.memory_space<vmem>>
      %dma_wait3A_729 = arith.constant 0 : i32
      %dma_wait3A_730 = tpu.memref_slice %dma_wait3A_728[%dma_wait3A_716, %dma_wait3A_729] : memref<16x50xi32, #tpu.memory_space<vmem>> -> memref<1x50xi32, #tpu.memory_space<vmem>>
      %dma_wait3A_731 = tpu.memref_squeeze %dma_wait3A_730 : memref<1x50xi32, #tpu.memory_space<vmem>> -> memref<50xi32, #tpu.memory_space<vmem>>
      %dma_wait3A_732 = arith.constant 0 : i32
      %dma_wait3A_733 = arith.constant 0 : i32
      %dma_wait3A_734 = tpu.memref_slice %arg2[%dma_wait3A_732, %dma_wait3A_733] : memref<2000000x64xf32, #tpu.memory_space<hbm>> -> memref<2000000x64xf32, #tpu.memory_space<hbm>>
      tpu.wait_indirect_dma semaphore(%arg8 : memref<!tpu.dma_semaphore, #tpu.memory_space<semaphore_mem>>) src(%dma_wait3A_734 : memref<2000000x64xf32, #tpu.memory_space<hbm>>) dst(%dma_wait3A_724 : memref<50x64xf32, #tpu.memory_space<vmem>>)
      %dma_wait3A_735 = arith.constant 1 : i32
      %dma_wait3A_736 = arith.constant 1 : i32
      %dma_wait3A_737 = arith.constant 1 : i32
      %dma_wait3A_738 = arith.constant 0 : i32
      %dma_wait3A_739 = arith.constant 0 : i32
      %dma_wait3A_740 = tpu.memref_slice %arg6[%dma_wait3A_737, %dma_wait3A_738, %dma_wait3A_739] : memref<2x896x64xf32, #tpu.memory_space<vmem>> -> memref<1x896x64xf32, #tpu.memory_space<vmem>>
      %dma_wait3A_741 = tpu.memref_squeeze %dma_wait3A_740 : memref<1x896x64xf32, #tpu.memory_space<vmem>> -> memref<896x64xf32, #tpu.memory_space<vmem>>
      %dma_wait3A_742 = arith.constant 56 : i32
      %dma_wait3A_743 = arith.constant 0 : i32
      %dma_wait3A_744 = tpu.memref_slice %dma_wait3A_741[%dma_wait3A_742, %dma_wait3A_743] : memref<896x64xf32, #tpu.memory_space<vmem>> -> memref<50x64xf32, #tpu.memory_space<vmem>>
      %dma_wait3A_745 = arith.constant 0 : i32
      %dma_wait3A_746 = arith.constant 0 : i32
      %dma_wait3A_747 = tpu.memref_slice %arg5[%dma_wait3A_735, %dma_wait3A_745, %dma_wait3A_746] : memref<2x16x50xi32, #tpu.memory_space<vmem>> -> memref<1x16x50xi32, #tpu.memory_space<vmem>>
      %dma_wait3A_748 = tpu.memref_squeeze %dma_wait3A_747 : memref<1x16x50xi32, #tpu.memory_space<vmem>> -> memref<16x50xi32, #tpu.memory_space<vmem>>
      %dma_wait3A_749 = arith.constant 0 : i32
      %dma_wait3A_750 = tpu.memref_slice %dma_wait3A_748[%dma_wait3A_736, %dma_wait3A_749] : memref<16x50xi32, #tpu.memory_space<vmem>> -> memref<1x50xi32, #tpu.memory_space<vmem>>
      %dma_wait3A_751 = tpu.memref_squeeze %dma_wait3A_750 : memref<1x50xi32, #tpu.memory_space<vmem>> -> memref<50xi32, #tpu.memory_space<vmem>>
      %dma_wait3A_752 = arith.constant 0 : i32
      %dma_wait3A_753 = arith.constant 0 : i32
      %dma_wait3A_754 = tpu.memref_slice %arg2[%dma_wait3A_752, %dma_wait3A_753] : memref<2000000x64xf32, #tpu.memory_space<hbm>> -> memref<2000000x64xf32, #tpu.memory_space<hbm>>
      tpu.wait_indirect_dma semaphore(%arg8 : memref<!tpu.dma_semaphore, #tpu.memory_space<semaphore_mem>>) src(%dma_wait3A_754 : memref<2000000x64xf32, #tpu.memory_space<hbm>>) dst(%dma_wait3A_744 : memref<50x64xf32, #tpu.memory_space<vmem>>)
      %dma_wait3A_755 = arith.constant 1 : i32
      %dma_wait3A_756 = arith.constant 2 : i32
      %dma_wait3A_757 = arith.constant 1 : i32
      %dma_wait3A_758 = arith.constant 0 : i32
      %dma_wait3A_759 = arith.constant 0 : i32
      %dma_wait3A_760 = tpu.memref_slice %arg6[%dma_wait3A_757, %dma_wait3A_758, %dma_wait3A_759] : memref<2x896x64xf32, #tpu.memory_space<vmem>> -> memref<1x896x64xf32, #tpu.memory_space<vmem>>
      %dma_wait3A_761 = tpu.memref_squeeze %dma_wait3A_760 : memref<1x896x64xf32, #tpu.memory_space<vmem>> -> memref<896x64xf32, #tpu.memory_space<vmem>>
      %dma_wait3A_762 = arith.constant 112 : i32
      %dma_wait3A_763 = arith.constant 0 : i32
      %dma_wait3A_764 = tpu.memref_slice %dma_wait3A_761[%dma_wait3A_762, %dma_wait3A_763] : memref<896x64xf32, #tpu.memory_space<vmem>> -> memref<50x64xf32, #tpu.memory_space<vmem>>
      %dma_wait3A_765 = arith.constant 0 : i32
      %dma_wait3A_766 = arith.constant 0 : i32
      %dma_wait3A_767 = tpu.memref_slice %arg5[%dma_wait3A_755, %dma_wait3A_765, %dma_wait3A_766] : memref<2x16x50xi32, #tpu.memory_space<vmem>> -> memref<1x16x50xi32, #tpu.memory_space<vmem>>
      %dma_wait3A_768 = tpu.memref_squeeze %dma_wait3A_767 : memref<1x16x50xi32, #tpu.memory_space<vmem>> -> memref<16x50xi32, #tpu.memory_space<vmem>>
      %dma_wait3A_769 = arith.constant 0 : i32
      %dma_wait3A_770 = tpu.memref_slice %dma_wait3A_768[%dma_wait3A_756, %dma_wait3A_769] : memref<16x50xi32, #tpu.memory_space<vmem>> -> memref<1x50xi32, #tpu.memory_space<vmem>>
      %dma_wait3A_771 = tpu.memref_squeeze %dma_wait3A_770 : memref<1x50xi32, #tpu.memory_space<vmem>> -> memref<50xi32, #tpu.memory_space<vmem>>
      %dma_wait3A_772 = arith.constant 0 : i32
      %dma_wait3A_773 = arith.constant 0 : i32
      %dma_wait3A_774 = tpu.memref_slice %arg2[%dma_wait3A_772, %dma_wait3A_773] : memref<2000000x64xf32, #tpu.memory_space<hbm>> -> memref<2000000x64xf32, #tpu.memory_space<hbm>>
      tpu.wait_indirect_dma semaphore(%arg8 : memref<!tpu.dma_semaphore, #tpu.memory_space<semaphore_mem>>) src(%dma_wait3A_774 : memref<2000000x64xf32, #tpu.memory_space<hbm>>) dst(%dma_wait3A_764 : memref<50x64xf32, #tpu.memory_space<vmem>>)
      %dma_wait3A_775 = arith.constant 1 : i32
      %dma_wait3A_776 = arith.constant 3 : i32
      %dma_wait3A_777 = arith.constant 1 : i32
      %dma_wait3A_778 = arith.constant 0 : i32
      %dma_wait3A_779 = arith.constant 0 : i32
      %dma_wait3A_780 = tpu.memref_slice %arg6[%dma_wait3A_777, %dma_wait3A_778, %dma_wait3A_779] : memref<2x896x64xf32, #tpu.memory_space<vmem>> -> memref<1x896x64xf32, #tpu.memory_space<vmem>>
      %dma_wait3A_781 = tpu.memref_squeeze %dma_wait3A_780 : memref<1x896x64xf32, #tpu.memory_space<vmem>> -> memref<896x64xf32, #tpu.memory_space<vmem>>
      %dma_wait3A_782 = arith.constant 168 : i32
      %dma_wait3A_783 = arith.constant 0 : i32
      %dma_wait3A_784 = tpu.memref_slice %dma_wait3A_781[%dma_wait3A_782, %dma_wait3A_783] : memref<896x64xf32, #tpu.memory_space<vmem>> -> memref<50x64xf32, #tpu.memory_space<vmem>>
      %dma_wait3A_785 = arith.constant 0 : i32
      %dma_wait3A_786 = arith.constant 0 : i32
      %dma_wait3A_787 = tpu.memref_slice %arg5[%dma_wait3A_775, %dma_wait3A_785, %dma_wait3A_786] : memref<2x16x50xi32, #tpu.memory_space<vmem>> -> memref<1x16x50xi32, #tpu.memory_space<vmem>>
      %dma_wait3A_788 = tpu.memref_squeeze %dma_wait3A_787 : memref<1x16x50xi32, #tpu.memory_space<vmem>> -> memref<16x50xi32, #tpu.memory_space<vmem>>
      %dma_wait3A_789 = arith.constant 0 : i32
      %dma_wait3A_790 = tpu.memref_slice %dma_wait3A_788[%dma_wait3A_776, %dma_wait3A_789] : memref<16x50xi32, #tpu.memory_space<vmem>> -> memref<1x50xi32, #tpu.memory_space<vmem>>
      %dma_wait3A_791 = tpu.memref_squeeze %dma_wait3A_790 : memref<1x50xi32, #tpu.memory_space<vmem>> -> memref<50xi32, #tpu.memory_space<vmem>>
      %dma_wait3A_792 = arith.constant 0 : i32
      %dma_wait3A_793 = arith.constant 0 : i32
      %dma_wait3A_794 = tpu.memref_slice %arg2[%dma_wait3A_792, %dma_wait3A_793] : memref<2000000x64xf32, #tpu.memory_space<hbm>> -> memref<2000000x64xf32, #tpu.memory_space<hbm>>
      tpu.wait_indirect_dma semaphore(%arg8 : memref<!tpu.dma_semaphore, #tpu.memory_space<semaphore_mem>>) src(%dma_wait3A_794 : memref<2000000x64xf32, #tpu.memory_space<hbm>>) dst(%dma_wait3A_784 : memref<50x64xf32, #tpu.memory_space<vmem>>)
      %dma_wait3A_795 = arith.constant 1 : i32
      %dma_wait3A_796 = arith.constant 4 : i32
      %dma_wait3A_797 = arith.constant 1 : i32
      %dma_wait3A_798 = arith.constant 0 : i32
      %dma_wait3A_799 = arith.constant 0 : i32
      %dma_wait3A_800 = tpu.memref_slice %arg6[%dma_wait3A_797, %dma_wait3A_798, %dma_wait3A_799] : memref<2x896x64xf32, #tpu.memory_space<vmem>> -> memref<1x896x64xf32, #tpu.memory_space<vmem>>
      %dma_wait3A_801 = tpu.memref_squeeze %dma_wait3A_800 : memref<1x896x64xf32, #tpu.memory_space<vmem>> -> memref<896x64xf32, #tpu.memory_space<vmem>>
      %dma_wait3A_802 = arith.constant 224 : i32
      %dma_wait3A_803 = arith.constant 0 : i32
      %dma_wait3A_804 = tpu.memref_slice %dma_wait3A_801[%dma_wait3A_802, %dma_wait3A_803] : memref<896x64xf32, #tpu.memory_space<vmem>> -> memref<50x64xf32, #tpu.memory_space<vmem>>
      %dma_wait3A_805 = arith.constant 0 : i32
      %dma_wait3A_806 = arith.constant 0 : i32
      %dma_wait3A_807 = tpu.memref_slice %arg5[%dma_wait3A_795, %dma_wait3A_805, %dma_wait3A_806] : memref<2x16x50xi32, #tpu.memory_space<vmem>> -> memref<1x16x50xi32, #tpu.memory_space<vmem>>
      %dma_wait3A_808 = tpu.memref_squeeze %dma_wait3A_807 : memref<1x16x50xi32, #tpu.memory_space<vmem>> -> memref<16x50xi32, #tpu.memory_space<vmem>>
      %dma_wait3A_809 = arith.constant 0 : i32
      %dma_wait3A_810 = tpu.memref_slice %dma_wait3A_808[%dma_wait3A_796, %dma_wait3A_809] : memref<16x50xi32, #tpu.memory_space<vmem>> -> memref<1x50xi32, #tpu.memory_space<vmem>>
      %dma_wait3A_811 = tpu.memref_squeeze %dma_wait3A_810 : memref<1x50xi32, #tpu.memory_space<vmem>> -> memref<50xi32, #tpu.memory_space<vmem>>
      %dma_wait3A_812 = arith.constant 0 : i32
      %dma_wait3A_813 = arith.constant 0 : i32
      %dma_wait3A_814 = tpu.memref_slice %arg2[%dma_wait3A_812, %dma_wait3A_813] : memref<2000000x64xf32, #tpu.memory_space<hbm>> -> memref<2000000x64xf32, #tpu.memory_space<hbm>>
      tpu.wait_indirect_dma semaphore(%arg8 : memref<!tpu.dma_semaphore, #tpu.memory_space<semaphore_mem>>) src(%dma_wait3A_814 : memref<2000000x64xf32, #tpu.memory_space<hbm>>) dst(%dma_wait3A_804 : memref<50x64xf32, #tpu.memory_space<vmem>>)
      %dma_wait3A_815 = arith.constant 1 : i32
      %dma_wait3A_816 = arith.constant 5 : i32
      %dma_wait3A_817 = arith.constant 1 : i32
      %dma_wait3A_818 = arith.constant 0 : i32
      %dma_wait3A_819 = arith.constant 0 : i32
      %dma_wait3A_820 = tpu.memref_slice %arg6[%dma_wait3A_817, %dma_wait3A_818, %dma_wait3A_819] : memref<2x896x64xf32, #tpu.memory_space<vmem>> -> memref<1x896x64xf32, #tpu.memory_space<vmem>>
      %dma_wait3A_821 = tpu.memref_squeeze %dma_wait3A_820 : memref<1x896x64xf32, #tpu.memory_space<vmem>> -> memref<896x64xf32, #tpu.memory_space<vmem>>
      %dma_wait3A_822 = arith.constant 280 : i32
      %dma_wait3A_823 = arith.constant 0 : i32
      %dma_wait3A_824 = tpu.memref_slice %dma_wait3A_821[%dma_wait3A_822, %dma_wait3A_823] : memref<896x64xf32, #tpu.memory_space<vmem>> -> memref<50x64xf32, #tpu.memory_space<vmem>>
      %dma_wait3A_825 = arith.constant 0 : i32
      %dma_wait3A_826 = arith.constant 0 : i32
      %dma_wait3A_827 = tpu.memref_slice %arg5[%dma_wait3A_815, %dma_wait3A_825, %dma_wait3A_826] : memref<2x16x50xi32, #tpu.memory_space<vmem>> -> memref<1x16x50xi32, #tpu.memory_space<vmem>>
      %dma_wait3A_828 = tpu.memref_squeeze %dma_wait3A_827 : memref<1x16x50xi32, #tpu.memory_space<vmem>> -> memref<16x50xi32, #tpu.memory_space<vmem>>
      %dma_wait3A_829 = arith.constant 0 : i32
      %dma_wait3A_830 = tpu.memref_slice %dma_wait3A_828[%dma_wait3A_816, %dma_wait3A_829] : memref<16x50xi32, #tpu.memory_space<vmem>> -> memref<1x50xi32, #tpu.memory_space<vmem>>
      %dma_wait3A_831 = tpu.memref_squeeze %dma_wait3A_830 : memref<1x50xi32, #tpu.memory_space<vmem>> -> memref<50xi32, #tpu.memory_space<vmem>>
      %dma_wait3A_832 = arith.constant 0 : i32
      %dma_wait3A_833 = arith.constant 0 : i32
      %dma_wait3A_834 = tpu.memref_slice %arg2[%dma_wait3A_832, %dma_wait3A_833] : memref<2000000x64xf32, #tpu.memory_space<hbm>> -> memref<2000000x64xf32, #tpu.memory_space<hbm>>
      tpu.wait_indirect_dma semaphore(%arg8 : memref<!tpu.dma_semaphore, #tpu.memory_space<semaphore_mem>>) src(%dma_wait3A_834 : memref<2000000x64xf32, #tpu.memory_space<hbm>>) dst(%dma_wait3A_824 : memref<50x64xf32, #tpu.memory_space<vmem>>)
      %dma_wait3A_835 = arith.constant 1 : i32
      %dma_wait3A_836 = arith.constant 6 : i32
      %dma_wait3A_837 = arith.constant 1 : i32
      %dma_wait3A_838 = arith.constant 0 : i32
      %dma_wait3A_839 = arith.constant 0 : i32
      %dma_wait3A_840 = tpu.memref_slice %arg6[%dma_wait3A_837, %dma_wait3A_838, %dma_wait3A_839] : memref<2x896x64xf32, #tpu.memory_space<vmem>> -> memref<1x896x64xf32, #tpu.memory_space<vmem>>
      %dma_wait3A_841 = tpu.memref_squeeze %dma_wait3A_840 : memref<1x896x64xf32, #tpu.memory_space<vmem>> -> memref<896x64xf32, #tpu.memory_space<vmem>>
      %dma_wait3A_842 = arith.constant 336 : i32
      %dma_wait3A_843 = arith.constant 0 : i32
      %dma_wait3A_844 = tpu.memref_slice %dma_wait3A_841[%dma_wait3A_842, %dma_wait3A_843] : memref<896x64xf32, #tpu.memory_space<vmem>> -> memref<50x64xf32, #tpu.memory_space<vmem>>
      %dma_wait3A_845 = arith.constant 0 : i32
      %dma_wait3A_846 = arith.constant 0 : i32
      %dma_wait3A_847 = tpu.memref_slice %arg5[%dma_wait3A_835, %dma_wait3A_845, %dma_wait3A_846] : memref<2x16x50xi32, #tpu.memory_space<vmem>> -> memref<1x16x50xi32, #tpu.memory_space<vmem>>
      %dma_wait3A_848 = tpu.memref_squeeze %dma_wait3A_847 : memref<1x16x50xi32, #tpu.memory_space<vmem>> -> memref<16x50xi32, #tpu.memory_space<vmem>>
      %dma_wait3A_849 = arith.constant 0 : i32
      %dma_wait3A_850 = tpu.memref_slice %dma_wait3A_848[%dma_wait3A_836, %dma_wait3A_849] : memref<16x50xi32, #tpu.memory_space<vmem>> -> memref<1x50xi32, #tpu.memory_space<vmem>>
      %dma_wait3A_851 = tpu.memref_squeeze %dma_wait3A_850 : memref<1x50xi32, #tpu.memory_space<vmem>> -> memref<50xi32, #tpu.memory_space<vmem>>
      %dma_wait3A_852 = arith.constant 0 : i32
      %dma_wait3A_853 = arith.constant 0 : i32
      %dma_wait3A_854 = tpu.memref_slice %arg2[%dma_wait3A_852, %dma_wait3A_853] : memref<2000000x64xf32, #tpu.memory_space<hbm>> -> memref<2000000x64xf32, #tpu.memory_space<hbm>>
      tpu.wait_indirect_dma semaphore(%arg8 : memref<!tpu.dma_semaphore, #tpu.memory_space<semaphore_mem>>) src(%dma_wait3A_854 : memref<2000000x64xf32, #tpu.memory_space<hbm>>) dst(%dma_wait3A_844 : memref<50x64xf32, #tpu.memory_space<vmem>>)
      %dma_wait3A_855 = arith.constant 1 : i32
      %dma_wait3A_856 = arith.constant 7 : i32
      %dma_wait3A_857 = arith.constant 1 : i32
      %dma_wait3A_858 = arith.constant 0 : i32
      %dma_wait3A_859 = arith.constant 0 : i32
      %dma_wait3A_860 = tpu.memref_slice %arg6[%dma_wait3A_857, %dma_wait3A_858, %dma_wait3A_859] : memref<2x896x64xf32, #tpu.memory_space<vmem>> -> memref<1x896x64xf32, #tpu.memory_space<vmem>>
      %dma_wait3A_861 = tpu.memref_squeeze %dma_wait3A_860 : memref<1x896x64xf32, #tpu.memory_space<vmem>> -> memref<896x64xf32, #tpu.memory_space<vmem>>
      %dma_wait3A_862 = arith.constant 392 : i32
      %dma_wait3A_863 = arith.constant 0 : i32
      %dma_wait3A_864 = tpu.memref_slice %dma_wait3A_861[%dma_wait3A_862, %dma_wait3A_863] : memref<896x64xf32, #tpu.memory_space<vmem>> -> memref<50x64xf32, #tpu.memory_space<vmem>>
      %dma_wait3A_865 = arith.constant 0 : i32
      %dma_wait3A_866 = arith.constant 0 : i32
      %dma_wait3A_867 = tpu.memref_slice %arg5[%dma_wait3A_855, %dma_wait3A_865, %dma_wait3A_866] : memref<2x16x50xi32, #tpu.memory_space<vmem>> -> memref<1x16x50xi32, #tpu.memory_space<vmem>>
      %dma_wait3A_868 = tpu.memref_squeeze %dma_wait3A_867 : memref<1x16x50xi32, #tpu.memory_space<vmem>> -> memref<16x50xi32, #tpu.memory_space<vmem>>
      %dma_wait3A_869 = arith.constant 0 : i32
      %dma_wait3A_870 = tpu.memref_slice %dma_wait3A_868[%dma_wait3A_856, %dma_wait3A_869] : memref<16x50xi32, #tpu.memory_space<vmem>> -> memref<1x50xi32, #tpu.memory_space<vmem>>
      %dma_wait3A_871 = tpu.memref_squeeze %dma_wait3A_870 : memref<1x50xi32, #tpu.memory_space<vmem>> -> memref<50xi32, #tpu.memory_space<vmem>>
      %dma_wait3A_872 = arith.constant 0 : i32
      %dma_wait3A_873 = arith.constant 0 : i32
      %dma_wait3A_874 = tpu.memref_slice %arg2[%dma_wait3A_872, %dma_wait3A_873] : memref<2000000x64xf32, #tpu.memory_space<hbm>> -> memref<2000000x64xf32, #tpu.memory_space<hbm>>
      tpu.wait_indirect_dma semaphore(%arg8 : memref<!tpu.dma_semaphore, #tpu.memory_space<semaphore_mem>>) src(%dma_wait3A_874 : memref<2000000x64xf32, #tpu.memory_space<hbm>>) dst(%dma_wait3A_864 : memref<50x64xf32, #tpu.memory_space<vmem>>)
      %dma_wait3A_875 = arith.constant 1 : i32
      %dma_wait3A_876 = arith.constant 8 : i32
      %dma_wait3A_877 = arith.constant 1 : i32
      %dma_wait3A_878 = arith.constant 0 : i32
      %dma_wait3A_879 = arith.constant 0 : i32
      %dma_wait3A_880 = tpu.memref_slice %arg6[%dma_wait3A_877, %dma_wait3A_878, %dma_wait3A_879] : memref<2x896x64xf32, #tpu.memory_space<vmem>> -> memref<1x896x64xf32, #tpu.memory_space<vmem>>
      %dma_wait3A_881 = tpu.memref_squeeze %dma_wait3A_880 : memref<1x896x64xf32, #tpu.memory_space<vmem>> -> memref<896x64xf32, #tpu.memory_space<vmem>>
      %dma_wait3A_882 = arith.constant 448 : i32
      %dma_wait3A_883 = arith.constant 0 : i32
      %dma_wait3A_884 = tpu.memref_slice %dma_wait3A_881[%dma_wait3A_882, %dma_wait3A_883] : memref<896x64xf32, #tpu.memory_space<vmem>> -> memref<50x64xf32, #tpu.memory_space<vmem>>
      %dma_wait3A_885 = arith.constant 0 : i32
      %dma_wait3A_886 = arith.constant 0 : i32
      %dma_wait3A_887 = tpu.memref_slice %arg5[%dma_wait3A_875, %dma_wait3A_885, %dma_wait3A_886] : memref<2x16x50xi32, #tpu.memory_space<vmem>> -> memref<1x16x50xi32, #tpu.memory_space<vmem>>
      %dma_wait3A_888 = tpu.memref_squeeze %dma_wait3A_887 : memref<1x16x50xi32, #tpu.memory_space<vmem>> -> memref<16x50xi32, #tpu.memory_space<vmem>>
      %dma_wait3A_889 = arith.constant 0 : i32
      %dma_wait3A_890 = tpu.memref_slice %dma_wait3A_888[%dma_wait3A_876, %dma_wait3A_889] : memref<16x50xi32, #tpu.memory_space<vmem>> -> memref<1x50xi32, #tpu.memory_space<vmem>>
      %dma_wait3A_891 = tpu.memref_squeeze %dma_wait3A_890 : memref<1x50xi32, #tpu.memory_space<vmem>> -> memref<50xi32, #tpu.memory_space<vmem>>
      %dma_wait3A_892 = arith.constant 0 : i32
      %dma_wait3A_893 = arith.constant 0 : i32
      %dma_wait3A_894 = tpu.memref_slice %arg2[%dma_wait3A_892, %dma_wait3A_893] : memref<2000000x64xf32, #tpu.memory_space<hbm>> -> memref<2000000x64xf32, #tpu.memory_space<hbm>>
      tpu.wait_indirect_dma semaphore(%arg8 : memref<!tpu.dma_semaphore, #tpu.memory_space<semaphore_mem>>) src(%dma_wait3A_894 : memref<2000000x64xf32, #tpu.memory_space<hbm>>) dst(%dma_wait3A_884 : memref<50x64xf32, #tpu.memory_space<vmem>>)
      %dma_wait3A_895 = arith.constant 1 : i32
      %dma_wait3A_896 = arith.constant 9 : i32
      %dma_wait3A_897 = arith.constant 1 : i32
      %dma_wait3A_898 = arith.constant 0 : i32
      %dma_wait3A_899 = arith.constant 0 : i32
      %dma_wait3A_900 = tpu.memref_slice %arg6[%dma_wait3A_897, %dma_wait3A_898, %dma_wait3A_899] : memref<2x896x64xf32, #tpu.memory_space<vmem>> -> memref<1x896x64xf32, #tpu.memory_space<vmem>>
      %dma_wait3A_901 = tpu.memref_squeeze %dma_wait3A_900 : memref<1x896x64xf32, #tpu.memory_space<vmem>> -> memref<896x64xf32, #tpu.memory_space<vmem>>
      %dma_wait3A_902 = arith.constant 504 : i32
      %dma_wait3A_903 = arith.constant 0 : i32
      %dma_wait3A_904 = tpu.memref_slice %dma_wait3A_901[%dma_wait3A_902, %dma_wait3A_903] : memref<896x64xf32, #tpu.memory_space<vmem>> -> memref<50x64xf32, #tpu.memory_space<vmem>>
      %dma_wait3A_905 = arith.constant 0 : i32
      %dma_wait3A_906 = arith.constant 0 : i32
      %dma_wait3A_907 = tpu.memref_slice %arg5[%dma_wait3A_895, %dma_wait3A_905, %dma_wait3A_906] : memref<2x16x50xi32, #tpu.memory_space<vmem>> -> memref<1x16x50xi32, #tpu.memory_space<vmem>>
      %dma_wait3A_908 = tpu.memref_squeeze %dma_wait3A_907 : memref<1x16x50xi32, #tpu.memory_space<vmem>> -> memref<16x50xi32, #tpu.memory_space<vmem>>
      %dma_wait3A_909 = arith.constant 0 : i32
      %dma_wait3A_910 = tpu.memref_slice %dma_wait3A_908[%dma_wait3A_896, %dma_wait3A_909] : memref<16x50xi32, #tpu.memory_space<vmem>> -> memref<1x50xi32, #tpu.memory_space<vmem>>
      %dma_wait3A_911 = tpu.memref_squeeze %dma_wait3A_910 : memref<1x50xi32, #tpu.memory_space<vmem>> -> memref<50xi32, #tpu.memory_space<vmem>>
      %dma_wait3A_912 = arith.constant 0 : i32
      %dma_wait3A_913 = arith.constant 0 : i32
      %dma_wait3A_914 = tpu.memref_slice %arg2[%dma_wait3A_912, %dma_wait3A_913] : memref<2000000x64xf32, #tpu.memory_space<hbm>> -> memref<2000000x64xf32, #tpu.memory_space<hbm>>
      tpu.wait_indirect_dma semaphore(%arg8 : memref<!tpu.dma_semaphore, #tpu.memory_space<semaphore_mem>>) src(%dma_wait3A_914 : memref<2000000x64xf32, #tpu.memory_space<hbm>>) dst(%dma_wait3A_904 : memref<50x64xf32, #tpu.memory_space<vmem>>)
      %dma_wait3A_915 = arith.constant 1 : i32
      %dma_wait3A_916 = arith.constant 10 : i32
      %dma_wait3A_917 = arith.constant 1 : i32
      %dma_wait3A_918 = arith.constant 0 : i32
      %dma_wait3A_919 = arith.constant 0 : i32
      %dma_wait3A_920 = tpu.memref_slice %arg6[%dma_wait3A_917, %dma_wait3A_918, %dma_wait3A_919] : memref<2x896x64xf32, #tpu.memory_space<vmem>> -> memref<1x896x64xf32, #tpu.memory_space<vmem>>
      %dma_wait3A_921 = tpu.memref_squeeze %dma_wait3A_920 : memref<1x896x64xf32, #tpu.memory_space<vmem>> -> memref<896x64xf32, #tpu.memory_space<vmem>>
      %dma_wait3A_922 = arith.constant 560 : i32
      %dma_wait3A_923 = arith.constant 0 : i32
      %dma_wait3A_924 = tpu.memref_slice %dma_wait3A_921[%dma_wait3A_922, %dma_wait3A_923] : memref<896x64xf32, #tpu.memory_space<vmem>> -> memref<50x64xf32, #tpu.memory_space<vmem>>
      %dma_wait3A_925 = arith.constant 0 : i32
      %dma_wait3A_926 = arith.constant 0 : i32
      %dma_wait3A_927 = tpu.memref_slice %arg5[%dma_wait3A_915, %dma_wait3A_925, %dma_wait3A_926] : memref<2x16x50xi32, #tpu.memory_space<vmem>> -> memref<1x16x50xi32, #tpu.memory_space<vmem>>
      %dma_wait3A_928 = tpu.memref_squeeze %dma_wait3A_927 : memref<1x16x50xi32, #tpu.memory_space<vmem>> -> memref<16x50xi32, #tpu.memory_space<vmem>>
      %dma_wait3A_929 = arith.constant 0 : i32
      %dma_wait3A_930 = tpu.memref_slice %dma_wait3A_928[%dma_wait3A_916, %dma_wait3A_929] : memref<16x50xi32, #tpu.memory_space<vmem>> -> memref<1x50xi32, #tpu.memory_space<vmem>>
      %dma_wait3A_931 = tpu.memref_squeeze %dma_wait3A_930 : memref<1x50xi32, #tpu.memory_space<vmem>> -> memref<50xi32, #tpu.memory_space<vmem>>
      %dma_wait3A_932 = arith.constant 0 : i32
      %dma_wait3A_933 = arith.constant 0 : i32
      %dma_wait3A_934 = tpu.memref_slice %arg2[%dma_wait3A_932, %dma_wait3A_933] : memref<2000000x64xf32, #tpu.memory_space<hbm>> -> memref<2000000x64xf32, #tpu.memory_space<hbm>>
      tpu.wait_indirect_dma semaphore(%arg8 : memref<!tpu.dma_semaphore, #tpu.memory_space<semaphore_mem>>) src(%dma_wait3A_934 : memref<2000000x64xf32, #tpu.memory_space<hbm>>) dst(%dma_wait3A_924 : memref<50x64xf32, #tpu.memory_space<vmem>>)
      %dma_wait3A_935 = arith.constant 1 : i32
      %dma_wait3A_936 = arith.constant 11 : i32
      %dma_wait3A_937 = arith.constant 1 : i32
      %dma_wait3A_938 = arith.constant 0 : i32
      %dma_wait3A_939 = arith.constant 0 : i32
      %dma_wait3A_940 = tpu.memref_slice %arg6[%dma_wait3A_937, %dma_wait3A_938, %dma_wait3A_939] : memref<2x896x64xf32, #tpu.memory_space<vmem>> -> memref<1x896x64xf32, #tpu.memory_space<vmem>>
      %dma_wait3A_941 = tpu.memref_squeeze %dma_wait3A_940 : memref<1x896x64xf32, #tpu.memory_space<vmem>> -> memref<896x64xf32, #tpu.memory_space<vmem>>
      %dma_wait3A_942 = arith.constant 616 : i32
      %dma_wait3A_943 = arith.constant 0 : i32
      %dma_wait3A_944 = tpu.memref_slice %dma_wait3A_941[%dma_wait3A_942, %dma_wait3A_943] : memref<896x64xf32, #tpu.memory_space<vmem>> -> memref<50x64xf32, #tpu.memory_space<vmem>>
      %dma_wait3A_945 = arith.constant 0 : i32
      %dma_wait3A_946 = arith.constant 0 : i32
      %dma_wait3A_947 = tpu.memref_slice %arg5[%dma_wait3A_935, %dma_wait3A_945, %dma_wait3A_946] : memref<2x16x50xi32, #tpu.memory_space<vmem>> -> memref<1x16x50xi32, #tpu.memory_space<vmem>>
      %dma_wait3A_948 = tpu.memref_squeeze %dma_wait3A_947 : memref<1x16x50xi32, #tpu.memory_space<vmem>> -> memref<16x50xi32, #tpu.memory_space<vmem>>
      %dma_wait3A_949 = arith.constant 0 : i32
      %dma_wait3A_950 = tpu.memref_slice %dma_wait3A_948[%dma_wait3A_936, %dma_wait3A_949] : memref<16x50xi32, #tpu.memory_space<vmem>> -> memref<1x50xi32, #tpu.memory_space<vmem>>
      %dma_wait3A_951 = tpu.memref_squeeze %dma_wait3A_950 : memref<1x50xi32, #tpu.memory_space<vmem>> -> memref<50xi32, #tpu.memory_space<vmem>>
      %dma_wait3A_952 = arith.constant 0 : i32
      %dma_wait3A_953 = arith.constant 0 : i32
      %dma_wait3A_954 = tpu.memref_slice %arg2[%dma_wait3A_952, %dma_wait3A_953] : memref<2000000x64xf32, #tpu.memory_space<hbm>> -> memref<2000000x64xf32, #tpu.memory_space<hbm>>
      tpu.wait_indirect_dma semaphore(%arg8 : memref<!tpu.dma_semaphore, #tpu.memory_space<semaphore_mem>>) src(%dma_wait3A_954 : memref<2000000x64xf32, #tpu.memory_space<hbm>>) dst(%dma_wait3A_944 : memref<50x64xf32, #tpu.memory_space<vmem>>)
      %dma_wait3A_955 = arith.constant 1 : i32
      %dma_wait3A_956 = arith.constant 12 : i32
      %dma_wait3A_957 = arith.constant 1 : i32
      %dma_wait3A_958 = arith.constant 0 : i32
      %dma_wait3A_959 = arith.constant 0 : i32
      %dma_wait3A_960 = tpu.memref_slice %arg6[%dma_wait3A_957, %dma_wait3A_958, %dma_wait3A_959] : memref<2x896x64xf32, #tpu.memory_space<vmem>> -> memref<1x896x64xf32, #tpu.memory_space<vmem>>
      %dma_wait3A_961 = tpu.memref_squeeze %dma_wait3A_960 : memref<1x896x64xf32, #tpu.memory_space<vmem>> -> memref<896x64xf32, #tpu.memory_space<vmem>>
      %dma_wait3A_962 = arith.constant 672 : i32
      %dma_wait3A_963 = arith.constant 0 : i32
      %dma_wait3A_964 = tpu.memref_slice %dma_wait3A_961[%dma_wait3A_962, %dma_wait3A_963] : memref<896x64xf32, #tpu.memory_space<vmem>> -> memref<50x64xf32, #tpu.memory_space<vmem>>
      %dma_wait3A_965 = arith.constant 0 : i32
      %dma_wait3A_966 = arith.constant 0 : i32
      %dma_wait3A_967 = tpu.memref_slice %arg5[%dma_wait3A_955, %dma_wait3A_965, %dma_wait3A_966] : memref<2x16x50xi32, #tpu.memory_space<vmem>> -> memref<1x16x50xi32, #tpu.memory_space<vmem>>
      %dma_wait3A_968 = tpu.memref_squeeze %dma_wait3A_967 : memref<1x16x50xi32, #tpu.memory_space<vmem>> -> memref<16x50xi32, #tpu.memory_space<vmem>>
      %dma_wait3A_969 = arith.constant 0 : i32
      %dma_wait3A_970 = tpu.memref_slice %dma_wait3A_968[%dma_wait3A_956, %dma_wait3A_969] : memref<16x50xi32, #tpu.memory_space<vmem>> -> memref<1x50xi32, #tpu.memory_space<vmem>>
      %dma_wait3A_971 = tpu.memref_squeeze %dma_wait3A_970 : memref<1x50xi32, #tpu.memory_space<vmem>> -> memref<50xi32, #tpu.memory_space<vmem>>
      %dma_wait3A_972 = arith.constant 0 : i32
      %dma_wait3A_973 = arith.constant 0 : i32
      %dma_wait3A_974 = tpu.memref_slice %arg2[%dma_wait3A_972, %dma_wait3A_973] : memref<2000000x64xf32, #tpu.memory_space<hbm>> -> memref<2000000x64xf32, #tpu.memory_space<hbm>>
      tpu.wait_indirect_dma semaphore(%arg8 : memref<!tpu.dma_semaphore, #tpu.memory_space<semaphore_mem>>) src(%dma_wait3A_974 : memref<2000000x64xf32, #tpu.memory_space<hbm>>) dst(%dma_wait3A_964 : memref<50x64xf32, #tpu.memory_space<vmem>>)
      %dma_wait3A_975 = arith.constant 1 : i32
      %dma_wait3A_976 = arith.constant 13 : i32
      %dma_wait3A_977 = arith.constant 1 : i32
      %dma_wait3A_978 = arith.constant 0 : i32
      %dma_wait3A_979 = arith.constant 0 : i32
      %dma_wait3A_980 = tpu.memref_slice %arg6[%dma_wait3A_977, %dma_wait3A_978, %dma_wait3A_979] : memref<2x896x64xf32, #tpu.memory_space<vmem>> -> memref<1x896x64xf32, #tpu.memory_space<vmem>>
      %dma_wait3A_981 = tpu.memref_squeeze %dma_wait3A_980 : memref<1x896x64xf32, #tpu.memory_space<vmem>> -> memref<896x64xf32, #tpu.memory_space<vmem>>
      %dma_wait3A_982 = arith.constant 728 : i32
      %dma_wait3A_983 = arith.constant 0 : i32
      %dma_wait3A_984 = tpu.memref_slice %dma_wait3A_981[%dma_wait3A_982, %dma_wait3A_983] : memref<896x64xf32, #tpu.memory_space<vmem>> -> memref<50x64xf32, #tpu.memory_space<vmem>>
      %dma_wait3A_985 = arith.constant 0 : i32
      %dma_wait3A_986 = arith.constant 0 : i32
      %dma_wait3A_987 = tpu.memref_slice %arg5[%dma_wait3A_975, %dma_wait3A_985, %dma_wait3A_986] : memref<2x16x50xi32, #tpu.memory_space<vmem>> -> memref<1x16x50xi32, #tpu.memory_space<vmem>>
      %dma_wait3A_988 = tpu.memref_squeeze %dma_wait3A_987 : memref<1x16x50xi32, #tpu.memory_space<vmem>> -> memref<16x50xi32, #tpu.memory_space<vmem>>
      %dma_wait3A_989 = arith.constant 0 : i32
      %dma_wait3A_990 = tpu.memref_slice %dma_wait3A_988[%dma_wait3A_976, %dma_wait3A_989] : memref<16x50xi32, #tpu.memory_space<vmem>> -> memref<1x50xi32, #tpu.memory_space<vmem>>
      %dma_wait3A_991 = tpu.memref_squeeze %dma_wait3A_990 : memref<1x50xi32, #tpu.memory_space<vmem>> -> memref<50xi32, #tpu.memory_space<vmem>>
      %dma_wait3A_992 = arith.constant 0 : i32
      %dma_wait3A_993 = arith.constant 0 : i32
      %dma_wait3A_994 = tpu.memref_slice %arg2[%dma_wait3A_992, %dma_wait3A_993] : memref<2000000x64xf32, #tpu.memory_space<hbm>> -> memref<2000000x64xf32, #tpu.memory_space<hbm>>
      tpu.wait_indirect_dma semaphore(%arg8 : memref<!tpu.dma_semaphore, #tpu.memory_space<semaphore_mem>>) src(%dma_wait3A_994 : memref<2000000x64xf32, #tpu.memory_space<hbm>>) dst(%dma_wait3A_984 : memref<50x64xf32, #tpu.memory_space<vmem>>)
      %dma_wait3A_995 = arith.constant 1 : i32
      %dma_wait3A_996 = arith.constant 14 : i32
      %dma_wait3A_997 = arith.constant 1 : i32
      %dma_wait3A_998 = arith.constant 0 : i32
      %dma_wait3A_999 = arith.constant 0 : i32
      %dma_wait3A_1000 = tpu.memref_slice %arg6[%dma_wait3A_997, %dma_wait3A_998, %dma_wait3A_999] : memref<2x896x64xf32, #tpu.memory_space<vmem>> -> memref<1x896x64xf32, #tpu.memory_space<vmem>>
      %dma_wait3A_1001 = tpu.memref_squeeze %dma_wait3A_1000 : memref<1x896x64xf32, #tpu.memory_space<vmem>> -> memref<896x64xf32, #tpu.memory_space<vmem>>
      %dma_wait3A_1002 = arith.constant 784 : i32
      %dma_wait3A_1003 = arith.constant 0 : i32
      %dma_wait3A_1004 = tpu.memref_slice %dma_wait3A_1001[%dma_wait3A_1002, %dma_wait3A_1003] : memref<896x64xf32, #tpu.memory_space<vmem>> -> memref<50x64xf32, #tpu.memory_space<vmem>>
      %dma_wait3A_1005 = arith.constant 0 : i32
      %dma_wait3A_1006 = arith.constant 0 : i32
      %dma_wait3A_1007 = tpu.memref_slice %arg5[%dma_wait3A_995, %dma_wait3A_1005, %dma_wait3A_1006] : memref<2x16x50xi32, #tpu.memory_space<vmem>> -> memref<1x16x50xi32, #tpu.memory_space<vmem>>
      %dma_wait3A_1008 = tpu.memref_squeeze %dma_wait3A_1007 : memref<1x16x50xi32, #tpu.memory_space<vmem>> -> memref<16x50xi32, #tpu.memory_space<vmem>>
      %dma_wait3A_1009 = arith.constant 0 : i32
      %dma_wait3A_1010 = tpu.memref_slice %dma_wait3A_1008[%dma_wait3A_996, %dma_wait3A_1009] : memref<16x50xi32, #tpu.memory_space<vmem>> -> memref<1x50xi32, #tpu.memory_space<vmem>>
      %dma_wait3A_1011 = tpu.memref_squeeze %dma_wait3A_1010 : memref<1x50xi32, #tpu.memory_space<vmem>> -> memref<50xi32, #tpu.memory_space<vmem>>
      %dma_wait3A_1012 = arith.constant 0 : i32
      %dma_wait3A_1013 = arith.constant 0 : i32
      %dma_wait3A_1014 = tpu.memref_slice %arg2[%dma_wait3A_1012, %dma_wait3A_1013] : memref<2000000x64xf32, #tpu.memory_space<hbm>> -> memref<2000000x64xf32, #tpu.memory_space<hbm>>
      tpu.wait_indirect_dma semaphore(%arg8 : memref<!tpu.dma_semaphore, #tpu.memory_space<semaphore_mem>>) src(%dma_wait3A_1014 : memref<2000000x64xf32, #tpu.memory_space<hbm>>) dst(%dma_wait3A_1004 : memref<50x64xf32, #tpu.memory_space<vmem>>)
      %dma_wait3A_1015 = arith.constant 1 : i32
      %dma_wait3A_1016 = arith.constant 15 : i32
      %dma_wait3A_1017 = arith.constant 1 : i32
      %dma_wait3A_1018 = arith.constant 0 : i32
      %dma_wait3A_1019 = arith.constant 0 : i32
      %dma_wait3A_1020 = tpu.memref_slice %arg6[%dma_wait3A_1017, %dma_wait3A_1018, %dma_wait3A_1019] : memref<2x896x64xf32, #tpu.memory_space<vmem>> -> memref<1x896x64xf32, #tpu.memory_space<vmem>>
      %dma_wait3A_1021 = tpu.memref_squeeze %dma_wait3A_1020 : memref<1x896x64xf32, #tpu.memory_space<vmem>> -> memref<896x64xf32, #tpu.memory_space<vmem>>
      %dma_wait3A_1022 = arith.constant 840 : i32
      %dma_wait3A_1023 = arith.constant 0 : i32
      %dma_wait3A_1024 = tpu.memref_slice %dma_wait3A_1021[%dma_wait3A_1022, %dma_wait3A_1023] : memref<896x64xf32, #tpu.memory_space<vmem>> -> memref<50x64xf32, #tpu.memory_space<vmem>>
      %dma_wait3A_1025 = arith.constant 0 : i32
      %dma_wait3A_1026 = arith.constant 0 : i32
      %dma_wait3A_1027 = tpu.memref_slice %arg5[%dma_wait3A_1015, %dma_wait3A_1025, %dma_wait3A_1026] : memref<2x16x50xi32, #tpu.memory_space<vmem>> -> memref<1x16x50xi32, #tpu.memory_space<vmem>>
      %dma_wait3A_1028 = tpu.memref_squeeze %dma_wait3A_1027 : memref<1x16x50xi32, #tpu.memory_space<vmem>> -> memref<16x50xi32, #tpu.memory_space<vmem>>
      %dma_wait3A_1029 = arith.constant 0 : i32
      %dma_wait3A_1030 = tpu.memref_slice %dma_wait3A_1028[%dma_wait3A_1016, %dma_wait3A_1029] : memref<16x50xi32, #tpu.memory_space<vmem>> -> memref<1x50xi32, #tpu.memory_space<vmem>>
      %dma_wait3A_1031 = tpu.memref_squeeze %dma_wait3A_1030 : memref<1x50xi32, #tpu.memory_space<vmem>> -> memref<50xi32, #tpu.memory_space<vmem>>
      %dma_wait3A_1032 = arith.constant 0 : i32
      %dma_wait3A_1033 = arith.constant 0 : i32
      %dma_wait3A_1034 = tpu.memref_slice %arg2[%dma_wait3A_1032, %dma_wait3A_1033] : memref<2000000x64xf32, #tpu.memory_space<hbm>> -> memref<2000000x64xf32, #tpu.memory_space<hbm>>
      tpu.wait_indirect_dma semaphore(%arg8 : memref<!tpu.dma_semaphore, #tpu.memory_space<semaphore_mem>>) src(%dma_wait3A_1034 : memref<2000000x64xf32, #tpu.memory_space<hbm>>) dst(%dma_wait3A_1024 : memref<50x64xf32, #tpu.memory_space<vmem>>)
      %mul3A_1035 = arith.constant 896 : i32
      %mul3A_1036 = arith.muli %add3A_707, %mul3A_1035 : i32
      %add3A_1037 = arith.addi %mul3A_4, %mul3A_1036 : i32
      %dma_start3A_1038 = arith.constant 1 : i32
      %dma_start3A_1039 = arith.constant 0 : i32
      %dma_start3A_1040 = arith.constant 0 : i32
      %dma_start3A_1041 = tpu.memref_slice %arg6[%dma_start3A_1038, %dma_start3A_1039, %dma_start3A_1040] : memref<2x896x64xf32, #tpu.memory_space<vmem>> -> memref<1x896x64xf32, #tpu.memory_space<vmem>>
      %dma_start3A_1042 = tpu.memref_squeeze %dma_start3A_1041 : memref<1x896x64xf32, #tpu.memory_space<vmem>> -> memref<896x64xf32, #tpu.memory_space<vmem>>
      %dma_start3A_1043 = arith.constant 0 : i32
      %dma_start3A_1044 = tpu.memref_slice %arg4[%add3A_1037, %dma_start3A_1043] : memref<917504x128xf32, #tpu.memory_space<hbm>> -> memref<896x64xf32, #tpu.memory_space<hbm>>
      %dma_start3A_1045 = arith.constant 0 : i32
      %dma_start3A_1046 = tpu.memref_slice %arg4[%add3A_1037, %dma_start3A_1045] : memref<917504x128xf32, #tpu.memory_space<hbm>> -> memref<896x64xf32, #tpu.memory_space<hbm>>
      %dma_start3A_1047 = arith.constant 0 : i32
      %dma_start3A_1048 = arith.constant 0 : i32
      %dma_start3A_1049 = tpu.memref_slice %arg6[%dma_start3A_1038, %dma_start3A_1047, %dma_start3A_1048] : memref<2x896x64xf32, #tpu.memory_space<vmem>> -> memref<1x896x64xf32, #tpu.memory_space<vmem>>
      %dma_start3A_1050 = tpu.memref_squeeze %dma_start3A_1049 : memref<1x896x64xf32, #tpu.memory_space<vmem>> -> memref<896x64xf32, #tpu.memory_space<vmem>>
      tpu.enqueue_dma source(%dma_start3A_1050 : memref<896x64xf32, #tpu.memory_space<vmem>>) target(%dma_start3A_1046 : memref<896x64xf32, #tpu.memory_space<hbm>>) target_semaphore(%arg10 : memref<!tpu.dma_semaphore, #tpu.memory_space<semaphore_mem>>)
    }
    %scan3A_329 = arith.constant 16 : i32
    %add3A_330 = arith.constant 26880 : i32
    %add3A_331 = arith.addi %mul3A_4, %add3A_330 : i32
    %dma_wait3A = arith.constant 0 : i32
    %dma_wait3A_332 = arith.constant 0 : i32
    %dma_wait3A_333 = arith.constant 0 : i32
    %dma_wait3A_334 = tpu.memref_slice %arg6[%dma_wait3A, %dma_wait3A_332, %dma_wait3A_333] : memref<2x896x64xf32, #tpu.memory_space<vmem>> -> memref<1x896x64xf32, #tpu.memory_space<vmem>>
    %dma_wait3A_335 = tpu.memref_squeeze %dma_wait3A_334 : memref<1x896x64xf32, #tpu.memory_space<vmem>> -> memref<896x64xf32, #tpu.memory_space<vmem>>
    %dma_wait3A_336 = arith.constant 0 : i32
    %dma_wait3A_337 = tpu.memref_slice %arg4[%add3A_331, %dma_wait3A_336] : memref<917504x128xf32, #tpu.memory_space<hbm>> -> memref<896x64xf32, #tpu.memory_space<hbm>>
    %dma_wait3A_338 = arith.constant 0 : i32
    %dma_wait3A_339 = tpu.memref_slice %arg4[%add3A_331, %dma_wait3A_338] : memref<917504x128xf32, #tpu.memory_space<hbm>> -> memref<896x64xf32, #tpu.memory_space<hbm>>
    %dma_wait3A_340 = arith.constant 0 : i32
    %dma_wait3A_341 = arith.constant 0 : i32
    %dma_wait3A_342 = tpu.memref_slice %arg6[%dma_wait3A, %dma_wait3A_340, %dma_wait3A_341] : memref<2x896x64xf32, #tpu.memory_space<vmem>> -> memref<1x896x64xf32, #tpu.memory_space<vmem>>
    %dma_wait3A_343 = tpu.memref_squeeze %dma_wait3A_342 : memref<1x896x64xf32, #tpu.memory_space<vmem>> -> memref<896x64xf32, #tpu.memory_space<vmem>>
    tpu.wait_dma2 semaphore(%arg9 : memref<!tpu.dma_semaphore, #tpu.memory_space<semaphore_mem>>) src(%dma_wait3A_343 : memref<896x64xf32, #tpu.memory_space<vmem>>) dst(%dma_wait3A_339 : memref<896x64xf32, #tpu.memory_space<hbm>>)
    %add3A_344 = arith.constant 27776 : i32
    %add3A_345 = arith.addi %mul3A_4, %add3A_344 : i32
    %dma_wait3A_346 = arith.constant 1 : i32
    %dma_wait3A_347 = arith.constant 0 : i32
    %dma_wait3A_348 = arith.constant 0 : i32
    %dma_wait3A_349 = tpu.memref_slice %arg6[%dma_wait3A_346, %dma_wait3A_347, %dma_wait3A_348] : memref<2x896x64xf32, #tpu.memory_space<vmem>> -> memref<1x896x64xf32, #tpu.memory_space<vmem>>
    %dma_wait3A_350 = tpu.memref_squeeze %dma_wait3A_349 : memref<1x896x64xf32, #tpu.memory_space<vmem>> -> memref<896x64xf32, #tpu.memory_space<vmem>>
    %dma_wait3A_351 = arith.constant 0 : i32
    %dma_wait3A_352 = tpu.memref_slice %arg4[%add3A_345, %dma_wait3A_351] : memref<917504x128xf32, #tpu.memory_space<hbm>> -> memref<896x64xf32, #tpu.memory_space<hbm>>
    %dma_wait3A_353 = arith.constant 0 : i32
    %dma_wait3A_354 = tpu.memref_slice %arg4[%add3A_345, %dma_wait3A_353] : memref<917504x128xf32, #tpu.memory_space<hbm>> -> memref<896x64xf32, #tpu.memory_space<hbm>>
    %dma_wait3A_355 = arith.constant 0 : i32
    %dma_wait3A_356 = arith.constant 0 : i32
    %dma_wait3A_357 = tpu.memref_slice %arg6[%dma_wait3A_346, %dma_wait3A_355, %dma_wait3A_356] : memref<2x896x64xf32, #tpu.memory_space<vmem>> -> memref<1x896x64xf32, #tpu.memory_space<vmem>>
    %dma_wait3A_358 = tpu.memref_squeeze %dma_wait3A_357 : memref<1x896x64xf32, #tpu.memory_space<vmem>> -> memref<896x64xf32, #tpu.memory_space<vmem>>
    tpu.wait_dma2 semaphore(%arg10 : memref<!tpu.dma_semaphore, #tpu.memory_space<semaphore_mem>>) src(%dma_wait3A_358 : memref<896x64xf32, #tpu.memory_space<vmem>>) dst(%dma_wait3A_354 : memref<896x64xf32, #tpu.memory_space<hbm>>)
    return
  }
}

</mosaic_0001>

<sc_bundles>
// kernel: kernel.3.cloned.1.call-start
scs
__scs_entry_jumppad:
0x0: {  	(pc) =	sbr.rel $0x88, $3  }
0x1: {  	(tag) =	ssettag $0x0;
	lr =	simm.s32 $0x1  }
0x2: {  	[smem:$0x3F9F] =	sst lr;
	_ =	strace $0xD0000000  }
0x3: {  	_ = 	snop  }
0x4: {  	_ = 	snop  }
0x5: {  	_ = 	snop  }
0x6: {  	_ = 	snop  }
0x7: {  	_ = 	snop  }
__scs_overlays_trampoline_lowered:
0x8: {  	[smem:$0x3FAE] =	sst s0  }
0x9: {  	[smem:$0x3FAF] =	sst s1  }
0xa: {  	[smem:$0x3FB0] =	sst s2  }
0xb: {  	[smem:$0x3FB1] =	sst s3  }
0xc: {  	[smem:$0x3FB2] =	sst s4  }
0xd: {  	[smem:$0x3FB3] =	sst s5  }
0xe: {  	[smem:$0x3FB4] =	sst s6  }
0xf: {  	[smem:$0x3FB5] =	sst s7  }
0x10: {  	[smem:$0x3FB6] =	sst s8  }
0x11: {  	[smem:$0x3FB7] =	sst s9;
	s0 =	simm.s32 @!p0 $0x0  }
0x12: {  	s1 =	sld [smem:$0x3F9D];
	s0 =	simm.s32 @p0 $0x1  }
0x13: {  	[smem:$0x3FB8] =	sst s0;
	s0 =	simm.s32 @!p1 $0x0  }
0x14: {  	s2 =	sld [smem:$0x3F9C];
	s0 =	simm.s32 @p1 $0x1  }
0x15: {  	[smem:$0x3FB9] =	sst s0;
	s0 =	simm.s32 @!p2 $0x0  }
0x16: {  	s3 =	sld [smem:$0x3FDB];
	s0 =	simm.s32 @p2 $0x1  }
0x17: {  	s4 =	simm.s32 $0x1BF5;
	[smem:$0x3FBB] =	sst s0  }
0x18: {  	s0 =	sld [smem:$0x3F9E];
	_ =	swait.ge [sflag:s4], $0x0  }
0x19: {  	s7 =	sld [smem:$0x3F9F]  }
0x1a: {  	s8 =	sadd.s32 $0xFFFFE003, lr  }
0x1b: {  	s9 =	sadd.s32 $0xFFFFFEF7, lr;
	s5 =	simm.s32 $0xFFFFFFFF;
	p2 =	slt.u32 s8, $0xFFFFF086  }
0x1c: {  	p1 =	slt.u32 s9, $0xF7A;
	s5 =	simm.s32 @!p2 $0x0  }
0x1d: {  	s5 =	simm.s32 @p1 $0x1;
	p0 =	seq.s32 s7, s2  }
0x1e: {  	s7 =	smul.u32 @!p0 $0xF7A, s2;
	p2 =	seq.s32 @!p0 s5, $0x0  }
0x1f: {  	s9 =	smul.u32 $0xF7A, s1;
	s8 =	simm.s32 @!p0 $0x1BF5;
	p2 =	por !p2, p0  }
0x20: {  	[sflag:s8] =	ssyncset.s32 @!p0 $0xFFFFF086;
	s6 =	sadd.s32 @!p0 s3, s7;
	s7 =	simm.s32 @!p0 $0x108  }
0x21: {  	s3 =	sadd.s32 s3, s9;
	s6 =	sadd.s32 @!p0 $0x88, s6;
	s7 =	simm.s32 @p2 $0x1082  }
0x22: {  	[simem:s7], [sflag:s8] =	dma.local @!p0 [hbm:s6], $0xF7A  }
0x23: {  	s9 =	sor.u32 $0xD0000000, s2;
	s6 =	simm.s32 $0x108;
	_ =	swait.ge @!p0 [sflag:s8], $0x0  }
0x24: {  	s3 =	sadd.s32 $0x88, s3;
	s6 =	simm.s32 @!p1 $0x1082;
	[sflag:s4] =	ssyncset.s32 $0xFFFFF086  }
0x25: {  	[simem:s6], [sflag:s4] =	dma.local [hbm:s3], $0xF7A  }
0x26: {  	[smem:$0x3F9F] =	sst s1;
	(tag) =	ssettag s2;
	_ =	strace s9  }
0x27: {  	s1 =	sld [smem:$0x3FAF]  }
0x28: {  	s2 =	sld [smem:$0x3FB0]  }
0x29: {  	s4 =	sld [smem:$0x3FB2]  }
0x2a: {  	p0 =	seq.s32 s5, $0x0;
	s5 =	sld [smem:$0x3FB3]  }
0x2b: {  	s6 =	sld [smem:$0x3FB4]  }
0x2c: {  	s7 =	sld [smem:$0x3FB5]  }
0x2d: {  	s3 =	simm.s32 $0x108;
	s8 =	sld [smem:$0x3FB6]  }
0x2e: {  	s3 =	simm.s32 @!p0 $0x1082;
	s9 =	sld [smem:$0x3FB7]  }
0x2f: {  	lr =	sadd.s32 s0, s3;
	s0 =	sld [smem:$0x3FAE]  }
0x30: {  	s3 =	sld [smem:$0x3FB1]  }
0x31: {  	[smem:$0x3FBA] =	sst s10  }
0x32: {  	s10 =	sld [smem:$0x3FB8];
	_ =	sdelay $0x3  }
0x33: {  	p0 =	seq.s32 s10, $0x1;
	s10 =	sld [smem:$0x3FBA];
	_ =	sdelay $0x3  }
0x34: {  	[smem:$0x3FBA] =	sst s10  }
0x35: {  	s10 =	sld [smem:$0x3FB9];
	_ =	sdelay $0x3  }
0x36: {  	p1 =	seq.s32 s10, $0x1;
	s10 =	sld [smem:$0x3FBA];
	_ =	sdelay $0x3  }
0x37: {  	[smem:$0x3FBA] =	sst s10  }
0x38: {  	s10 =	sld [smem:$0x3FBB]  }
0x39: {  	_ = 	snop;
	(pc) =	sbr.ind lr, $3  }
0x3a: {  	_ = 	snop  }
0x3b: {  	_ = 	snop  }
0x3c: {  	p2 =	seq.s32 s10, $0x1;
	s10 =	sld [smem:$0x3FBA]  }
0x3d: {  	_ =	shalt  }
0x3e: {  	_ =	shalt  }
0x3f: {  	_ =	shalt  }
0x40: {  	_ =	shalt  }
0x41: {  	_ =	shalt  }
0x42: {  	_ =	shalt  }
0x43: {  	_ =	shalt  }
0x44: {  	_ =	shalt  }
0x45: {  	_ =	shalt  }
0x46: {  	_ =	shalt  }
0x47: {  	_ =	shalt  }
0x48: {  	_ =	shalt  }
0x49: {  	_ =	shalt  }
0x4a: {  	_ =	shalt  }
0x4b: {  	_ =	shalt  }
0x4c: {  	_ =	shalt  }
0x4d: {  	_ =	shalt  }
0x4e: {  	_ =	shalt  }
0x4f: {  	_ =	shalt  }
0x50: {  	_ =	shalt  }
0x51: {  	_ =	shalt  }
0x52: {  	_ =	shalt  }
0x53: {  	_ =	shalt  }
0x54: {  	_ =	shalt  }
0x55: {  	_ =	shalt  }
0x56: {  	_ =	shalt  }
0x57: {  	_ =	shalt  }
0x58: {  	_ =	shalt  }
0x59: {  	_ =	shalt  }
0x5a: {  	_ =	shalt  }
0x5b: {  	_ =	shalt  }
0x5c: {  	_ =	shalt  }
0x5d: {  	_ =	shalt  }
0x5e: {  	_ =	shalt  }
0x5f: {  	_ =	shalt  }
0x60: {  	_ =	shalt  }
0x61: {  	_ =	shalt  }
0x62: {  	_ =	shalt  }
0x63: {  	_ =	shalt  }
0x64: {  	_ =	shalt  }
0x65: {  	_ =	shalt  }
0x66: {  	_ =	shalt  }
0x67: {  	_ =	shalt  }
0x68: {  	_ =	shalt  }
0x69: {  	_ =	shalt  }
0x6a: {  	_ =	shalt  }
0x6b: {  	_ =	shalt  }
0x6c: {  	_ =	shalt  }
0x6d: {  	_ =	shalt  }
0x6e: {  	_ =	shalt  }
0x6f: {  	_ =	shalt  }
0x70: {  	_ =	shalt  }
0x71: {  	_ =	shalt  }
0x72: {  	_ =	shalt  }
0x73: {  	_ =	shalt  }
0x74: {  	_ =	shalt  }
0x75: {  	_ =	shalt  }
0x76: {  	_ =	shalt  }
0x77: {  	_ =	shalt  }
0x78: {  	_ =	shalt  }
0x79: {  	_ =	shalt  }
0x7a: {  	_ =	shalt  }
0x7b: {  	_ =	shalt  }
0x7c: {  	_ =	shalt  }
0x7d: {  	_ =	shalt  }
0x7e: {  	_ =	shalt  }
0x7f: {  	_ =	shalt  }
0x80: {  	_ =	shalt  }
0x81: {  	_ =	shalt  }
0x82: {  	_ =	shalt  }
0x83: {  	_ =	shalt  }
0x84: {  	_ =	shalt  }
0x85: {  	_ =	shalt  }
0x86: {  	_ =	shalt  }
0x87: {  	_ =	shalt  }
.Lfunc_end0:
.L_simem_size_0:
called_computation.2_lowered:
.L_overlay_start_0:
0x88: {  	s2 =	sld [smem:$0x3FD9]  }
0x89: {  	s3 =	sld [smem:$0x3FFE];
	_ =	sdelay $0x1  }
0x8a: {  	s1 =	srdreg.scid  }
0x8b: {  	s0 =	sand.u32 $0x1, s1  }
0x8c: {  	s17 =	sshll.u32 s0, $0xA;
	s2 =	sadd.s32 s3, s2  }
0x8d: {  	s2 =	sadd.s32 s2, s17  }
0x8e: {  	[smem:$0x3FC6] =	sst s2  }
0x8f: {  	_ = 	snop  }
0x90: {  	s2 =	sld [smem:$0x3FD0];
	(tm) =	ssettm $0x1  }
0x91: {  	s18 =	sld [smem:$0x3FFB];
	_ =	sdelay $0x3  }
0x92: {  	_ =	strace s18  }
0x93: {  	s3 =	sld [smem:$0x3FFC];
	_ =	sdelay $0x3  }
0x94: {  	_ =	strace s3  }
0x95: {  	s3 =	sld [smem:$0x3FFD];
	_ =	sdelay $0x3  }
0x96: {  	_ =	strace s3  }
0x97: {  	_ =	strace $0x8FFFFFFF  }
0x98: {  	s19 =	sld [smem:$0x3FDB];
	_ =	sdelay $0x1  }
0x99: {  	s4 =	simm.s32 $_scs_section_size  }
0x9a: {  	s5 =	simm.s32 $_size__tile_overlayer_lowered;
	s6 =	simm.s32 $_tile_overlayer_lowered  }
0x9b: {  	s22 =	simm.s32 $0x1BFF;
	s21 =	sshll.u32 s6, $0x1;
	s3 =	sadd.s32 s4, s19  }
0x9c: {  	s7 =	simm.s32 $0x0;
	s20 =	sshll.u32 s5, $0x1;
	s5 =	sadd.s32 s21, s3  }
0x9d: {  	[timem:s7], [sflag:s22] =	dma.local [hbm:s5], s20  }
0x9e: {  	_ =	swait.ge [sflag:s22], s20  }
0x9f: {  	s4 =	ssub.s32 $0x0, s20;
	[sflag:s22] =	ssyncset.done $0x0  }
0xa0: {  	[sflag:s22] =	ssyncadd.s32 s4;
	_ =	sdelay $0x1  }
0xa1: {  	s23 =	simm.s32 $0x1B8B  }
0xa2: {  	_ =	swait.ge [sflag:s23], $0x1  }
0xa3: {  	[sflag:s23] =	ssyncset.done $0x0  }
0xa4: {  	s25 =	simm.s32 $0x1B8E;
	s24 =	sld [smem:$0x3FFE];
	[sflag:s23] =	ssyncadd.s32 $0xFFFFFFFF  }
0xa5: {  	s26 =	simm.s32 $execute0_lowered;
	[smem:$0x3FD2] =	sst s25  }
0xa6: {  	s5 =	sshll.u32 s26, $0x1;
	_ =	strace $0x80000049;
	[dreg:$0x1] =	wrdreg $0xFFFFFFFF  }
0xa7: {  	s28 =	simm.s32 $_size_execute0_lowered;
	s3 =	sadd.s32 s3, s5;
	[dreg:$0x0] =	wrdreg $0x0  }
0xa8: {  	s5 =	sshll.u32 s28, $0x1;
	[dreg:$0x2] =	wrdreg s3  }
0xa9: {  	[dreg:$0x3] =	wrdreg s5  }
0xaa: {  	[dreg:$0x4] =	wrdreg $0xC0  }
0xab: {  	_ =	task [dreg:s7], $0x5FFFF  }
0xac: {  	[dreg:$0x1] =	wrdreg $0xFFFFFFFF  }
0xad: {  	[dreg:$0x0] =	wrdreg $0x60  }
0xae: {  	[dreg:$0x2] =	wrdreg s24  }
0xaf: {  	[dreg:$0x3] =	wrdreg s2  }
0xb0: {  	[dreg:$0x4] =	wrdreg $0x9  }
0xb1: {  	_ =	task.clear_ibuf [dreg:s7], $0x5FFFF;
	_ =	strace $0x90000049  }
0xb2: {  	s29 =	simm.s32 $0x9;
	_ =	strace $0x8000004B  }
0xb3: {  	_ =	swait.ge [sflag:s29], $0x1  }
0xb4: {  	[sflag:s29] =	ssyncadd.s32 $0xFFFFFFFF  }
0xb5: {  	_ =	strace $0x9000004B  }
0xb6: {  	_ =	sfence  }
0xb7: {  	s30 =	sld [smem:$0x0];
	_ =	sdelay $0x2  }
0xb8: {  	s31 =	sshll.u32 s1, $0xD;
	s1 =	sshrl.u32 s1, $0x2  }
0xb9: {  	s3 =	sand.u32 $0x4000, s31;
	s1 =	sadd.s32 s1, s30  }
0xba: {  	s0 =	sor.u32 s3, s0;
	s1 =	sshll.u32 s1, $0x11  }
0xbb: {  	s0 =	sor.u32 s1, s0  }
0xbc: {  	s0 =	sadd.s32 $0x8F2B, s0  }
0xbd: {  	[sflag:s0] =	ssyncadd.remote.s32 $0x1  }
0xbe: {  	_ =	sfence.sel $0xFFFF  }
0xbf: {  	[dreg:$0x0] =	wrdreg $0xFFFFFFFF;
	(pc) =	sbr.abs _section_cstart, $3  }
0xc0: {  	[dreg:$0x1] =	wrdreg $0xFFFFFFFF  }
0xc1: {  	_ =	task.clear_ibuf [dreg:s7], $0x2FFFF;
	_ =	strace $0x9FFFFFFF  }
0xc2: {  	(tm) =	ssettm $0x7FFFFFFF  }
0xc3: {  	_ =	shalt  }
tec
execute0_lowered:
.L_overlay_start_1:
0x0: {  	(tag) =	ssettag $0x1  }
0x1: {  	s0 =	rddreg [dreg:$0x0]  }
0x2: {  	s1 =	rddreg [dreg:$0x1];
	s11 =	simm.s32 $0x0  }
0x3: {  	s21 =	simm.s32 $0x3B8;
	[smem:$0x7FF] =	sst s11  }
0x4: {  	s22 =	simm.s32 $0xF500;
	_ =	strace $0x8000004A;
	[dreg:$0x3] =	wrdreg s21  }
0x5: {  	s24 =	simm.s32 $0x3F0;
	[dreg:$0x4] =	wrdreg s22  }
0x6: {  	s3 =	srdreg.scid;
	s10 =	simm.s32 $0x10300;
	[dreg:$0x5] =	wrdreg s24  }
0x7: {  	s2 =	stileid.u32;
	s25 =	simm.s32 $0x428;
	[dreg:$0x6] =	wrdreg s10  }
0x8: {  	s28 =	simm.s32 $0x11100;
	s30 =	simm.s32 $0x460;
	[dreg:$0x7] =	wrdreg s25  }
0x9: {  	s12 =	simm.s32 $0x13B00;
	s13 =	simm.s32 $0x508;
	[dreg:$0x8] =	wrdreg s28  }
0xa: {  	s14 =	simm.s32 $0x14900;
	s15 =	simm.s32 $0x540;
	[dreg:$0x9] =	wrdreg s30  }
0xb: {  	s16 =	simm.s32 $0x15700;
	s17 =	simm.s32 $0x578;
	[dreg:$0xe] =	wrdreg s12  }
0xc: {  	s7 =	sand.u32 $0x1, s3;
	s18 =	sshll.u32 s2, $0x1;
	[dreg:$0xf] =	wrdreg s13  }
0xd: {  	s3 =	sadd.s32 $0xF43200, s0;
	s8 =	smul.u32 $0x1C00, s2;
	[dreg:$0x10] =	wrdreg s14  }
0xe: {  	s0 =	sadd.s32 $0xE00, s0;
	s9 =	smul.u32 $0xE0000, s2;
	[dreg:$0x11] =	wrdreg s15  }
0xf: {  	s31 =	smul.u32 $0xE000, s2;
	s2 =	simm.s32 $0x0;
	[dreg:$0x12] =	wrdreg s16  }
0x10: {  	s4 =	ssub.s32 $0x2, s7;
	s10 =	simm.s32 $0x4D0;
	[dreg:$0x13] =	wrdreg s17  }
0x11: {  	s5 =	sor.u32 s7, s18;
	s18 =	simm.s32 $0x16500;
	[dreg:$0xd] =	wrdreg s10  }
0x12: {  	s23 =	smul.u32 $0xE00, s7;
	s21 =	simm.s32 $0x5E8;
	[dreg:$0x14] =	wrdreg s18  }
0x13: {  	s29 =	smul.u32 $0x70000, s7;
	s22 =	simm.s32 $0x18100;
	[dreg:$0x17] =	wrdreg s21  }
0x14: {  	s7 =	smul.u32 $0x7000, s7;
	s24 =	simm.s32 $0x18F00;
	[dreg:$0x18] =	wrdreg s22  }
0x15: {  	s12 =	simm.s32 $0x700;
	s25 =	simm.s32 $0x658;
	[dreg:$0x1a] =	wrdreg s24  }
0x16: {  	s28 =	simm.s32 $0x690;
	s30 =	simm.s32 $0x6C8;
	[dreg:$0x1b] =	wrdreg s25  }
0x17: {  	s6 =	sshrl.u32 s4, $0x1;
	s5 =	smul.u32 $0xE00, s5;
	[dreg:$0x1d] =	wrdreg s28  }
0x18: {  	s26 =	sadd.s32 s9, s0;
	s9 =	simm.s32 $0x12D00;
	[dreg:$0x1f] =	wrdreg s30  }
0x19: {  	s6 =	ssub.s32 s4, s6;
	s4 =	simm.s32 $0x11F00;
	[dreg:$0xc] =	wrdreg s9  }
0x1a: {  	s7 =	sadd.s32 s7, s31;
	s31 =	simm.s32 $0x1B900;
	[dreg:$0xa] =	wrdreg s4  }
0x1b: {  	s10 =	simm.s32 $0x32;
	s19 =	sadd.s32 s1, s5;
	[smem:$0x7FD] =	sst s31  }
0x1c: {  	s21 =	simm.s32 $0x380;
	s20 =	smax.u32 s6, $0x1;
	[smem:$0x7F9] =	sst s19  }
0x1d: {  	s1 =	sadd.s32 s8, s1;
	s8 =	sadd.s32 s29, s26;
	[smem:$0x7FA] =	sst s20  }
0x1e: {  	s22 =	simm.s32 $0xE700;
	s5 =	simm.s32 $0x498;
	[smem:$0x7FB] =	sst s8  }
0x1f: {  	s24 =	simm.s32 $0x40;
	s26 =	simm.s32 $0x19D00;
	[dreg:$0xb] =	wrdreg s5  }
0x20: {  	s25 =	simm.s32 $0x80;
	s29 =	simm.s32 $0x1AB00;
	[dreg:$0x1c] =	wrdreg s26  }
0x21: {  	s7 =	sshll.u32 s7, $0x4;
	s19 =	simm.s32 $0x5B0;
	[dreg:$0x1e] =	wrdreg s29  }
0x22: {  	s6 =	sadd.s32 s23, s1;
	s20 =	simm.s32 $0x17300;
	[dreg:$0x15] =	wrdreg s19  }
0x23: {  	s0 =	sadd.s32 s7, s0;
	s23 =	simm.s32 $0x620;
	[dreg:$0x16] =	wrdreg s20  }
0x24: {  	s9 =	simm.s32 $0x5;
	s0 =	sadd.s32 $0x3800, s0;
	[dreg:$0x19] =	wrdreg s23  }
0x25: {  	s26 =	simm.s32 $0x2;
	s23 =	simm.s32 $0x1;
	[smem:$0x7FC] =	sst s0  }
.LBB2_1:
0x26: {  	s0 =	sld [smem:$0x7F9];
	_ =	sdelay $0x1  }
0x27: {  	[smem:$0x7F8] =	sst s2  }
0x28: {  	[tilespmem:s11], [sflag:$0x5] =	stream.linear.gather [hbm4b:s0+s11], $0x380, $0x38;
	[tilespmem:$0x1C700] =	vst v63  }
0x29: {  	_ =	swait.ge [sflag:s9], $0x380  }
0x2a: {  	[sflag:s9] =	ssyncset.done $0x0  }
0x2b: {  	[sflag:s9] =	ssyncadd.s32 $0xFFFFFC80  }
0x2c: {  	[tilespmem:s12], [sflag:$0x1] =	stream.indirect.gather [hbm4b:s3+s10], $0x40, s11, s10, $0xb8;
	[tilespmem:$0x1C700] =	vst v63  }
0x2d: {  	s16 =	simm.s32 $0x38;
	s1 =	simm.s32 $0x1500  }
0x2e: {  	[tilespmem:s1], [sflag:$0x1] =	stream.indirect.gather [hbm4b:s3+s10], $0x40, s16, s10, $0xb8;
	[tilespmem:$0x1C700] =	vst v63  }
0x2f: {  	s17 =	simm.s32 $0x70;
	s18 =	simm.s32 $0x2300  }
0x30: {  	[tilespmem:s18], [sflag:$0x1] =	stream.indirect.gather [hbm4b:s3+s10], $0x40, s17, s10, $0xb8;
	[tilespmem:$0x1C700] =	vst v63  }
0x31: {  	s19 =	simm.s32 $0xA8;
	s20 =	simm.s32 $0x3100  }
0x32: {  	[tilespmem:s20], [sflag:$0x1] =	stream.indirect.gather [hbm4b:s3+s10], $0x40, s19, s10, $0xb8;
	[tilespmem:$0x1C700] =	vst v63  }
0x33: {  	s28 =	simm.s32 $0xE0;
	s29 =	simm.s32 $0x3F00  }
0x34: {  	[tilespmem:s29], [sflag:$0x1] =	stream.indirect.gather [hbm4b:s3+s10], $0x40, s28, s10, $0xb8;
	[tilespmem:$0x1C700] =	vst v63  }
0x35: {  	s30 =	simm.s32 $0x118;
	s31 =	simm.s32 $0x4D00  }
0x36: {  	[tilespmem:s31], [sflag:$0x1] =	stream.indirect.gather [hbm4b:s3+s10], $0x40, s30, s10, $0xb8;
	[tilespmem:$0x1C700] =	vst v63  }
0x37: {  	s2 =	simm.s32 $0x5B00;
	s1 =	simm.s32 $0x150  }
0x38: {  	[tilespmem:s2], [sflag:$0x1] =	stream.indirect.gather [hbm4b:s3+s10], $0x40, s1, s10, $0xb8;
	[tilespmem:$0x1C700] =	vst v63  }
0x39: {  	s4 =	simm.s32 $0x188;
	s5 =	simm.s32 $0x6900  }
0x3a: {  	[tilespmem:s5], [sflag:$0x1] =	stream.indirect.gather [hbm4b:s3+s10], $0x40, s4, s10, $0xb8;
	[tilespmem:$0x1C700] =	vst v63  }
0x3b: {  	s7 =	simm.s32 $0x1C0;
	s8 =	simm.s32 $0x7700  }
0x3c: {  	[tilespmem:s8], [sflag:$0x1] =	stream.indirect.gather [hbm4b:s3+s10], $0x40, s7, s10, $0xb8;
	[tilespmem:$0x1C700] =	vst v63  }
0x3d: {  	s13 =	simm.s32 $0x1F8;
	s14 =	simm.s32 $0x8500  }
0x3e: {  	[tilespmem:s14], [sflag:$0x1] =	stream.indirect.gather [hbm4b:s3+s10], $0x40, s13, s10, $0xb8;
	[tilespmem:$0x1C700] =	vst v63  }
0x3f: {  	s15 =	simm.s32 $0x230;
	s16 =	simm.s32 $0x9300  }
0x40: {  	[tilespmem:s16], [sflag:$0x1] =	stream.indirect.gather [hbm4b:s3+s10], $0x40, s15, s10, $0xb8;
	[tilespmem:$0x1C700] =	vst v63  }
0x41: {  	s17 =	simm.s32 $0x268;
	s18 =	simm.s32 $0xA100  }
0x42: {  	[tilespmem:s18], [sflag:$0x1] =	stream.indirect.gather [hbm4b:s3+s10], $0x40, s17, s10, $0xb8;
	[tilespmem:$0x1C700] =	vst v63  }
0x43: {  	s19 =	simm.s32 $0x2A0;
	s20 =	simm.s32 $0xAF00  }
0x44: {  	[tilespmem:s20], [sflag:$0x1] =	stream.indirect.gather [hbm4b:s3+s10], $0x40, s19, s10, $0xb8;
	[tilespmem:$0x1C700] =	vst v63  }
0x45: {  	s28 =	simm.s32 $0x2D8;
	s29 =	simm.s32 $0xBD00  }
0x46: {  	[tilespmem:s29], [sflag:$0x1] =	stream.indirect.gather [hbm4b:s3+s10], $0x40, s28, s10, $0xb8;
	[tilespmem:$0x1C700] =	vst v63  }
0x47: {  	p0 =	por $0x1, $0x1;
	s30 =	simm.s32 $0x310;
	s31 =	simm.s32 $0xCB00  }
0x48: {  	[tilespmem:s31], [sflag:$0x1] =	stream.indirect.gather [hbm4b:s3+s10], $0x40, s30, s10, $0xb8;
	[tilespmem:$0x1C700] =	vst v63  }
0x49: {  	s0 =	simm.s32 @!p0 $0x4;
	s1 =	simm.s32 $0x348;
	s2 =	simm.s32 $0xD900  }
0x4a: {  	[tilespmem:s2], [sflag:$0x1] =	stream.indirect.gather [hbm4b:s3+s10], $0x40, s1, s10, $0xb8;
	[tilespmem:$0x1C700] =	vst v63  }
0x4b: {  	_ =	swait.ge @!p0 [sflag:s0], $0xE000  }
0x4c: {  	s4 =	sadd.s32 $0x0, s6;
	[sflag:s0] =	ssyncset.done @!p0 $0x0  }
0x4d: {  	s1 =	sadd.s32 $0x70, s4;
	[sflag:s0] =	ssyncadd.s32 @!p0 $0xFFFF2000  }
0x4e: {  	[tilespmem:s21], [sflag:$0x5] =	stream.linear.gather [hbm4b:s1+s11], $0x380, $0x38;
	[tilespmem:$0x1C700] =	vst v63  }
0x4f: {  	_ =	swait.ge [sflag:s9], $0x380  }
0x50: {  	s5 =	rddreg [dreg:$0x5]  }
0x51: {  	s13 =	rddreg [dreg:$0x3]  }
0x52: {  	s7 =	rddreg [dreg:$0x4]  }
0x53: {  	s8 =	rddreg [dreg:$0x6]  }
0x54: {  	s14 =	rddreg [dreg:$0x7]  }
0x55: {  	s15 =	rddreg [dreg:$0x8]  }
0x56: {  	s16 =	rddreg [dreg:$0xa]  }
0x57: {  	s17 =	rddreg [dreg:$0x9]  }
0x58: {  	s18 =	rddreg [dreg:$0xc]  }
0x59: {  	s19 =	rddreg [dreg:$0xb]  }
0x5a: {  	s20 =	rddreg [dreg:$0xe]  }
0x5b: {  	s28 =	rddreg [dreg:$0xd]  }
0x5c: {  	s29 =	rddreg [dreg:$0x10]  }
0x5d: {  	[sflag:s9] =	ssyncset.done $0x0;
	s30 =	rddreg [dreg:$0xf]  }
0x5e: {  	s31 =	rddreg [dreg:$0x12];
	[sflag:s9] =	ssyncadd.s32 $0xFFFFFC80  }
0x5f: {  	[tilespmem:s22], [sflag:$0x2] =	stream.indirect.gather [hbm4b:s3+s10], $0x40, s21, s10, $0xb8;
	[tilespmem:$0x1C700] =	vst v63  }
0x60: {  	s2 =	rddreg [dreg:$0x11]  }
0x61: {  	[tilespmem:s7], [sflag:$0x2] =	stream.indirect.gather [hbm4b:s3+s10], $0x40, s13, s10, $0xb8;
	[tilespmem:$0x1C700] =	vst v63  }
0x62: {  	s4 =	rddreg [dreg:$0x14]  }
0x63: {  	[tilespmem:s8], [sflag:$0x2] =	stream.indirect.gather [hbm4b:s3+s10], $0x40, s5, s10, $0xb8;
	[tilespmem:$0x1C700] =	vst v63  }
0x64: {  	s13 =	rddreg [dreg:$0x15]  }
0x65: {  	[tilespmem:s15], [sflag:$0x2] =	stream.indirect.gather [hbm4b:s3+s10], $0x40, s14, s10, $0xb8;
	[tilespmem:$0x1C700] =	vst v63  }
0x66: {  	s5 =	rddreg [dreg:$0x13]  }
0x67: {  	[tilespmem:s16], [sflag:$0x2] =	stream.indirect.gather [hbm4b:s3+s10], $0x40, s17, s10, $0xb8;
	[tilespmem:$0x1C700] =	vst v63  }
0x68: {  	s8 =	rddreg [dreg:$0x16]  }
0x69: {  	[tilespmem:s18], [sflag:$0x2] =	stream.indirect.gather [hbm4b:s3+s10], $0x40, s19, s10, $0xb8;
	[tilespmem:$0x1C700] =	vst v63  }
0x6a: {  	s14 =	rddreg [dreg:$0x18]  }
0x6b: {  	[tilespmem:s20], [sflag:$0x2] =	stream.indirect.gather [hbm4b:s3+s10], $0x40, s28, s10, $0xb8;
	[tilespmem:$0x1C700] =	vst v63  }
0x6c: {  	s15 =	rddreg [dreg:$0x17]  }
0x6d: {  	[tilespmem:s29], [sflag:$0x2] =	stream.indirect.gather [hbm4b:s3+s10], $0x40, s30, s10, $0xb8;
	[tilespmem:$0x1C700] =	vst v63  }
0x6e: {  	s16 =	rddreg [dreg:$0x1a]  }
0x6f: {  	[tilespmem:s31], [sflag:$0x2] =	stream.indirect.gather [hbm4b:s3+s10], $0x40, s2, s10, $0xb8;
	[tilespmem:$0x1C700] =	vst v63  }
0x70: {  	s17 =	rddreg [dreg:$0x19]  }
0x71: {  	[tilespmem:s4], [sflag:$0x2] =	stream.indirect.gather [hbm4b:s3+s10], $0x40, s5, s10, $0xb8;
	[tilespmem:$0x1C700] =	vst v63  }
0x72: {  	s18 =	rddreg [dreg:$0x1c]  }
0x73: {  	[tilespmem:s8], [sflag:$0x2] =	stream.indirect.gather [hbm4b:s3+s10], $0x40, s13, s10, $0xb8;
	[tilespmem:$0x1C700] =	vst v63  }
0x74: {  	s19 =	rddreg [dreg:$0x1b]  }
0x75: {  	[tilespmem:s14], [sflag:$0x2] =	stream.indirect.gather [hbm4b:s3+s10], $0x40, s15, s10, $0xb8;
	[tilespmem:$0x1C700] =	vst v63  }
0x76: {  	s20 =	rddreg [dreg:$0x1e]  }
0x77: {  	[tilespmem:s16], [sflag:$0x2] =	stream.indirect.gather [hbm4b:s3+s10], $0x40, s17, s10, $0xb8;
	[tilespmem:$0x1C700] =	vst v63  }
0x78: {  	s28 =	rddreg [dreg:$0x1d]  }
0x79: {  	[tilespmem:s18], [sflag:$0x2] =	stream.indirect.gather [hbm4b:s3+s10], $0x40, s19, s10, $0xb8;
	[tilespmem:$0x1C700] =	vst v63  }
0x7a: {  	s29 =	sld [smem:$0x7FD]  }
0x7b: {  	[tilespmem:s20], [sflag:$0x2] =	stream.indirect.gather [hbm4b:s3+s10], $0x40, s28, s10, $0xb8;
	[tilespmem:$0x1C700] =	vst v63  }
0x7c: {  	s30 =	rddreg [dreg:$0x1f]  }
0x7d: {  	[tilespmem:s29], [sflag:$0x2] =	stream.indirect.gather [hbm4b:s3+s10], $0x40, s30, s10, $0xb8;
	[tilespmem:$0x1C700] =	vst v63  }
0x7e: {  	_ =	swait.ge [sflag:s23], $0xC80  }
0x7f: {  	[sflag:s23] =	ssyncset.done $0x0  }
0x80: {  	[sflag:s23] =	ssyncadd.s32 $0xFFFFF380  }
0x81: {  	_ =	swait.ge [sflag:s23], $0xC80  }
0x82: {  	[sflag:s23] =	ssyncset.done $0x0  }
0x83: {  	[sflag:s23] =	ssyncadd.s32 $0xFFFFF380  }
0x84: {  	_ =	swait.ge [sflag:s23], $0xC80  }
0x85: {  	[sflag:s23] =	ssyncset.done $0x0  }
0x86: {  	[sflag:s23] =	ssyncadd.s32 $0xFFFFF380  }
0x87: {  	_ =	swait.ge [sflag:s23], $0xC80  }
0x88: {  	[sflag:s23] =	ssyncset.done $0x0  }
0x89: {  	[sflag:s23] =	ssyncadd.s32 $0xFFFFF380  }
0x8a: {  	_ =	swait.ge [sflag:s23], $0xC80  }
0x8b: {  	[sflag:s23] =	ssyncset.done $0x0  }
0x8c: {  	[sflag:s23] =	ssyncadd.s32 $0xFFFFF380  }
0x8d: {  	_ =	swait.ge [sflag:s23], $0xC80  }
0x8e: {  	[sflag:s23] =	ssyncset.done $0x0  }
0x8f: {  	[sflag:s23] =	ssyncadd.s32 $0xFFFFF380  }
0x90: {  	_ =	swait.ge [sflag:s23], $0xC80  }
0x91: {  	[sflag:s23] =	ssyncset.done $0x0  }
0x92: {  	[sflag:s23] =	ssyncadd.s32 $0xFFFFF380  }
0x93: {  	_ =	swait.ge [sflag:s23], $0xC80  }
0x94: {  	[sflag:s23] =	ssyncset.done $0x0  }
0x95: {  	[sflag:s23] =	ssyncadd.s32 $0xFFFFF380  }
0x96: {  	_ =	swait.ge [sflag:s23], $0xC80  }
0x97: {  	[sflag:s23] =	ssyncset.done $0x0  }
0x98: {  	[sflag:s23] =	ssyncadd.s32 $0xFFFFF380  }
0x99: {  	_ =	swait.ge [sflag:s23], $0xC80  }
0x9a: {  	[sflag:s23] =	ssyncset.done $0x0  }
0x9b: {  	[sflag:s23] =	ssyncadd.s32 $0xFFFFF380  }
0x9c: {  	_ =	swait.ge [sflag:s23], $0xC80  }
0x9d: {  	[sflag:s23] =	ssyncset.done $0x0  }
0x9e: {  	[sflag:s23] =	ssyncadd.s32 $0xFFFFF380  }
0x9f: {  	_ =	swait.ge [sflag:s23], $0xC80  }
0xa0: {  	[sflag:s23] =	ssyncset.done $0x0  }
0xa1: {  	[sflag:s23] =	ssyncadd.s32 $0xFFFFF380  }
0xa2: {  	_ =	swait.ge [sflag:s23], $0xC80  }
0xa3: {  	[sflag:s23] =	ssyncset.done $0x0  }
0xa4: {  	[sflag:s23] =	ssyncadd.s32 $0xFFFFF380  }
0xa5: {  	_ =	swait.ge [sflag:s23], $0xC80  }
0xa6: {  	[sflag:s23] =	ssyncset.done $0x0  }
0xa7: {  	[sflag:s23] =	ssyncadd.s32 $0xFFFFF380  }
0xa8: {  	_ =	swait.ge [sflag:s23], $0xC80  }
0xa9: {  	[sflag:s23] =	ssyncset.done $0x0  }
0xaa: {  	[sflag:s23] =	ssyncadd.s32 $0xFFFFF380  }
0xab: {  	_ =	swait.ge [sflag:s23], $0xC80  }
0xac: {  	s31 =	sld [smem:$0x7FB]  }
0xad: {  	p0 =	por $0x0, $0x0;
	[sflag:s23] =	ssyncset.done $0x0  }
0xae: {  	s0 =	simm.s32 @!p0 $0x3;
	[sflag:s23] =	ssyncadd.s32 $0xFFFFF380  }
0xaf: {  	[hbm4b:s31+s24] =	stream.strided.scatter [tilespmem:s12], [sflag:$0x3], $0xE000, s25, s24, $0x38;
	[tilespmem:$0x1C700] =	vst v63  }
0xb0: {  	s1 =	sadd.s32 @!p0 $0x0, s6;
	_ =	swait.ge @!p0 [sflag:s0], $0xE000  }
0xb1: {  	s1 =	sadd.s32 @!p0 $0xE0, s1;
	[sflag:s0] =	ssyncset.done @!p0 $0x0  }
0xb2: {  	s7 =	simm.s32 @!p0 $0x0;
	[sflag:s0] =	ssyncadd.s32 @!p0 $0xFFFF2000;
	s0 =	simm.s32 @!p0 $0x5  }
0xb3: {  	[tilespmem:s7], [sflag:$0x5] =	stream.linear.gather @!p0 [hbm4b:s1+s7], $0x380, $0x38;
	[tilespmem:$0x1C700] =	vst v63  }
0xb4: {  	_ =	swait.ge @!p0 [sflag:s0], $0x380  }
0xb5: {  	[sflag:s0] =	ssyncset.done @!p0 $0x0  }
0xb6: {  	s8 =	simm.s32 @!p0 $0x700;
	s1 =	simm.s32 @!p0 $0x32;
	[sflag:s0] =	ssyncadd.s32 @!p0 $0xFFFFFC80  }
0xb7: {  	[tilespmem:s8], [sflag:$0x1] =	stream.indirect.gather @!p0 [hbm4b:s3+s1], $0x40, s7, s1, $0xb8;
	[tilespmem:$0x1C700] =	vst v63  }
0xb8: {  	s0 =	simm.s32 @!p0 $0x38;
	s7 =	simm.s32 @!p0 $0x1500  }
0xb9: {  	[tilespmem:s7], [sflag:$0x1] =	stream.indirect.gather @!p0 [hbm4b:s3+s1], $0x40, s0, s1, $0xb8;
	[tilespmem:$0x1C700] =	vst v63  }
0xba: {  	s0 =	simm.s32 @!p0 $0x70;
	s7 =	simm.s32 @!p0 $0x2300  }
0xbb: {  	[tilespmem:s7], [sflag:$0x1] =	stream.indirect.gather @!p0 [hbm4b:s3+s1], $0x40, s0, s1, $0xb8;
	[tilespmem:$0x1C700] =	vst v63  }
0xbc: {  	s0 =	simm.s32 @!p0 $0xA8;
	s7 =	simm.s32 @!p0 $0x3100  }
0xbd: {  	[tilespmem:s7], [sflag:$0x1] =	stream.indirect.gather @!p0 [hbm4b:s3+s1], $0x40, s0, s1, $0xb8;
	[tilespmem:$0x1C700] =	vst v63  }
0xbe: {  	s0 =	simm.s32 @!p0 $0xE0;
	s7 =	simm.s32 @!p0 $0x3F00  }
0xbf: {  	[tilespmem:s7], [sflag:$0x1] =	stream.indirect.gather @!p0 [hbm4b:s3+s1], $0x40, s0, s1, $0xb8;
	[tilespmem:$0x1C700] =	vst v63  }
0xc0: {  	s0 =	simm.s32 @!p0 $0x118;
	s7 =	simm.s32 @!p0 $0x4D00  }
0xc1: {  	[tilespmem:s7], [sflag:$0x1] =	stream.indirect.gather @!p0 [hbm4b:s3+s1], $0x40, s0, s1, $0xb8;
	[tilespmem:$0x1C700] =	vst v63  }
0xc2: {  	s0 =	simm.s32 @!p0 $0x150;
	s7 =	simm.s32 @!p0 $0x5B00  }
0xc3: {  	[tilespmem:s7], [sflag:$0x1] =	stream.indirect.gather @!p0 [hbm4b:s3+s1], $0x40, s0, s1, $0xb8;
	[tilespmem:$0x1C700] =	vst v63  }
0xc4: {  	s0 =	simm.s32 @!p0 $0x188;
	s7 =	simm.s32 @!p0 $0x6900  }
0xc5: {  	[tilespmem:s7], [sflag:$0x1] =	stream.indirect.gather @!p0 [hbm4b:s3+s1], $0x40, s0, s1, $0xb8;
	[tilespmem:$0x1C700] =	vst v63  }
0xc6: {  	s0 =	simm.s32 @!p0 $0x1C0;
	s7 =	simm.s32 @!p0 $0x7700  }
0xc7: {  	[tilespmem:s7], [sflag:$0x1] =	stream.indirect.gather @!p0 [hbm4b:s3+s1], $0x40, s0, s1, $0xb8;
	[tilespmem:$0x1C700] =	vst v63  }
0xc8: {  	s0 =	simm.s32 @!p0 $0x1F8;
	s7 =	simm.s32 @!p0 $0x8500  }
0xc9: {  	[tilespmem:s7], [sflag:$0x1] =	stream.indirect.gather @!p0 [hbm4b:s3+s1], $0x40, s0, s1, $0xb8;
	[tilespmem:$0x1C700] =	vst v63  }
0xca: {  	s0 =	simm.s32 @!p0 $0x230;
	s7 =	simm.s32 @!p0 $0x9300  }
0xcb: {  	[tilespmem:s7], [sflag:$0x1] =	stream.indirect.gather @!p0 [hbm4b:s3+s1], $0x40, s0, s1, $0xb8;
	[tilespmem:$0x1C700] =	vst v63  }
0xcc: {  	s0 =	simm.s32 @!p0 $0x268;
	s7 =	simm.s32 @!p0 $0xA100  }
0xcd: {  	[tilespmem:s7], [sflag:$0x1] =	stream.indirect.gather @!p0 [hbm4b:s3+s1], $0x40, s0, s1, $0xb8;
	[tilespmem:$0x1C700] =	vst v63  }
0xce: {  	s0 =	simm.s32 @!p0 $0x2A0;
	s7 =	simm.s32 @!p0 $0xAF00  }
0xcf: {  	[tilespmem:s7], [sflag:$0x1] =	stream.indirect.gather @!p0 [hbm4b:s3+s1], $0x40, s0, s1, $0xb8;
	[tilespmem:$0x1C700] =	vst v63  }
0xd0: {  	s0 =	simm.s32 @!p0 $0x2D8;
	s7 =	simm.s32 @!p0 $0xBD00  }
0xd1: {  	[tilespmem:s7], [sflag:$0x1] =	stream.indirect.gather @!p0 [hbm4b:s3+s1], $0x40, s0, s1, $0xb8;
	[tilespmem:$0x1C700] =	vst v63  }
0xd2: {  	s0 =	simm.s32 @!p0 $0x310;
	s7 =	simm.s32 @!p0 $0xCB00  }
0xd3: {  	[tilespmem:s7], [sflag:$0x1] =	stream.indirect.gather @!p0 [hbm4b:s3+s1], $0x40, s0, s1, $0xb8;
	[tilespmem:$0x1C700] =	vst v63  }
0xd4: {  	s0 =	simm.s32 @!p0 $0x348;
	s7 =	simm.s32 @!p0 $0xD900  }
0xd5: {  	[tilespmem:s7], [sflag:$0x1] =	stream.indirect.gather @!p0 [hbm4b:s3+s1], $0x40, s0, s1, $0xb8;
	[tilespmem:$0x1C700] =	vst v63  }
0xd6: {  	_ =	swait.ge [sflag:s26], $0xC80  }
0xd7: {  	[sflag:s26] =	ssyncset.done $0x0  }
0xd8: {  	[sflag:s26] =	ssyncadd.s32 $0xFFFFF380  }
0xd9: {  	_ =	swait.ge [sflag:s26], $0xC80  }
0xda: {  	[sflag:s26] =	ssyncset.done $0x0  }
0xdb: {  	[sflag:s26] =	ssyncadd.s32 $0xFFFFF380  }
0xdc: {  	_ =	swait.ge [sflag:s26], $0xC80  }
0xdd: {  	[sflag:s26] =	ssyncset.done $0x0  }
0xde: {  	[sflag:s26] =	ssyncadd.s32 $0xFFFFF380  }
0xdf: {  	_ =	swait.ge [sflag:s26], $0xC80  }
0xe0: {  	[sflag:s26] =	ssyncset.done $0x0  }
0xe1: {  	[sflag:s26] =	ssyncadd.s32 $0xFFFFF380  }
0xe2: {  	_ =	swait.ge [sflag:s26], $0xC80  }
0xe3: {  	[sflag:s26] =	ssyncset.done $0x0  }
0xe4: {  	[sflag:s26] =	ssyncadd.s32 $0xFFFFF380  }
0xe5: {  	_ =	swait.ge [sflag:s26], $0xC80  }
0xe6: {  	[sflag:s26] =	ssyncset.done $0x0  }
0xe7: {  	[sflag:s26] =	ssyncadd.s32 $0xFFFFF380  }
0xe8: {  	_ =	swait.ge [sflag:s26], $0xC80  }
0xe9: {  	[sflag:s26] =	ssyncset.done $0x0  }
0xea: {  	[sflag:s26] =	ssyncadd.s32 $0xFFFFF380  }
0xeb: {  	_ =	swait.ge [sflag:s26], $0xC80  }
0xec: {  	[sflag:s26] =	ssyncset.done $0x0  }
0xed: {  	[sflag:s26] =	ssyncadd.s32 $0xFFFFF380  }
0xee: {  	_ =	swait.ge [sflag:s26], $0xC80  }
0xef: {  	[sflag:s26] =	ssyncset.done $0x0  }
0xf0: {  	[sflag:s26] =	ssyncadd.s32 $0xFFFFF380  }
0xf1: {  	_ =	swait.ge [sflag:s26], $0xC80  }
0xf2: {  	[sflag:s26] =	ssyncset.done $0x0  }
0xf3: {  	[sflag:s26] =	ssyncadd.s32 $0xFFFFF380  }
0xf4: {  	_ =	swait.ge [sflag:s26], $0xC80  }
0xf5: {  	s8 =	sld [smem:$0x7FC];
	_ =	sdelay $0x1  }
0xf6: {  	s0 =	simm.s32 $0xE0;
	[sflag:s26] =	ssyncset.done $0x0  }
0xf7: {  	s7 =	smov.u32 s31;
	[sflag:s26] =	ssyncadd.s32 $0xFFFFF380;
	s1 =	sadd.s32 $0x7000, s8  }
.LBB2_2:
0xf8: {  	_ =	swait.ge [sflag:s26], $0xC80  }
0xf9: {  	[sflag:s26] =	ssyncset.done $0x0  }
0xfa: {  	[sflag:s26] =	ssyncadd.s32 $0xFFFFF380  }
0xfb: {  	_ =	swait.ge [sflag:s26], $0xC80  }
0xfc: {  	[sflag:s26] =	ssyncset.done $0x0  }
0xfd: {  	[sflag:s26] =	ssyncadd.s32 $0xFFFFF380  }
0xfe: {  	_ =	swait.ge [sflag:s26], $0xC80  }
0xff: {  	[sflag:s26] =	ssyncset.done $0x0  }
0x100: {  	[sflag:s26] =	ssyncadd.s32 $0xFFFFF380  }
0x101: {  	_ =	swait.ge [sflag:s26], $0xC80  }
0x102: {  	[sflag:s26] =	ssyncset.done $0x0  }
0x103: {  	[sflag:s26] =	ssyncadd.s32 $0xFFFFF380  }
0x104: {  	s13 =	smov.u32 s0;
	_ =	swait.ge [sflag:s26], $0xC80  }
0x105: {  	p1 =	seq.s32 s13, $0x0;
	[sflag:s26] =	ssyncset.done $0x0  }
0x106: {  	s14 =	simm.s32 @!p1 $0x4;
	[sflag:s26] =	ssyncadd.s32 $0xFFFFF380  }
0x107: {  	[hbm4b:s8+s24] =	stream.strided.scatter [tilespmem:s22], [sflag:$0x4], $0xE000, s25, s24, $0x38;
	[tilespmem:$0x1C700] =	vst v63  }
0x108: {  	_ =	swait.ge @!p1 [sflag:s14], $0xE000  }
0x109: {  	s15 =	sadd.s32 s13, s6;
	[sflag:s14] =	ssyncset.done @!p1 $0x0  }
0x10a: {  	s15 =	sadd.s32 $0x70, s15;
	[sflag:s14] =	ssyncadd.s32 @!p1 $0xFFFF2000  }
0x10b: {  	[tilespmem:s21], [sflag:$0x5] =	stream.linear.gather [hbm4b:s15+s11], $0x380, $0x38;
	[tilespmem:$0x1C700] =	vst v63  }
0x10c: {  	_ =	swait.ge [sflag:s9], $0x380  }
0x10d: {  	s14 =	sld [smem:$0x7FD]  }
0x10e: {  	s15 =	rddreg [dreg:$0x1e]  }
0x10f: {  	s16 =	rddreg [dreg:$0x1c]  }
0x110: {  	s17 =	rddreg [dreg:$0x1a]  }
0x111: {  	s18 =	rddreg [dreg:$0x18]  }
0x112: {  	s19 =	rddreg [dreg:$0x16]  }
0x113: {  	s20 =	rddreg [dreg:$0x14]  }
0x114: {  	s4 =	rddreg [dreg:$0x12]  }
0x115: {  	s5 =	rddreg [dreg:$0x10]  }
0x116: {  	s28 =	rddreg [dreg:$0xe]  }
0x117: {  	s29 =	rddreg [dreg:$0xc]  }
0x118: {  	s12 =	rddreg [dreg:$0xa]  }
0x119: {  	s31 =	rddreg [dreg:$0x7]  }
0x11a: {  	[sflag:s9] =	ssyncset.done $0x0;
	s30 =	rddreg [dreg:$0x5]  }
0x11b: {  	s2 =	rddreg [dreg:$0x3];
	[sflag:s9] =	ssyncadd.s32 $0xFFFFFC80  }
0x11c: {  	[tilespmem:s22], [sflag:$0x2] =	stream.indirect.gather [hbm4b:s3+s10], $0x40, s21, s10, $0xb8;
	[tilespmem:$0x1C700] =	vst v63  }
0x11d: {  	s11 =	rddreg [dreg:$0x4]  }
0x11e: {  	[tilespmem:s11], [sflag:$0x2] =	stream.indirect.gather [hbm4b:s3+s10], $0x40, s2, s10, $0xb8;
	[tilespmem:$0x1C700] =	vst v63  }
0x11f: {  	s21 =	rddreg [dreg:$0x6]  }
0x120: {  	[tilespmem:s21], [sflag:$0x2] =	stream.indirect.gather [hbm4b:s3+s10], $0x40, s30, s10, $0xb8;
	[tilespmem:$0x1C700] =	vst v63  }
0x121: {  	s2 =	rddreg [dreg:$0x8]  }
0x122: {  	[tilespmem:s2], [sflag:$0x2] =	stream.indirect.gather [hbm4b:s3+s10], $0x40, s31, s10, $0xb8;
	[tilespmem:$0x1C700] =	vst v63  }
0x123: {  	s11 =	rddreg [dreg:$0x9]  }
0x124: {  	[tilespmem:s12], [sflag:$0x2] =	stream.indirect.gather [hbm4b:s3+s10], $0x40, s11, s10, $0xb8;
	[tilespmem:$0x1C700] =	vst v63  }
0x125: {  	s30 =	rddreg [dreg:$0xb]  }
0x126: {  	[tilespmem:s29], [sflag:$0x2] =	stream.indirect.gather [hbm4b:s3+s10], $0x40, s30, s10, $0xb8;
	[tilespmem:$0x1C700] =	vst v63  }
0x127: {  	s31 =	rddreg [dreg:$0xd]  }
0x128: {  	[tilespmem:s28], [sflag:$0x2] =	stream.indirect.gather [hbm4b:s3+s10], $0x40, s31, s10, $0xb8;
	[tilespmem:$0x1C700] =	vst v63  }
0x129: {  	s30 =	rddreg [dreg:$0xf]  }
0x12a: {  	[tilespmem:s5], [sflag:$0x2] =	stream.indirect.gather [hbm4b:s3+s10], $0x40, s30, s10, $0xb8;
	[tilespmem:$0x1C700] =	vst v63  }
0x12b: {  	s31 =	rddreg [dreg:$0x11]  }
0x12c: {  	[tilespmem:s4], [sflag:$0x2] =	stream.indirect.gather [hbm4b:s3+s10], $0x40, s31, s10, $0xb8;
	[tilespmem:$0x1C700] =	vst v63  }
0x12d: {  	s5 =	rddreg [dreg:$0x13]  }
0x12e: {  	[tilespmem:s20], [sflag:$0x2] =	stream.indirect.gather [hbm4b:s3+s10], $0x40, s5, s10, $0xb8;
	[tilespmem:$0x1C700] =	vst v63  }
0x12f: {  	s11 =	rddreg [dreg:$0x15]  }
0x130: {  	[tilespmem:s19], [sflag:$0x2] =	stream.indirect.gather [hbm4b:s3+s10], $0x40, s11, s10, $0xb8;
	[tilespmem:$0x1C700] =	vst v63  }
0x131: {  	s20 =	rddreg [dreg:$0x17]  }
0x132: {  	[tilespmem:s18], [sflag:$0x2] =	stream.indirect.gather [hbm4b:s3+s10], $0x40, s20, s10, $0xb8;
	[tilespmem:$0x1C700] =	vst v63  }
0x133: {  	s28 =	rddreg [dreg:$0x19]  }
0x134: {  	[tilespmem:s17], [sflag:$0x2] =	stream.indirect.gather [hbm4b:s3+s10], $0x40, s28, s10, $0xb8;
	[tilespmem:$0x1C700] =	vst v63  }
0x135: {  	s29 =	rddreg [dreg:$0x1b]  }
0x136: {  	[tilespmem:s16], [sflag:$0x2] =	stream.indirect.gather [hbm4b:s3+s10], $0x40, s29, s10, $0xb8;
	[tilespmem:$0x1C700] =	vst v63  }
0x137: {  	s30 =	rddreg [dreg:$0x1d]  }
0x138: {  	[tilespmem:s15], [sflag:$0x2] =	stream.indirect.gather [hbm4b:s3+s10], $0x40, s30, s10, $0xb8;
	[tilespmem:$0x1C700] =	vst v63  }
0x139: {  	s31 =	rddreg [dreg:$0x1f]  }
0x13a: {  	[tilespmem:s14], [sflag:$0x2] =	stream.indirect.gather [hbm4b:s3+s10], $0x40, s31, s10, $0xb8;
	[tilespmem:$0x1C700] =	vst v63  }
0x13b: {  	_ =	swait.ge [sflag:s23], $0xC80  }
0x13c: {  	[sflag:s23] =	ssyncset.done $0x0  }
0x13d: {  	[sflag:s23] =	ssyncadd.s32 $0xFFFFF380  }
0x13e: {  	_ =	swait.ge [sflag:s23], $0xC80  }
0x13f: {  	[sflag:s23] =	ssyncset.done $0x0  }
0x140: {  	[sflag:s23] =	ssyncadd.s32 $0xFFFFF380  }
0x141: {  	_ =	swait.ge [sflag:s23], $0xC80  }
0x142: {  	[sflag:s23] =	ssyncset.done $0x0  }
0x143: {  	[sflag:s23] =	ssyncadd.s32 $0xFFFFF380  }
0x144: {  	_ =	swait.ge [sflag:s23], $0xC80  }
0x145: {  	[sflag:s23] =	ssyncset.done $0x0  }
0x146: {  	[sflag:s23] =	ssyncadd.s32 $0xFFFFF380  }
0x147: {  	_ =	swait.ge [sflag:s23], $0xC80  }
0x148: {  	[sflag:s23] =	ssyncset.done $0x0  }
0x149: {  	[sflag:s23] =	ssyncadd.s32 $0xFFFFF380  }
0x14a: {  	_ =	swait.ge [sflag:s23], $0xC80  }
0x14b: {  	[sflag:s23] =	ssyncset.done $0x0  }
0x14c: {  	[sflag:s23] =	ssyncadd.s32 $0xFFFFF380  }
0x14d: {  	_ =	swait.ge [sflag:s23], $0xC80  }
0x14e: {  	[sflag:s23] =	ssyncset.done $0x0  }
0x14f: {  	[sflag:s23] =	ssyncadd.s32 $0xFFFFF380  }
0x150: {  	_ =	swait.ge [sflag:s23], $0xC80  }
0x151: {  	[sflag:s23] =	ssyncset.done $0x0  }
0x152: {  	[sflag:s23] =	ssyncadd.s32 $0xFFFFF380  }
0x153: {  	_ =	swait.ge [sflag:s23], $0xC80  }
0x154: {  	[sflag:s23] =	ssyncset.done $0x0  }
0x155: {  	[sflag:s23] =	ssyncadd.s32 $0xFFFFF380  }
0x156: {  	_ =	swait.ge [sflag:s23], $0xC80  }
0x157: {  	[sflag:s23] =	ssyncset.done $0x0  }
0x158: {  	[sflag:s23] =	ssyncadd.s32 $0xFFFFF380  }
0x159: {  	_ =	swait.ge [sflag:s23], $0xC80  }
0x15a: {  	[sflag:s23] =	ssyncset.done $0x0  }
0x15b: {  	[sflag:s23] =	ssyncadd.s32 $0xFFFFF380  }
0x15c: {  	_ =	swait.ge [sflag:s23], $0xC80  }
0x15d: {  	[sflag:s23] =	ssyncset.done $0x0  }
0x15e: {  	[sflag:s23] =	ssyncadd.s32 $0xFFFFF380  }
0x15f: {  	_ =	swait.ge [sflag:s23], $0xC80  }
0x160: {  	[sflag:s23] =	ssyncset.done $0x0  }
0x161: {  	[sflag:s23] =	ssyncadd.s32 $0xFFFFF380  }
0x162: {  	_ =	swait.ge [sflag:s23], $0xC80  }
0x163: {  	[sflag:s23] =	ssyncset.done $0x0  }
0x164: {  	[sflag:s23] =	ssyncadd.s32 $0xFFFFF380  }
0x165: {  	_ =	swait.ge [sflag:s23], $0xC80  }
0x166: {  	[sflag:s23] =	ssyncset.done $0x0  }
0x167: {  	[sflag:s23] =	ssyncadd.s32 $0xFFFFF380  }
0x168: {  	_ =	swait.ge [sflag:s23], $0xC80  }
0x169: {  	s7 =	sadd.s32 $0x7000, s7;
	p1 =	seq.s32 s13, $0xD20;
	[sflag:s23] =	ssyncset.done $0x0  }
0x16a: {  	s2 =	simm.s32 @!p1 $0x3;
	s12 =	simm.s32 $0x700;
	[sflag:s23] =	ssyncadd.s32 $0xFFFFF380  }
0x16b: {  	[hbm4b:s7+s24] =	stream.strided.scatter [tilespmem:s12], [sflag:$0x3], $0xE000, s25, s24, $0x38;
	[tilespmem:$0x1C700] =	vst v63  }
0x16c: {  	s4 =	sadd.s32 @!p1 s13, s6;
	_ =	swait.ge @!p1 [sflag:s2], $0xE000  }
0x16d: {  	s4 =	sadd.s32 @!p1 $0xE0, s4;
	[sflag:s2] =	ssyncset.done @!p1 $0x0  }
0x16e: {  	s5 =	simm.s32 @!p1 $0x0;
	[sflag:s2] =	ssyncadd.s32 @!p1 $0xFFFF2000;
	s2 =	simm.s32 @!p1 $0x5  }
0x16f: {  	[tilespmem:s5], [sflag:$0x5] =	stream.linear.gather @!p1 [hbm4b:s4+s5], $0x380, $0x38;
	[tilespmem:$0x1C700] =	vst v63  }
0x170: {  	_ =	swait.ge @!p1 [sflag:s2], $0x380  }
0x171: {  	[sflag:s2] =	ssyncset.done @!p1 $0x0  }
0x172: {  	s13 =	simm.s32 @!p1 $0x32;
	s4 =	simm.s32 @!p1 $0x700;
	[sflag:s2] =	ssyncadd.s32 @!p1 $0xFFFFFC80  }
0x173: {  	[tilespmem:s4], [sflag:$0x1] =	stream.indirect.gather @!p1 [hbm4b:s3+s13], $0x40, s5, s13, $0xb8;
	[tilespmem:$0x1C700] =	vst v63  }
0x174: {  	s11 =	simm.s32 @!p1 $0x1500;
	s2 =	simm.s32 @!p1 $0x38  }
0x175: {  	[tilespmem:s11], [sflag:$0x1] =	stream.indirect.gather @!p1 [hbm4b:s3+s13], $0x40, s2, s13, $0xb8;
	[tilespmem:$0x1C700] =	vst v63  }
0x176: {  	s4 =	simm.s32 @!p1 $0x70;
	s5 =	simm.s32 @!p1 $0x2300  }
0x177: {  	[tilespmem:s5], [sflag:$0x1] =	stream.indirect.gather @!p1 [hbm4b:s3+s13], $0x40, s4, s13, $0xb8;
	[tilespmem:$0x1C700] =	vst v63  }
0x178: {  	s2 =	simm.s32 @!p1 $0xA8;
	s11 =	simm.s32 @!p1 $0x3100  }
0x179: {  	[tilespmem:s11], [sflag:$0x1] =	stream.indirect.gather @!p1 [hbm4b:s3+s13], $0x40, s2, s13, $0xb8;
	[tilespmem:$0x1C700] =	vst v63  }
0x17a: {  	s4 =	simm.s32 @!p1 $0xE0;
	s5 =	simm.s32 @!p1 $0x3F00  }
0x17b: {  	[tilespmem:s5], [sflag:$0x1] =	stream.indirect.gather @!p1 [hbm4b:s3+s13], $0x40, s4, s13, $0xb8;
	[tilespmem:$0x1C700] =	vst v63  }
0x17c: {  	s2 =	simm.s32 @!p1 $0x118;
	s11 =	simm.s32 @!p1 $0x4D00  }
0x17d: {  	[tilespmem:s11], [sflag:$0x1] =	stream.indirect.gather @!p1 [hbm4b:s3+s13], $0x40, s2, s13, $0xb8;
	[tilespmem:$0x1C700] =	vst v63  }
0x17e: {  	s4 =	simm.s32 @!p1 $0x150;
	s5 =	simm.s32 @!p1 $0x5B00  }
0x17f: {  	[tilespmem:s5], [sflag:$0x1] =	stream.indirect.gather @!p1 [hbm4b:s3+s13], $0x40, s4, s13, $0xb8;
	[tilespmem:$0x1C700] =	vst v63  }
0x180: {  	s2 =	simm.s32 @!p1 $0x188;
	s11 =	simm.s32 @!p1 $0x6900  }
0x181: {  	[tilespmem:s11], [sflag:$0x1] =	stream.indirect.gather @!p1 [hbm4b:s3+s13], $0x40, s2, s13, $0xb8;
	[tilespmem:$0x1C700] =	vst v63  }
0x182: {  	s4 =	simm.s32 @!p1 $0x1C0;
	s5 =	simm.s32 @!p1 $0x7700  }
0x183: {  	[tilespmem:s5], [sflag:$0x1] =	stream.indirect.gather @!p1 [hbm4b:s3+s13], $0x40, s4, s13, $0xb8;
	[tilespmem:$0x1C700] =	vst v63  }
0x184: {  	s2 =	simm.s32 @!p1 $0x1F8;
	s11 =	simm.s32 @!p1 $0x8500  }
0x185: {  	[tilespmem:s11], [sflag:$0x1] =	stream.indirect.gather @!p1 [hbm4b:s3+s13], $0x40, s2, s13, $0xb8;
	[tilespmem:$0x1C700] =	vst v63  }
0x186: {  	s4 =	simm.s32 @!p1 $0x230;
	s5 =	simm.s32 @!p1 $0x9300  }
0x187: {  	[tilespmem:s5], [sflag:$0x1] =	stream.indirect.gather @!p1 [hbm4b:s3+s13], $0x40, s4, s13, $0xb8;
	[tilespmem:$0x1C700] =	vst v63  }
0x188: {  	s2 =	simm.s32 @!p1 $0x268;
	s11 =	simm.s32 @!p1 $0xA100  }
0x189: {  	[tilespmem:s11], [sflag:$0x1] =	stream.indirect.gather @!p1 [hbm4b:s3+s13], $0x40, s2, s13, $0xb8;
	[tilespmem:$0x1C700] =	vst v63  }
0x18a: {  	s4 =	simm.s32 @!p1 $0x2A0;
	s5 =	simm.s32 @!p1 $0xAF00  }
0x18b: {  	[tilespmem:s5], [sflag:$0x1] =	stream.indirect.gather @!p1 [hbm4b:s3+s13], $0x40, s4, s13, $0xb8;
	[tilespmem:$0x1C700] =	vst v63  }
0x18c: {  	s2 =	simm.s32 @!p1 $0x2D8;
	s11 =	simm.s32 @!p1 $0xBD00  }
0x18d: {  	[tilespmem:s11], [sflag:$0x1] =	stream.indirect.gather @!p1 [hbm4b:s3+s13], $0x40, s2, s13, $0xb8;
	[tilespmem:$0x1C700] =	vst v63  }
0x18e: {  	s4 =	simm.s32 @!p1 $0x310;
	s5 =	simm.s32 @!p1 $0xCB00  }
0x18f: {  	[tilespmem:s5], [sflag:$0x1] =	stream.indirect.gather @!p1 [hbm4b:s3+s13], $0x40, s4, s13, $0xb8;
	[tilespmem:$0x1C700] =	vst v63  }
0x190: {  	s2 =	simm.s32 @!p1 $0x348;
	s11 =	simm.s32 @!p1 $0xD900  }
0x191: {  	[tilespmem:s11], [sflag:$0x1] =	stream.indirect.gather @!p1 [hbm4b:s3+s13], $0x40, s2, s13, $0xb8;
	[tilespmem:$0x1C700] =	vst v63  }
0x192: {  	_ =	swait.ge [sflag:s26], $0xC80  }
0x193: {  	[sflag:s26] =	ssyncset.done $0x0  }
0x194: {  	[sflag:s26] =	ssyncadd.s32 $0xFFFFF380  }
0x195: {  	_ =	swait.ge [sflag:s26], $0xC80  }
0x196: {  	[sflag:s26] =	ssyncset.done $0x0  }
0x197: {  	[sflag:s26] =	ssyncadd.s32 $0xFFFFF380  }
0x198: {  	_ =	swait.ge [sflag:s26], $0xC80  }
0x199: {  	[sflag:s26] =	ssyncset.done $0x0  }
0x19a: {  	[sflag:s26] =	ssyncadd.s32 $0xFFFFF380  }
0x19b: {  	_ =	swait.ge [sflag:s26], $0xC80  }
0x19c: {  	[sflag:s26] =	ssyncset.done $0x0  }
0x19d: {  	[sflag:s26] =	ssyncadd.s32 $0xFFFFF380  }
0x19e: {  	_ =	swait.ge [sflag:s26], $0xC80  }
0x19f: {  	[sflag:s26] =	ssyncset.done $0x0  }
0x1a0: {  	[sflag:s26] =	ssyncadd.s32 $0xFFFFF380  }
0x1a1: {  	_ =	swait.ge [sflag:s26], $0xC80  }
0x1a2: {  	[sflag:s26] =	ssyncset.done $0x0  }
0x1a3: {  	[sflag:s26] =	ssyncadd.s32 $0xFFFFF380  }
0x1a4: {  	_ =	swait.ge [sflag:s26], $0xC80  }
0x1a5: {  	[sflag:s26] =	ssyncset.done $0x0  }
0x1a6: {  	[sflag:s26] =	ssyncadd.s32 $0xFFFFF380  }
0x1a7: {  	_ =	swait.ge [sflag:s26], $0xC80  }
0x1a8: {  	[sflag:s26] =	ssyncset.done $0x0  }
0x1a9: {  	[sflag:s26] =	ssyncadd.s32 $0xFFFFF380  }
0x1aa: {  	_ =	swait.ge [sflag:s26], $0xC80  }
0x1ab: {  	[sflag:s26] =	ssyncset.done $0x0  }
0x1ac: {  	s0 =	sadd.s32 $0xE0, s0;
	[sflag:s26] =	ssyncadd.s32 $0xFFFFF380  }
0x1ad: {  	p0 =	sne.s32 s0, $0xE00;
	_ =	swait.ge [sflag:s26], $0xC80  }
.Ltmp0:
0x1ae: {  	[sflag:s26] =	ssyncset.done $0x0;
	(pc) =	sbr.rel @p0 .LBB2_2-.Ltmp0, $4  }
0x1af: {  	[sflag:s26] =	ssyncadd.s32 $0xFFFFF380  }
0x1b0: {  	_ =	swait.ge [sflag:s26], $0xC80  }
0x1b1: {  	s8 =	smov.u32 s1;
	s1 =	sadd.s32 $0x7000, s1;
	[sflag:s26] =	ssyncset.done $0x0  }
0x1b2: {  	s21 =	simm.s32 $0x380;
	s11 =	simm.s32 $0x0;
	[sflag:s26] =	ssyncadd.s32 $0xFFFFF380  }
0x1b3: {  	_ =	swait.ge [sflag:s26], $0xC80  }
0x1b4: {  	[sflag:s26] =	ssyncset.done $0x0  }
0x1b5: {  	[sflag:s26] =	ssyncadd.s32 $0xFFFFF380  }
0x1b6: {  	_ =	swait.ge [sflag:s26], $0xC80  }
0x1b7: {  	[sflag:s26] =	ssyncset.done $0x0  }
0x1b8: {  	[sflag:s26] =	ssyncadd.s32 $0xFFFFF380  }
0x1b9: {  	_ =	swait.ge [sflag:s26], $0xC80  }
0x1ba: {  	[sflag:s26] =	ssyncset.done $0x0  }
0x1bb: {  	[sflag:s26] =	ssyncadd.s32 $0xFFFFF380  }
0x1bc: {  	_ =	swait.ge [sflag:s26], $0xC80  }
0x1bd: {  	[sflag:s26] =	ssyncset.done $0x0  }
0x1be: {  	[sflag:s26] =	ssyncadd.s32 $0xFFFFF380  }
0x1bf: {  	_ =	swait.ge [sflag:s26], $0xC80  }
0x1c0: {  	[sflag:s26] =	ssyncset.done $0x0  }
0x1c1: {  	s0 =	simm.s32 $0x3;
	[sflag:s26] =	ssyncadd.s32 $0xFFFFF380  }
0x1c2: {  	[hbm4b:s8+s24] =	stream.strided.scatter [tilespmem:s22], [sflag:$0x4], $0xE000, s25, s24, $0x38;
	[tilespmem:$0x1C700] =	vst v63  }
0x1c3: {  	_ =	swait.ge [sflag:s0], $0xE000  }
0x1c4: {  	[sflag:s0] =	ssyncset.done $0x0  }
0x1c5: {  	s1 =	simm.s32 $0x4;
	[sflag:s0] =	ssyncadd.s32 $0xFFFF2000  }
0x1c6: {  	_ =	swait.ge [sflag:s1], $0xE000  }
0x1c7: {  	s2 =	sld [smem:$0x7F8]  }
0x1c8: {  	s31 =	sld [smem:$0x7FA];
	_ =	sdelay $0x1  }
0x1c9: {  	s2 =	sadd.s32 $0x1, s2  }
0x1ca: {  	p0 =	sne.s32 s2, s31  }
.Ltmp1:
0x1cb: {  	_ = 	snop;
	(pc) =	sbr.rel @p0 .LBB2_1-.Ltmp1, $3  }
0x1cc: {  	_ =	sdelay $0x1  }
0x1cd: {  	[sflag:s1] =	ssyncset.done $0x0  }
0x1ce: {  	[sflag:s1] =	ssyncadd.s32 $0xFFFF2000  }
0x1cf: {  	_ =	sfence.sel $0x180000  }
0x1d0: {  	[bflag:$0x0] =	sbarrier.arrive $0xFFFF  }
0x1d1: {  	_ =	strace $0x9000004A  }
0x1d2: {  	s0 =	stileid.u32;
	[bflag:$0x2] =	sbarrier.arrive $0xFFFF  }
0x1d3: {  	p0 =	sne.s32 s0, $0x0;
	s0 =	rddreg [dreg:$0x2]  }
0x1d4: {  	s0 =	sadd.s32 @!p0 $0x100000, s0  }
0x1d5: {  	[sflag:s0] =	ssyncadd.tile.s32 @!p0 $0x1;
	_ =	shalt  }
.Lfunc_end2:
_tile_overlayer_lowered:
.L_overlay_start_2:
0x1d6: {  	(tag) =	ssettag $0x2  }
0x1d7: {  	s0 =	rddreg [dreg:$0x0];
	s2 =	stileid.u32  }
0x1d8: {  	s1 =	rddreg [dreg:$0x1];
	p0 =	sne.s32 s2, $0x0  }
0x1d9: {  	s3 =	rddreg [dreg:$0x2];
	[bflag:$0x3] =	sbarrier.arrive $0xFFFF;
	s2 =	simm.s32 @!p0 $0x1C05  }
0x1da: {  	[timem:s3], [sflag:s2] =	dma.local @!p0 [hbm:s0], s1  }
0x1db: {  	s0 =	simm.s32 @!p0 $0x5  }
0x1dc: {  	_ =	swait.ge @!p0 [sflag:s0], s1  }
0x1dd: {  	s1 =	ssub.s32 @!p0 $0x0, s1;
	[sflag:s0] =	ssyncset.done @!p0 $0x0  }
0x1de: {  	[sflag:s0] =	ssyncadd.s32 @!p0 s1  }
0x1df: {  	[bflag:$0x3] =	sbarrier.arrive $0xFFFF  }
0x1e0: {  	_ =	shalt  }

// kernel: sparse-core-data-format-call.1.cloned.1.call-start
scs
called_computation.1_lowered:
.L_overlay_start_0:
0x0: {  	s2 =	sld [smem:$0x3FD9]  }
0x1: {  	s3 =	sld [smem:$0x3FFE];
	_ =	sdelay $0x1  }
0x2: {  	s1 =	srdreg.scid  }
0x3: {  	s0 =	sand.u32 $0x1, s1  }
0x4: {  	s18 =	sshll.u32 s0, $0xA;
	s2 =	sadd.s32 s3, s2  }
0x5: {  	s2 =	sadd.s32 s2, s18  }
0x6: {  	[smem:$0x3FC6] =	sst s2  }
0x7: {  	_ = 	snop  }
0x8: {  	s2 =	sld [smem:$0x3FC8];
	(tm) =	ssettm $0x1  }
0x9: {  	s19 =	sld [smem:$0x3FFB];
	_ =	sdelay $0x3  }
0xa: {  	_ =	strace s19  }
0xb: {  	s3 =	sld [smem:$0x3FFC];
	_ =	sdelay $0x3  }
0xc: {  	_ =	strace s3  }
0xd: {  	s3 =	sld [smem:$0x3FFD];
	_ =	sdelay $0x3  }
0xe: {  	_ =	strace s3  }
0xf: {  	_ =	strace $0x8FFFFFFF  }
0x10: {  	s20 =	sld [smem:$0x3FDB];
	_ =	sdelay $0x1  }
0x11: {  	s4 =	simm.s32 $_scs_section_size  }
0x12: {  	s5 =	simm.s32 $_size__tile_overlayer_lowered;
	s6 =	simm.s32 $_tile_overlayer_lowered  }
0x13: {  	s23 =	simm.s32 $0x1BFF;
	s22 =	sshll.u32 s6, $0x1;
	s3 =	sadd.s32 s4, s20  }
0x14: {  	s7 =	simm.s32 $0x0;
	s21 =	sshll.u32 s5, $0x1;
	s5 =	sadd.s32 s22, s3  }
0x15: {  	[timem:s7], [sflag:s23] =	dma.local [hbm:s5], s21  }
0x16: {  	_ =	swait.ge [sflag:s23], s21  }
0x17: {  	s4 =	ssub.s32 $0x0, s21;
	[sflag:s23] =	ssyncset.done $0x0  }
0x18: {  	[sflag:s23] =	ssyncadd.s32 s4;
	_ =	sdelay $0x1  }
0x19: {  	s24 =	simm.s32 $0x1B8B  }
0x1a: {  	_ =	swait.ge [sflag:s24], $0x1  }
0x1b: {  	[sflag:s24] =	ssyncset.done $0x0  }
0x1c: {  	s26 =	simm.s32 $0x1B8E;
	s25 =	sld [smem:$0x3FFE];
	[sflag:s24] =	ssyncadd.s32 $0xFFFFFFFF  }
0x1d: {  	s27 =	simm.s32 $execute0_lowered;
	[smem:$0x3FD2] =	sst s26  }
0x1e: {  	s5 =	sshll.u32 s27, $0x1;
	_ =	strace $0x80000046;
	[dreg:$0x1] =	wrdreg $0xFFFFFFFF  }
0x1f: {  	s28 =	simm.s32 $_size_execute0_lowered;
	s3 =	sadd.s32 s3, s5;
	[dreg:$0x0] =	wrdreg $0x0  }
0x20: {  	s5 =	sshll.u32 s28, $0x1;
	[dreg:$0x2] =	wrdreg s3  }
0x21: {  	[dreg:$0x3] =	wrdreg s5  }
0x22: {  	[dreg:$0x4] =	wrdreg $0xC0  }
0x23: {  	_ =	task [dreg:s7], $0x5FFFF  }
0x24: {  	[dreg:$0x1] =	wrdreg $0xFFFFFFFF  }
0x25: {  	[dreg:$0x0] =	wrdreg $0x60  }
0x26: {  	[dreg:$0x2] =	wrdreg s2  }
0x27: {  	[dreg:$0x3] =	wrdreg s25  }
0x28: {  	[dreg:$0x4] =	wrdreg $0x9  }
0x29: {  	_ =	task.clear_ibuf [dreg:s7], $0x5FFFF;
	_ =	strace $0x90000046  }
0x2a: {  	s29 =	simm.s32 $0x9;
	_ =	strace $0x80000048  }
0x2b: {  	_ =	swait.ge [sflag:s29], $0x1  }
0x2c: {  	[sflag:s29] =	ssyncadd.s32 $0xFFFFFFFF  }
0x2d: {  	_ =	strace $0x90000048  }
0x2e: {  	_ =	sfence  }
0x2f: {  	s30 =	sld [smem:$0x0];
	_ =	sdelay $0x2  }
0x30: {  	s31 =	sshll.u32 s1, $0xD;
	s1 =	sshrl.u32 s1, $0x2  }
0x31: {  	s3 =	sand.u32 $0x4000, s31;
	s1 =	sadd.s32 s1, s30  }
0x32: {  	s0 =	sor.u32 s3, s0;
	s1 =	sshll.u32 s1, $0x11  }
0x33: {  	s0 =	sor.u32 s1, s0  }
0x34: {  	s0 =	sadd.s32 $0x8F2B, s0  }
0x35: {  	[sflag:s0] =	ssyncadd.remote.s32 $0x1  }
0x36: {  	_ =	sfence.sel $0xFFFF  }
0x37: {  	[dreg:$0x0] =	wrdreg $0xFFFFFFFF;
	(pc) =	sbr.abs _section_cstart, $3  }
0x38: {  	[dreg:$0x1] =	wrdreg $0xFFFFFFFF  }
0x39: {  	_ =	task.clear_ibuf [dreg:s7], $0x2FFFF;
	_ =	strace $0x9FFFFFFF  }
0x3a: {  	(tm) =	ssettm $0x7FFFFFFF  }
0x3b: {  	_ =	shalt  }
tec
execute0_lowered:
.L_overlay_start_1:
0x0: {  	(tag) =	ssettag $0x1  }
0x1: {  	s0 =	srdreg.scid;
	s2 =	rddreg [dreg:$0x0]  }
0x2: {  	s5 =	rddreg [dreg:$0x1];
	s1 =	stileid.u32  }
0x3: {  	s4 =	simm.s32 $0x1;
	s6 =	simm.s32 $0x2;
	s15 =	simm.s32 $0x0  }
0x4: {  	p0 =	por $0x0, $0x0;
	s8 =	simm.s32 $0x80;
	s0 =	sshll.u32 s0, $0x4  }
0x5: {  	s14 =	simm.s32 $0x0;
	s9 =	simm.s32 $0x0;
	s3 =	sand.u32 $0x10, s0  }
.Ltmp0:
0x6: {  	s10 =	simm.s32 $0x0;
	s3 =	sor.u32 s1, s3;
	(pc) =	sbr.rel .LBB1_1-.Ltmp0, $4  }
0x7: {  	s0 =	rddreg [dreg:$0x2];
	_ =	strace $0x80000047;
	s3 =	sshll.u32 s3, $0x7  }
0x8: {  	s12 =	simm.s32 $0x0;
	[sflag:s4] =	ssyncpa.u1 $0x0;
	s7 =	ssub.s32 $0xF4200, s3  }
0x9: {  	s13 =	simm.s32 $0x0;
	[sflag:s6] =	ssyncpa.u1 $0x0;
	s6 =	sshrl.u32 s7, $0xC  }
0xa: {  	s5 =	sadd.s32 $0xE00, s5;
	s11 =	smov.u32 s3;
	s7 =	sadd.s32 $0x2, s6  }
.LBB1_5:
0xb: {  	p1 =	slt.u32 s13, $0x2  }
0xc: {  	s17 =	smov.u32 s15;
	p2 =	sgt.s32 @!p1 s15, $0xF41C0;
	s16 =	sshra.s32 @!p1 s15, $0x1F  }
0xd: {  	p3 =	sgt.s32 @!p1 s14, $0x40;
	s18 =	sshra.s32 @!p1 s14, $0x1F;
	p2 =	por !p2, p1  }
0xe: {  	s15 =	sand.u32 @!p1 s16, s15;
	p3 =	por !p3, p1;
	s16 =	smov.u32 s14  }
0xf: {  	s14 =	sand.u32 @!p1 s18, s14;
	s17 =	simm.s32 @p2 $0xF41C0;
	s16 =	simm.s32 @p3 $0x40  }
0x10: {  	s15 =	ssub.s32 @!p1 s17, s15;
	s14 =	ssub.s32 @!p1 s16, s14  }
0x11: {  	s18 =	smov.u32 s12;
	s16 =	sadd.s32 @!p1 $0xFFF0BE40, s15;
	s17 =	sadd.s32 @!p1 $0xFFFFFFC0, s14  }
0x12: {  	s15 =	ssub.s32 @!p1 $0xF4240, s15;
	p2 =	sgt.s32 @!p1 s16, $0x7F;
	p3 =	sgt.s32 @!p1 s17, $0x3F  }
0x13: {  	s14 =	ssub.s32 @!p1 $0x80, s14;
	p2 =	por !p2, p1;
	p3 =	por !p3, p1  }
0x14: {  	s16 =	sadd.s32 $0x1000, s11;
	s15 =	simm.s32 @!p2 $0x0;
	s14 =	simm.s32 @!p3 $0x0  }
0x15: {  	p2 =	sgt.s32 s16, $0xF423F;
	s14 =	smul.u32 @!p1 s14, s15;
	s15 =	sadd.s32 $0x40, s12  }
0x16: {  	s18 =	smov.u32 @p2 s15  }
0x17: {  	s16 =	smov.u32 @p2 s3;
	p2 =	sgt.s32 s18, $0x3F  }
0x18: {  	s18 =	simm.s32 @p2 $0x0;
	p2 =	sne.s32 s13, s7  }
.Ltmp1:
0x19: {  	p0 =	por !p0, !p0;
	s17 =	simm.s32 @!p1 $0x2;
	(pc) =	sbr.rel @!p2 .LBB1_6-.Ltmp1, $4  }
0x1a: {  	s15 =	smov.u32 s9;
	s9 =	smov.u32 s11;
	s14 =	sand.u32 @!p1 $0x3FFFFFFF, s14  }
0x1b: {  	s11 =	smov.u32 s16;
	_ =	swait.ge @!p1 [sflag:s17], s14;
	s19 =	ssub.s32 @!p1 $0x0, s14  }
0x1c: {  	s14 =	smov.u32 s10;
	s13 =	sadd.s32 $0x1, s13;
	[sflag:s17] =	ssyncset.done @!p1 $0x0  }
0x1d: {  	s10 =	smov.u32 s12;
	s12 =	smov.u32 s18;
	[sflag:s17] =	ssyncadd.s32 @!p1 s19  }
.LBB1_1:
0x1e: {  	p1 =	sgt.u32 s13, s6  }
0x1f: {  	s16 =	sshrl.u32 @!p1 s12, $0x3  }
0x20: {  	s17 =	sshll.u32 @!p1 s11, $0x3;
	s16 =	smul.u32 @!p1 $0x7A1400, s16  }
0x21: {  	s18 =	sshll.u32 @!p1 s12, $0x7;
	s17 =	sand.u32 @!p1 $0xFFFFFC00, s17  }
0x22: {  	s16 =	sadd.s32 @!p1 s16, s17;
	s17 =	sand.u32 @!p1 $0x380, s18  }
0x23: {  	s18 =	sand.u32 @!p1 $0x7F, s11;
	s16 =	sor.u32 @!p1 s17, s16  }
0x24: {  	s17 =	sor.u32 @!p1 s18, s16  }
0x25: {  	s18 =	smulhi.u32 @!p1 $0x218D6287, s17;
	_ =	sdelay $0x1  }
0x26: {  	s16 =	smulhi.u32 @!p1 $0x218D6287, s16;
	s18 =	sshrl.u32 @!p1 s18, $0x11  }
0x27: {  	s18 =	smul.u32 @!p1 $0xF4280, s18  }
0x28: {  	s19 =	sxor.u32 @!p1 $0xFFFFFFFF, s13;
	s16 =	sshrl.u32 @!p1 s16, $0x11  }
0x29: {  	s19 =	sshll.u32 @!p1 s19, $0xD;
	s16 =	sand.u32 @!p1 $0x3F, s16;
	s17 =	ssub.s32 @!p1 s17, s18  }
0x2a: {  	s16 =	smul.u32 @!p1 $0x1E850, s16;
	s18 =	sshrl.u32 @!p1 s17, $0x3;
	s17 =	sand.u32 @!p1 $0x7, s17  }
0x2b: {  	s19 =	sand.u32 @!p1 $0x2000, s19;
	s18 =	sadd.s32 @!p1 s2, s18;
	s17 =	sshll.u32 @!p1 s17, $0x12  }
0x2c: {  	s16 =	sadd.s32 @!p1 s16, s18;
	s17 =	sor.u32 @!p1 $0x400, s17;
	s18 =	simm.s32 @!p1 $0x7A1400  }
0x2d: {  	[tilespmem:s19], [sflag:$0x1] =	stream.strided.gather @!p1 [hbm4b:s16+s17], $0x2000, s18, s17, $0x38;
	[tilespmem:$0x8100] =	vst v63  }
0x2e: {  	p1 =	seq.s32 s13, $0x0  }
0x2f: {  	p2 =	sge.u32 @!p1 s13, s7  }
0x30: {  	p1 =	por p1, p2  }
.Ltmp2:
0x31: {  	_ = 	snop;
	(pc) =	sbr.rel @p1 .LBB1_5-.Ltmp2, $1  }
0x32: {  	_ =	sdelay $0x3  }
0x33: {  	s16 =	simm.s32 $0x1  }
0x34: {  	_ =	swait.ge [sflag:s4], $0x2000;
	s16 =	simm.s32 @!p0 $0x0  }
0x35: {  	[sflag:s4] =	ssyncset.done $0x0;
	s17 =	sshll.u32 s16, $0xD  }
0x36: {  	[sflag:s4] =	ssyncadd.s32 $0xFFFFE000;
	s17 =	sor.u32 $0x40, s17  }
0x37: {  	s16 =	smul.u32 $0x8200, s16;
	v0 =	vld [tilespmem:s17+$0x30]  }
0x38: {  	v1 =	vld [tilespmem:s17+$0xFFFFFFD0]  }
0x39: {  	s16 =	sshrl.u32 s16, $0x2;
	v5 =	vld [tilespmem:s17+$0xFFFFFFE0]  }
0x3a: {  	v6 =	vld [tilespmem:s17+$0xFFFFFFF0];
	s19 =	sor.u32 $0x4000, s16  }
0x3b: {  	s31 =	sand.u32 $0x1, s13;
	v4 =	vld [tilespmem:s17+$0x0];
	s18 =	sadd.s32 $0x0, s19  }
0x3c: {  	v3 =	vld [tilespmem:s17+$0x10];
	s16 =	smul.u32 $0x8200, s31;
	[tilespmem:s18+$0x1C70 ss:$0x41] =	vst.msk $0xffff, v0  }
0x3d: {  	v2 =	vld [tilespmem:s17+$0x20];
	[tilespmem:s18+$0x410 ss:$0x41] =	vst.msk $0xffff, v1  }
0x3e: {  	s16 =	sshrl.u32 s16, $0x2;
	v1 =	vld [tilespmem:s17+$0xFFFFFFC0];
	[tilespmem:s18+$0x820 ss:$0x41] =	vst.msk $0xffff, v5;
	s17 =	sadd.s32 $0x80, s17  }
0x3f: {  	s20 =	simm.s32 $0x4;
	s21 =	simm.s32 $0x8;
	s16 =	sor.u32 $0x4000, s16;
	[tilespmem:s18+$0xC30 ss:$0x41] =	vst.msk $0xffff, v6;
	v0 =	vld [tilespmem:s17+$0x30]  }
.LBB1_3:
0x40: {  	p1 =	sne.s32 s21, $0xFC;
	v5 =	vld [tilespmem:s17+$0xFFFFFFD0];
	[tilespmem:s18+$0x1040 ss:$0x41] =	vst.msk $0xffff, v4  }
0x41: {  	v6 =	vld [tilespmem:s17+$0xFFFFFFE0];
	[tilespmem:s18+$0x1450 ss:$0x41] =	vst.msk $0xffff, v3  }
0x42: {  	s22 =	sshra.s32 s20, $0x2;
	s20 =	smov.u32 s21;
	v7 =	vld [tilespmem:s17+$0xFFFFFFF0];
	[tilespmem:s18+$0x1860 ss:$0x41] =	vst.msk $0xffff, v2  }
.Ltmp3:
0x43: {  	v4 =	vld [tilespmem:s17+$0x0];
	[tilespmem:s18+$0x0 ss:$0x41] =	vst.msk $0xffff, v1;
	s18 =	sadd.s32 s22, s19;
	(pc) =	sbr.rel @p1 .LBB1_3-.Ltmp3, $4  }
0x44: {  	v3 =	vld [tilespmem:s17+$0x10];
	[tilespmem:s18+$0x1C70 ss:$0x41] =	vst.msk $0xffff, v0  }
0x45: {  	[tilespmem:s18+$0x410 ss:$0x41] =	vst.msk $0xffff, v5;
	v2 =	vld [tilespmem:s17+$0x20]  }
0x46: {  	v1 =	vld [tilespmem:s17+$0xFFFFFFC0];
	[tilespmem:s18+$0x820 ss:$0x41] =	vst.msk $0xffff, v6;
	s17 =	sadd.s32 $0x80, s17  }
0x47: {  	s21 =	sadd.s32 $0x4, s21;
	v0 =	vld [tilespmem:s17+$0x30];
	[tilespmem:s18+$0xC30 ss:$0x41] =	vst.msk $0xffff, v7  }
0x48: {  	s21 =	sshll.u32 s9, $0x7;
	s22 =	sshll.u32 s10, $0x3;
	s20 =	sshra.s32 s20, $0x2  }
0x49: {  	p1 =	sgt.s32 s9, $0xF41C0;
	s30 =	sshra.s32 s9, $0x1F;
	s25 =	sshra.s32 s10, $0x1F  }
0x4a: {  	v5 =	vld [tilespmem:s17+$0xFFFFFFD0];
	s28 =	sshrl.u32 s10, $0x3;
	s23 =	sand.u32 $0xFFFFFC00, s21;
	s22 =	sand.u32 $0xFFFFFC00, s22  }
0x4b: {  	[tilespmem:s18+$0x1040 ss:$0x41] =	vst.msk $0xffff, v4;
	v58 =	vld [tilespmem:s17+$0xFFFFFFE0];
	s21 =	sand.u32 $0x380, s21;
	s19 =	sadd.s32 s20, s19;
	s22 =	sadd.s32 s22, s23  }
0x4c: {  	v59 =	vld [tilespmem:s17+$0xFFFFFFF0];
	[tilespmem:s18+$0x1450 ss:$0x41] =	vst.msk $0xffff, v3;
	s29 =	sor.u32 s21, s22;
	s21 =	smov.u32 s9;
	s22 =	sand.u32 s30, s9  }
0x4d: {  	v60 =	vld [tilespmem:s17+$0x0];
	[tilespmem:s18+$0x1860 ss:$0x41] =	vst.msk $0xffff, v2;
	s30 =	sand.u32 $0x7, s10;
	s20 =	sshrl.u32 s29, $0x7;
	s21 =	simm.s32 @!p1 $0xF41C0  }
0x4e: {  	v61 =	vld [tilespmem:s17+$0x10];
	[tilespmem:s18+$0x0 ss:$0x41] =	vst.msk $0xffff, v1;
	p1 =	sgt.s32 s10, $0x40;
	s24 =	ssub.s32 s21, s22;
	s21 =	smov.u32 s10  }
0x4f: {  	v62 =	vld [tilespmem:s17+$0x20];
	[tilespmem:s19+$0x1C70 ss:$0x41] =	vst.msk $0xffff, v0;
	s31 =	smulhi.u32 $0x218DEF5, s20;
	s22 =	sand.u32 s25, s10;
	s21 =	simm.s32 @!p1 $0x40  }
0x50: {  	v63 =	vld [tilespmem:s17+$0xFFFFFFC0];
	[tilespmem:s19+$0x410 ss:$0x41] =	vst.msk $0xffff, v5;
	s26 =	sadd.s32 $0xFFF0BE40, s24;
	s17 =	ssub.s32 $0xF4240, s24;
	s21 =	ssub.s32 s21, s22  }
0x51: {  	[tilespmem:s19+$0x820 ss:$0x41] =	vst.msk $0xffff, v58;
	s23 =	sshrl.u32 s31, $0xD;
	p1 =	sgt.s32 s26, $0x7F;
	s27 =	sadd.s32 $0xFFFFFFC0, s21  }
0x52: {  	[tilespmem:s19+$0xC30 ss:$0x41] =	vst.msk $0xffff, v59;
	s23 =	smul.u32 $0xF4240, s23;
	s18 =	ssub.s32 $0x80, s21;
	p2 =	sgt.s32 s27, $0x3F  }
.Ltmp4:
0x53: {  	[tilespmem:s19+$0x1040 ss:$0x41] =	vst.msk $0xffff, v60;
	s17 =	simm.s32 @p1 $0x0;
	s18 =	simm.s32 @p2 $0x0;
	(pc) =	sbr.rel .LBB1_5-.Ltmp4, $4  }
0x54: {  	s29 =	sand.u32 $0xF, s28;
	[tilespmem:s19+$0x1450 ss:$0x41] =	vst.msk $0xffff, v61;
	s20 =	ssub.s32 s20, s23;
	s17 =	smul.u32 s18, s17  }
0x55: {  	[tilespmem:s19+$0x1860 ss:$0x41] =	vst.msk $0xffff, v62;
	s21 =	sshll.u32 s30, $0x12;
	s20 =	sshll.u32 s20, $0x4;
	s18 =	sadd.s32 s5, s29  }
0x56: {  	[tilespmem:s19+$0x0 ss:$0x41] =	vst.msk $0xffff, v63;
	s31 =	sor.u32 $0x40, s21;
	s18 =	sadd.s32 s20, s18;
	s17 =	sand.u32 $0x3FFFFFFF, s17  }
0x57: {  	[hbm4b:s18+s31] =	stream.strided.scatter [tilespmem:s16], [sflag:$0x2], s17, s8, s31, $0x18;
	[tilespmem:$0x8100] =	vst v63  }
.LBB1_6:
0x58: {  	_ =	sfence.sel $0x180000  }
0x59: {  	s2 =	simm.s32 $0x1;
	[bflag:$0x0] =	sbarrier.arrive $0xFFFF  }
0x5a: {  	s31 =	simm.s32 $0x2;
	[sflag:s2] =	ssyncpa.u1 $0x1  }
0x5b: {  	[sflag:s31] =	ssyncpa.u1 $0x1  }
0x5c: {  	p0 =	sne.s32 s1, $0x0;
	_ =	strace $0x90000047  }
0x5d: {  	s0 =	sadd.s32 @!p0 $0x100000, s0;
	[bflag:$0x2] =	sbarrier.arrive $0xFFFF  }
0x5e: {  	[sflag:s0] =	ssyncadd.tile.s32 @!p0 $0x1;
	_ =	shalt  }
.Lfunc_end1:
_tile_overlayer_lowered:
.L_overlay_start_2:
0x5f: {  	(tag) =	ssettag $0x2  }
0x60: {  	s0 =	rddreg [dreg:$0x0];
	s2 =	stileid.u32  }
0x61: {  	s1 =	rddreg [dreg:$0x1];
	p0 =	sne.s32 s2, $0x0  }
0x62: {  	s3 =	rddreg [dreg:$0x2];
	[bflag:$0x3] =	sbarrier.arrive $0xFFFF;
	s2 =	simm.s32 @!p0 $0x1C01  }
0x63: {  	[timem:s3], [sflag:s2] =	dma.local @!p0 [hbm:s0], s1  }
0x64: {  	s0 =	simm.s32 @!p0 $0x1  }
0x65: {  	_ =	swait.ge @!p0 [sflag:s0], s1  }
0x66: {  	s1 =	ssub.s32 @!p0 $0x0, s1;
	[sflag:s0] =	ssyncset.done @!p0 $0x0  }
0x67: {  	[sflag:s0] =	ssyncadd.s32 @!p0 s1  }
0x68: {  	[bflag:$0x3] =	sbarrier.arrive $0xFFFF  }
0x69: {  	_ =	shalt  }

// kernel: sparse-core-data-format-call.cloned.1.call-start
scs
called_computation_lowered:
.L_overlay_start_0:
0x0: {  	s2 =	sld [smem:$0x3FD9]  }
0x1: {  	s3 =	sld [smem:$0x3FFE];
	_ =	sdelay $0x1  }
0x2: {  	s1 =	srdreg.scid  }
0x3: {  	s0 =	sand.u32 $0x1, s1  }
0x4: {  	s18 =	sshll.u32 s0, $0xA;
	s2 =	sadd.s32 s3, s2  }
0x5: {  	s2 =	sadd.s32 s2, s18  }
0x6: {  	[smem:$0x3FC6] =	sst s2  }
0x7: {  	_ = 	snop  }
0x8: {  	s2 =	sld [smem:$0x3FD0];
	(tm) =	ssettm $0x1  }
0x9: {  	s19 =	sld [smem:$0x3FFB];
	_ =	sdelay $0x3  }
0xa: {  	_ =	strace s19  }
0xb: {  	s3 =	sld [smem:$0x3FFC];
	_ =	sdelay $0x3  }
0xc: {  	_ =	strace s3  }
0xd: {  	s3 =	sld [smem:$0x3FFD];
	_ =	sdelay $0x3  }
0xe: {  	_ =	strace s3  }
0xf: {  	_ =	strace $0x8FFFFFFF  }
0x10: {  	s20 =	sld [smem:$0x3FDB];
	_ =	sdelay $0x1  }
0x11: {  	s4 =	simm.s32 $_scs_section_size  }
0x12: {  	s5 =	simm.s32 $_size__tile_overlayer_lowered;
	s6 =	simm.s32 $_tile_overlayer_lowered  }
0x13: {  	s23 =	simm.s32 $0x1BFF;
	s22 =	sshll.u32 s6, $0x1;
	s3 =	sadd.s32 s4, s20  }
0x14: {  	s7 =	simm.s32 $0x0;
	s21 =	sshll.u32 s5, $0x1;
	s5 =	sadd.s32 s22, s3  }
0x15: {  	[timem:s7], [sflag:s23] =	dma.local [hbm:s5], s21  }
0x16: {  	_ =	swait.ge [sflag:s23], s21  }
0x17: {  	s4 =	ssub.s32 $0x0, s21;
	[sflag:s23] =	ssyncset.done $0x0  }
0x18: {  	[sflag:s23] =	ssyncadd.s32 s4;
	_ =	sdelay $0x1  }
0x19: {  	s24 =	simm.s32 $0x1B8B  }
0x1a: {  	_ =	swait.ge [sflag:s24], $0x1  }
0x1b: {  	[sflag:s24] =	ssyncset.done $0x0  }
0x1c: {  	s26 =	simm.s32 $0x1B8E;
	s25 =	sld [smem:$0x3FFE];
	[sflag:s24] =	ssyncadd.s32 $0xFFFFFFFF  }
0x1d: {  	s27 =	simm.s32 $execute0_lowered;
	[smem:$0x3FD2] =	sst s26  }
0x1e: {  	s5 =	sshll.u32 s27, $0x1;
	_ =	strace $0x8000004C;
	[dreg:$0x1] =	wrdreg $0xFFFFFFFF  }
0x1f: {  	s28 =	simm.s32 $_size_execute0_lowered;
	s3 =	sadd.s32 s3, s5;
	[dreg:$0x0] =	wrdreg $0x0  }
0x20: {  	s5 =	sshll.u32 s28, $0x1;
	[dreg:$0x2] =	wrdreg s3  }
0x21: {  	[dreg:$0x3] =	wrdreg s5  }
0x22: {  	[dreg:$0x4] =	wrdreg $0xC0  }
0x23: {  	_ =	task [dreg:s7], $0x5FFFF  }
0x24: {  	[dreg:$0x1] =	wrdreg $0xFFFFFFFF  }
0x25: {  	[dreg:$0x0] =	wrdreg $0x60  }
0x26: {  	[dreg:$0x2] =	wrdreg s25  }
0x27: {  	[dreg:$0x3] =	wrdreg s2  }
0x28: {  	[dreg:$0x4] =	wrdreg $0x9  }
0x29: {  	_ =	task.clear_ibuf [dreg:s7], $0x5FFFF;
	_ =	strace $0x9000004C  }
0x2a: {  	s29 =	simm.s32 $0x9;
	_ =	strace $0x8000004E  }
0x2b: {  	_ =	swait.ge [sflag:s29], $0x1  }
0x2c: {  	[sflag:s29] =	ssyncadd.s32 $0xFFFFFFFF  }
0x2d: {  	_ =	strace $0x9000004E  }
0x2e: {  	_ =	sfence  }
0x2f: {  	s30 =	sld [smem:$0x0];
	_ =	sdelay $0x2  }
0x30: {  	s31 =	sshll.u32 s1, $0xD;
	s1 =	sshrl.u32 s1, $0x2  }
0x31: {  	s3 =	sand.u32 $0x4000, s31;
	s1 =	sadd.s32 s1, s30  }
0x32: {  	s0 =	sor.u32 s3, s0;
	s1 =	sshll.u32 s1, $0x11  }
0x33: {  	s0 =	sor.u32 s1, s0  }
0x34: {  	s0 =	sadd.s32 $0x8F2B, s0  }
0x35: {  	[sflag:s0] =	ssyncadd.remote.s32 $0x1  }
0x36: {  	_ =	sfence.sel $0xFFFF  }
0x37: {  	[dreg:$0x0] =	wrdreg $0xFFFFFFFF;
	(pc) =	sbr.abs _section_cstart, $3  }
0x38: {  	[dreg:$0x1] =	wrdreg $0xFFFFFFFF  }
0x39: {  	_ =	task.clear_ibuf [dreg:s7], $0x2FFFF;
	_ =	strace $0x9FFFFFFF  }
0x3a: {  	(tm) =	ssettm $0x7FFFFFFF  }
0x3b: {  	_ =	shalt  }
tec
execute0_lowered:
.L_overlay_start_1:
0x0: {  	(tag) =	ssettag $0x1  }
0x1: {  	s0 =	srdreg.scid  }
0x2: {  	s1 =	sshll.u32 s0, $0x4  }
0x3: {  	s0 =	stileid.u32;
	s1 =	sand.u32 $0x10, s1  }
0x4: {  	s1 =	sor.u32 s0, s1  }
0x5: {  	s6 =	rddreg [dreg:$0x0];
	s4 =	simm.s32 $0x1;
	s2 =	sshll.u32 s1, $0x7  }
0x6: {  	s7 =	simm.s32 $0x2;
	s12 =	simm.s32 $0x0;
	s1 =	ssub.s32 $0x4000, s2  }
0x7: {  	s8 =	simm.s32 $0x20000;
	s13 =	simm.s32 $0x0;
	s3 =	sand.u32 $0xF80, s1  }
0x8: {  	s9 =	simm.s32 $0x0;
	s5 =	sshrl.u32 s1, $0xC;
	p0 =	sne.s32 s3, $0x0  }
.Ltmp0:
0x9: {  	s1 =	rddreg [dreg:$0x2];
	s4 =	simm.s32 @!p0 $0x0;
	(pc) =	sbr.rel .LBB1_1-.Ltmp0, $4  }
0xa: {  	s11 =	simm.s32 $0x0;
	s3 =	rddreg [dreg:$0x1];
	s5 =	sadd.s32 s4, s5  }
0xb: {  	_ =	strace $0x8000004D;
	s4 =	simm.s32 $0x1;
	s5 =	smul.u32 $0x32, s5  }
0xc: {  	s6 =	sadd.s32 $0xE00, s6;
	s10 =	smov.u32 s2;
	[sflag:s4] =	ssyncpa.u1 $0x0  }
0xd: {  	p0 =	por $0x0, $0x0;
	[sflag:s7] =	ssyncpa.u1 $0x0;
	s7 =	sor.u32 $0x1, s5  }
.LBB1_4:
0xe: {  	s16 =	sshll.u32 s13, $0x3;
	s17 =	sand.u32 $0x78, s13  }
0xf: {  	s30 =	sand.u32 $0x1F800, s13;
	s12 =	sshll.u32 s12, $0x11;
	s16 =	sand.u32 $0x3C00, s16  }
0x10: {  	[tilespmem:s15+$0x810 ss:$0x81] =	vst.msk $0xffff, v2;
	s31 =	sand.u32 $0x7, s13;
	s16 =	sor.u32 s17, s16;
	s17 =	sadd.s32 s3, s30  }
0x11: {  	[tilespmem:s15+$0x1020 ss:$0x81] =	vst.msk $0xffff, v0;
	s13 =	sshll.u32 s31, $0x12;
	s12 =	sadd.s32 s12, s17;
	s16 =	sshrl.u32 s16, $0x3  }
0x12: {  	[tilespmem:s15+$0x0 ss:$0x81] =	vst.msk $0xffff, v1;
	s13 =	sor.u32 $0x400, s13;
	s12 =	sadd.s32 s16, s12  }
0x13: {  	[hbm4b:s12+s13] =	stream.strided.scatter [tilespmem:s14], [sflag:$0x2], $0x2000, s8, s13, $0x20;
	[tilespmem:$0x8080] =	vst v63  }
.LBB1_5:
0x14: {  	s14 =	sadd.s32 $0x1, s9  }
0x15: {  	s12 =	sadd.s32 $0x1000, s10;
	s16 =	smov.u32 s10;
	p2 =	sgt.s32 s14, $0x31  }
0x16: {  	s16 =	smov.u32 @p2 s12  }
0x17: {  	s14 =	simm.s32 @p2 $0x0;
	p2 =	sgt.s32 s16, $0x3FFF  }
0x18: {  	s16 =	smov.u32 @p2 s2;
	p2 =	sne.s32 s11, s7  }
.Ltmp1:
0x19: {  	p1 =	slt.u32 s11, $0x2;
	(pc) =	sbr.rel @!p2 .LBB1_6-.Ltmp1, $4  }
0x1a: {  	s15 =	simm.s32 @!p1 $0x2  }
0x1b: {  	s13 =	smov.u32 s10;
	p0 =	por !p0, !p0;
	_ =	swait.ge @!p1 [sflag:s15], $0x2000  }
0x1c: {  	s12 =	smov.u32 s9;
	[sflag:s15] =	ssyncset.done @!p1 $0x0;
	s9 =	smov.u32 s14  }
0x1d: {  	s11 =	sadd.s32 $0x1, s11;
	[sflag:s15] =	ssyncadd.s32 @!p1 $0xFFFFE000;
	s10 =	smov.u32 s16  }
.LBB1_1:
0x1e: {  	p1 =	sge.u32 s11, s5  }
0x1f: {  	s14 =	sand.u32 @!p1 $0x1FFFFFF, s9  }
0x20: {  	s15 =	smulhi.u32 @!p1 $0x4924925, s14;
	_ =	sdelay $0x1  }
0x21: {  	s15 =	smul.u32 @!p1 $0x38, s15  }
0x22: {  	s16 =	sxor.u32 @!p1 $0xFFFFFFFF, s11;
	s17 =	smul.u32 @!p1 $0x380, s10  }
0x23: {  	s31 =	sadd.s32 $0xFFFFFFFF, s11;
	s16 =	sshll.u32 @!p1 s16, $0xD;
	s14 =	ssub.s32 @!p1 s14, s15  }
0x24: {  	s15 =	sand.u32 @!p1 $0x2000, s16;
	s16 =	sadd.s32 @!p1 s6, s17;
	s14 =	sshll.u32 @!p1 s14, $0x4  }
0x25: {  	s17 =	simm.s32 @!p1 $0x1C00;
	s14 =	sadd.s32 @!p1 s14, s16;
	s16 =	simm.s32 @!p1 $0x40  }
0x26: {  	[tilespmem:s15], [sflag:$0x1] =	stream.strided.gather @!p1 [hbm4b:s14+s16], $0x2000, s17, s16, $0x38;
	[tilespmem:$0x8080] =	vst v63  }
0x27: {  	p1 =	sge.u32 s31, s5  }
.Ltmp2:
0x28: {  	_ = 	snop;
	(pc) =	sbr.rel @p1 .LBB1_5-.Ltmp2, $1  }
0x29: {  	_ =	sdelay $0x3  }
0x2a: {  	s14 =	simm.s32 $0x1  }
0x2b: {  	_ =	swait.ge [sflag:s4], $0x2000;
	s14 =	simm.s32 @!p0 $0x0  }
0x2c: {  	[sflag:s4] =	ssyncset.done $0x0;
	s15 =	sshll.u32 s14, $0xD  }
0x2d: {  	[sflag:s4] =	ssyncadd.s32 $0xFFFFE000;
	s18 =	sor.u32 $0x20, s15  }
0x2e: {  	s14 =	smul.u32 $0x8100, s14;
	v3 =	vld [tilespmem:s18+$0x10]  }
0x2f: {  	s30 =	sand.u32 $0x1, s11;
	v2 =	vld [tilespmem:s18+$0xFFFFFFF0]  }
0x30: {  	s15 =	smul.u32 $0x8100, s30;
	s14 =	sshrl.u32 s14, $0x2;
	v0 =	vld [tilespmem:s18+$0x0]  }
0x31: {  	v1 =	vld [tilespmem:s18+$0xFFFFFFE0];
	s16 =	sor.u32 $0x4000, s14  }
0x32: {  	s31 =	sshrl.u32 s15, $0x2;
	s15 =	sadd.s32 $0x0, s16  }
0x33: {  	s17 =	simm.s32 $0x4;
	s18 =	sadd.s32 $0x40, s18;
	s14 =	sor.u32 $0x4000, s31;
	[tilespmem:s15+$0x1830 ss:$0x81] =	vst.msk $0xffff, v3  }
.LBB1_3:
0x34: {  	v3 =	vld [tilespmem:s18+$0x10];
	p1 =	sne.s32 s17, $0x1FC;
	[tilespmem:s15+$0x810 ss:$0x81] =	vst.msk $0xffff, v2;
	s19 =	smov.u32 s17;
	s17 =	sadd.s32 $0x4, s17  }
.Ltmp3:
0x35: {  	v2 =	vld [tilespmem:s18+$0xFFFFFFF0];
	[tilespmem:s15+$0x1020 ss:$0x81] =	vst.msk $0xffff, v0;
	(pc) =	sbr.rel @p1 .LBB1_3-.Ltmp3, $4  }
0x36: {  	v0 =	vld [tilespmem:s18+$0x0];
	[tilespmem:s15+$0x0 ss:$0x81] =	vst.msk $0xffff, v1  }
0x37: {  	s15 =	sshra.s32 s19, $0x2;
	v1 =	vld [tilespmem:s18+$0xFFFFFFE0]  }
0x38: {  	s15 =	sadd.s32 s15, s16  }
0x39: {  	s18 =	sadd.s32 $0x40, s18;
	[tilespmem:s15+$0x1830 ss:$0x81] =	vst.msk $0xffff, v3  }
.Ltmp4:
0x3a: {  	_ = 	snop;
	(pc) =	sbr.rel .LBB1_4-.Ltmp4, $1  }
0x3b: {  	_ =	sdelay $0x3  }
.LBB1_6:
0x3c: {  	_ =	sfence.sel $0x180000  }
0x3d: {  	s2 =	simm.s32 $0x1;
	[bflag:$0x0] =	sbarrier.arrive $0xFFFF  }
0x3e: {  	s31 =	simm.s32 $0x2;
	[sflag:s2] =	ssyncpa.u1 $0x1  }
0x3f: {  	[sflag:s31] =	ssyncpa.u1 $0x1  }
0x40: {  	p0 =	sne.s32 s0, $0x0;
	_ =	strace $0x9000004D  }
0x41: {  	s0 =	sadd.s32 @!p0 $0x100000, s1;
	[bflag:$0x2] =	sbarrier.arrive $0xFFFF  }
0x42: {  	[sflag:s0] =	ssyncadd.tile.s32 @!p0 $0x1;
	_ =	shalt  }
.Lfunc_end1:
_tile_overlayer_lowered:
.L_overlay_start_2:
0x43: {  	(tag) =	ssettag $0x2  }
0x44: {  	s0 =	rddreg [dreg:$0x0];
	s2 =	stileid.u32  }
0x45: {  	s1 =	rddreg [dreg:$0x1];
	p0 =	sne.s32 s2, $0x0  }
0x46: {  	s3 =	rddreg [dreg:$0x2];
	[bflag:$0x3] =	sbarrier.arrive $0xFFFF;
	s2 =	simm.s32 @!p0 $0x1C01  }
0x47: {  	[timem:s3], [sflag:s2] =	dma.local @!p0 [hbm:s0], s1  }
0x48: {  	s0 =	simm.s32 @!p0 $0x1  }
0x49: {  	_ =	swait.ge @!p0 [sflag:s0], s1  }
0x4a: {  	s1 =	ssub.s32 @!p0 $0x0, s1;
	[sflag:s0] =	ssyncset.done @!p0 $0x0  }
0x4b: {  	[sflag:s0] =	ssyncadd.s32 @!p0 s1  }
0x4c: {  	[bflag:$0x3] =	sbarrier.arrive $0xFFFF  }
0x4d: {  	_ =	shalt  }

</sc_bundles>
